<compile_context>
chip_gen: v7x
topology: tpu7x:2x2x1
jax: 0.10.2.dev20260603
libtpu: 0.0.44.dev20260713+nightly
codegen_flags: <defaults>
</compile_context>

<pallas_src>
import functools
import math

import jax
import jax.numpy as jnp
from jax import lax
from jax.experimental import pallas as pl
from jax.experimental.pallas import tpu as pltpu
from jax.experimental.pallas import tpu_sc as plsc

_EMB = 128
_SCALE = math.sqrt(float(_EMB))
_NC = 2
_NS = 16
_NW = _NC * _NS
_LANES = 16
_P = 2
_D = 5
_HPW = 1


@functools.lru_cache(maxsize=None)
def _emb_call(batch, seq):
    bpw = batch // _NW // _HPW
    nchunk = seq * _HPW
    assert nchunk % _D == 0 and bpw <= 128
    nretire = _D - _P
    mesh = plsc.VectorSubcoreMesh(core_axis_name="c", subcore_axis_name="s")

    @functools.partial(
        pl.kernel,
        mesh=mesh,
        out_type=jax.ShapeDtypeStruct((seq, _NW, _HPW, bpw, _EMB),
                                      jnp.float32),
        scratch_types=[
            pltpu.VMEM((nchunk, bpw), jnp.int32),
            pltpu.VMEM((_D, bpw, _EMB), jnp.float32),
            pltpu.SemaphoreType.DMA,
            pltpu.SemaphoreType.DMA,
        ],
    )
    def body(tok_hbm, table_hbm, out_hbm, idx_v, rows_v, gsem, ssem):
        wid = lax.axis_index("s") * _NC + lax.axis_index("c")
        pltpu.sync_copy(tok_hbm.at[wid], idx_v)

        for jj in range(_P):
            pltpu.async_copy(table_hbm.at[idx_v.at[jj]], rows_v.at[jj], gsem)

        def group(o, carry):
            j0 = o * _D
            for b in range(_D):
                j = j0 + b
                @pl.when(j >= nretire)
                def _():
                    pltpu.make_async_copy(rows_v.at[0], out_hbm.at[0, 0, 0],
                                          ssem).wait()

                @pl.when(j + _P < nchunk)
                def _():
                    pltpu.async_copy(table_hbm.at[idx_v.at[j + _P]],
                                     rows_v.at[(b + _P) % _D], gsem)

                pltpu.make_async_copy(table_hbm.at[idx_v.at[j]], rows_v.at[b],
                                      gsem).wait()

                def scale_rows(r2, c2, b=b):
                    for u in range(2):
                        for c in range(_EMB // _LANES):
                            sl = (b, r2 * 2 + u, pl.ds(c * _LANES, _LANES))
                            rows_v[sl] = rows_v[sl] * _SCALE
                    return c2

                lax.fori_loop(0, bpw // 2, scale_rows, 0)
                pltpu.async_copy(rows_v.at[b],
                                 out_hbm.at[j // _HPW, wid, j % _HPW], ssem)
            return carry

        lax.fori_loop(0, nchunk // _D, group, 0)

        for _jj in range(nretire):
            pltpu.make_async_copy(rows_v.at[0], out_hbm.at[0, 0, 0],
                                  ssem).wait()

    return body


def kernel(tokens, table):
    batch, seq = tokens.shape
    bpw = batch // _NW // _HPW
    assert batch % (_NW * _HPW) == 0
    tok = (tokens.T.reshape(seq, _NW, _HPW, bpw).transpose(1, 0, 2, 3)
           .reshape(_NW, seq * _HPW, bpw).astype(jnp.int32))
    out = _emb_call(batch, seq)(tok, table)
    return out.reshape(seq, batch, _EMB).transpose(1, 0, 2)

# --- scband reference (transcript-rebuilt; emitter-appended) ---
"""Pipeline reference for scband-token-embedding-75728863363151 (READ-ONLY COPY).

The authoritative reference and input builder live on the scoring server;
editing this copy changes nothing except your own understanding.
"""

import math
import jax, jax.numpy as jnp
import numpy as np

VOCAB = 100000
EMB = 128
PAD_IDX = 0

def setup_inputs(seed: int = 0) -> dict:
    key = jax.random.key(seed)
    k_tok, k_tab = jax.random.split(key)
    tokens = jax.random.randint(k_tok, (4096, 50), 0, VOCAB, dtype=jnp.int64 if jax.config.jax_enable_x64 else jnp.int32)
    table = jax.random.normal(k_tab, (VOCAB, EMB), dtype=jnp.float32)
    # nn.Embedding with padding_idx zeroes that row at init
    table = table.at[PAD_IDX].set(0.0)
    return {"tokens": tokens, "table": table}

def reference(tokens, table):
    # TokenEmbedding.forward: embedding(tokens.long()) * sqrt(emb_size)
    emb = jnp.take(table, tokens, axis=0)
    return emb * math.sqrt(EMB)

if __name__ == "__main__":
    import jax
    _d = setup_inputs()
    print(jax.jit(kernel)(*tuple(_d.values())))

</pallas_src>

<mosaic_0001>
#map = affine_map<(d0, d1) -> (0, 0, 0)>
#map1 = affine_map<(d0, d1) -> (0, 0)>
#map2 = affine_map<(d0, d1) -> (0, 0, 0, 0, 0)>
module attributes {stable_mosaic.version = 14 : i64} {
  func.func @body(%arg0: i32, %arg1: i32, %arg2: memref<32x50x128xi32, #tpu.memory_space<hbm>>, %arg3: memref<100000x128xf32, #tpu.memory_space<hbm>>, %arg4: memref<50x32x1x128x128xf32, #tpu.memory_space<hbm>>, %arg5: memref<50x128xi32, #tpu.memory_space<vmem>>, %arg6: memref<5x128x128xf32, #tpu.memory_space<vmem>>, %arg7: memref<!tpu.dma_semaphore, #tpu.memory_space<semaphore_mem>>, %arg8: memref<!tpu.dma_semaphore, #tpu.memory_space<semaphore_mem>>) attributes {dimension_semantics = [#tpu.dimension_semantics<core_parallel>, #tpu.dimension_semantics<subcore_parallel>], iteration_bounds = array<i64: 2, 16>, scalar_prefetch = 0 : i64, scratch_operands = 4 : i64, tpu.core_type = #tpu.core_type<sc_vector_subcore>, window_params = [{transform_indices = #map}, {transform_indices = #map1}, {transform_indices = #map2}]} {
    %mul3A = arith.constant 2 : i32
    %mul3A_0 = arith.muli %arg1, %mul3A : i32
    %add3A = arith.addi %mul3A_0, %arg0 : i32
    "tpu.region"() ({
      %run_scoped3A = tpu.sem_alloc : memref<!tpu.dma_semaphore, #tpu.memory_space<semaphore_mem>>
      %dma_start3A_88 = arith.constant 0 : i32
      %dma_start3A_89 = arith.constant 0 : i32
      %dma_start3A_90 = tpu.memref_slice %arg2[%add3A, %dma_start3A_88, %dma_start3A_89] : memref<32x50x128xi32, #tpu.memory_space<hbm>> -> memref<1x50x128xi32, #tpu.memory_space<hbm>>
      %dma_start3A_91 = tpu.memref_squeeze %dma_start3A_90 : memref<1x50x128xi32, #tpu.memory_space<hbm>> -> memref<50x128xi32, #tpu.memory_space<hbm>>
      %dma_start3A_92 = arith.constant 0 : i32
      %dma_start3A_93 = arith.constant 0 : i32
      %dma_start3A_94 = tpu.memref_slice %arg2[%add3A, %dma_start3A_92, %dma_start3A_93] : memref<32x50x128xi32, #tpu.memory_space<hbm>> -> memref<1x50x128xi32, #tpu.memory_space<hbm>>
      %dma_start3A_95 = tpu.memref_squeeze %dma_start3A_94 : memref<1x50x128xi32, #tpu.memory_space<hbm>> -> memref<50x128xi32, #tpu.memory_space<hbm>>
      tpu.enqueue_dma source(%dma_start3A_95 : memref<50x128xi32, #tpu.memory_space<hbm>>) target(%arg5 : memref<50x128xi32, #tpu.memory_space<vmem>>) target_semaphore(%run_scoped3A : memref<!tpu.dma_semaphore, #tpu.memory_space<semaphore_mem>>)
      %dma_wait3A_96 = arith.constant 0 : i32
      %dma_wait3A_97 = arith.constant 0 : i32
      %dma_wait3A_98 = tpu.memref_slice %arg2[%add3A, %dma_wait3A_96, %dma_wait3A_97] : memref<32x50x128xi32, #tpu.memory_space<hbm>> -> memref<1x50x128xi32, #tpu.memory_space<hbm>>
      %dma_wait3A_99 = tpu.memref_squeeze %dma_wait3A_98 : memref<1x50x128xi32, #tpu.memory_space<hbm>> -> memref<50x128xi32, #tpu.memory_space<hbm>>
      %dma_wait3A_100 = arith.constant 0 : i32
      %dma_wait3A_101 = arith.constant 0 : i32
      %dma_wait3A_102 = tpu.memref_slice %arg2[%add3A, %dma_wait3A_100, %dma_wait3A_101] : memref<32x50x128xi32, #tpu.memory_space<hbm>> -> memref<1x50x128xi32, #tpu.memory_space<hbm>>
      %dma_wait3A_103 = tpu.memref_squeeze %dma_wait3A_102 : memref<1x50x128xi32, #tpu.memory_space<hbm>> -> memref<50x128xi32, #tpu.memory_space<hbm>>
      tpu.wait_dma2 semaphore(%run_scoped3A : memref<!tpu.dma_semaphore, #tpu.memory_space<semaphore_mem>>) src(%dma_wait3A_103 : memref<50x128xi32, #tpu.memory_space<hbm>>) dst(%arg5 : memref<50x128xi32, #tpu.memory_space<vmem>>)
      tpu.yield
    }) : () -> ()
    %dma_start3A = arith.constant 0 : i32
    %dma_start3A_1 = arith.constant 0 : i32
    %dma_start3A_2 = arith.constant 0 : i32
    %dma_start3A_3 = arith.constant 0 : i32
    %dma_start3A_4 = tpu.memref_slice %arg6[%dma_start3A_1, %dma_start3A_2, %dma_start3A_3] : memref<5x128x128xf32, #tpu.memory_space<vmem>> -> memref<1x128x128xf32, #tpu.memory_space<vmem>>
    %dma_start3A_5 = tpu.memref_squeeze %dma_start3A_4 : memref<1x128x128xf32, #tpu.memory_space<vmem>> -> memref<128x128xf32, #tpu.memory_space<vmem>>
    %dma_start3A_6 = arith.constant 0 : i32
    %dma_start3A_7 = tpu.memref_slice %arg5[%dma_start3A, %dma_start3A_6] : memref<50x128xi32, #tpu.memory_space<vmem>> -> memref<1x128xi32, #tpu.memory_space<vmem>>
    %dma_start3A_8 = tpu.memref_squeeze %dma_start3A_7 : memref<1x128xi32, #tpu.memory_space<vmem>> -> memref<128xi32, #tpu.memory_space<vmem>>
    %dma_start3A_9 = arith.constant 0 : i32
    %dma_start3A_10 = arith.constant 0 : i32
    %dma_start3A_11 = tpu.memref_slice %arg3[%dma_start3A_9, %dma_start3A_10] : memref<100000x128xf32, #tpu.memory_space<hbm>> -> memref<100000x128xf32, #tpu.memory_space<hbm>>
    tpu.enqueue_indirect_dma source(%dma_start3A_11 : memref<100000x128xf32, #tpu.memory_space<hbm>>) target(%dma_start3A_5 : memref<128x128xf32, #tpu.memory_space<vmem>>) offsets(%dma_start3A_8 : memref<128xi32, #tpu.memory_space<vmem>>) semaphore(%arg7 : memref<!tpu.dma_semaphore, #tpu.memory_space<semaphore_mem>>)
    %dma_start3A_12 = arith.constant 1 : i32
    %dma_start3A_13 = arith.constant 1 : i32
    %dma_start3A_14 = arith.constant 0 : i32
    %dma_start3A_15 = arith.constant 0 : i32
    %dma_start3A_16 = tpu.memref_slice %arg6[%dma_start3A_13, %dma_start3A_14, %dma_start3A_15] : memref<5x128x128xf32, #tpu.memory_space<vmem>> -> memref<1x128x128xf32, #tpu.memory_space<vmem>>
    %dma_start3A_17 = tpu.memref_squeeze %dma_start3A_16 : memref<1x128x128xf32, #tpu.memory_space<vmem>> -> memref<128x128xf32, #tpu.memory_space<vmem>>
    %dma_start3A_18 = arith.constant 0 : i32
    %dma_start3A_19 = tpu.memref_slice %arg5[%dma_start3A_12, %dma_start3A_18] : memref<50x128xi32, #tpu.memory_space<vmem>> -> memref<1x128xi32, #tpu.memory_space<vmem>>
    %dma_start3A_20 = tpu.memref_squeeze %dma_start3A_19 : memref<1x128xi32, #tpu.memory_space<vmem>> -> memref<128xi32, #tpu.memory_space<vmem>>
    %dma_start3A_21 = arith.constant 0 : i32
    %dma_start3A_22 = arith.constant 0 : i32
    %dma_start3A_23 = tpu.memref_slice %arg3[%dma_start3A_21, %dma_start3A_22] : memref<100000x128xf32, #tpu.memory_space<hbm>> -> memref<100000x128xf32, #tpu.memory_space<hbm>>
    tpu.enqueue_indirect_dma source(%dma_start3A_23 : memref<100000x128xf32, #tpu.memory_space<hbm>>) target(%dma_start3A_17 : memref<128x128xf32, #tpu.memory_space<vmem>>) offsets(%dma_start3A_20 : memref<128xi32, #tpu.memory_space<vmem>>) semaphore(%arg7 : memref<!tpu.dma_semaphore, #tpu.memory_space<semaphore_mem>>)
    %scan3A = arith.constant 0 : i32
    %scan3A_24 = arith.constant 0 : i32
    %scan3A_25 = arith.constant 10 : i32
    %scan3A_26 = arith.addi %scan3A_24, %scan3A_25 : i32
    %scan3A_27 = arith.constant 1 : i32
    scf.for %scan3A_88 = %scan3A_24 to %scan3A_26 step %scan3A_27  : i32 {
      %mul3A_89 = arith.constant 5 : i32
      %mul3A_90 = arith.muli %scan3A_88, %mul3A_89 : i32
      %add3A_91 = arith.constant 0 : i32
      %add3A_92 = arith.addi %mul3A_90, %add3A_91 : i32
      %ge3A = arith.constant 3 : i32
      %ge3A_93 = arith.cmpi sge, %add3A_92, %ge3A : i32
      %convert_element_type3A = arith.extui %ge3A_93 : i1 to i32
      %cond3A = arith.constant 0 : i32
      %cond3A_94 = arith.cmpi ne, %convert_element_type3A, %cond3A : i32
      scf.if %cond3A_94 {
        %dma_wait3A_518 = arith.constant 0 : i32
        %dma_wait3A_519 = arith.constant 0 : i32
        %dma_wait3A_520 = arith.constant 0 : i32
        %dma_wait3A_521 = arith.constant 0 : i32
        %dma_wait3A_522 = arith.constant 0 : i32
        %dma_wait3A_523 = arith.constant 0 : i32
        %dma_wait3A_524 = tpu.memref_slice %arg6[%dma_wait3A_518, %dma_wait3A_522, %dma_wait3A_523] : memref<5x128x128xf32, #tpu.memory_space<vmem>> -> memref<1x128x128xf32, #tpu.memory_space<vmem>>
        %dma_wait3A_525 = tpu.memref_squeeze %dma_wait3A_524 : memref<1x128x128xf32, #tpu.memory_space<vmem>> -> memref<128x128xf32, #tpu.memory_space<vmem>>
        %dma_wait3A_526 = arith.constant 0 : i32
        %dma_wait3A_527 = arith.constant 0 : i32
        %dma_wait3A_528 = tpu.memref_slice %arg4[%dma_wait3A_519, %dma_wait3A_520, %dma_wait3A_521, %dma_wait3A_526, %dma_wait3A_527] : memref<50x32x1x128x128xf32, #tpu.memory_space<hbm>> -> memref<1x1x1x128x128xf32, #tpu.memory_space<hbm>>
        %dma_wait3A_529 = tpu.memref_squeeze %dma_wait3A_528 : memref<1x1x1x128x128xf32, #tpu.memory_space<hbm>> -> memref<128x128xf32, #tpu.memory_space<hbm>>
        %dma_wait3A_530 = arith.constant 0 : i32
        %dma_wait3A_531 = arith.constant 0 : i32
        %dma_wait3A_532 = tpu.memref_slice %arg4[%dma_wait3A_519, %dma_wait3A_520, %dma_wait3A_521, %dma_wait3A_530, %dma_wait3A_531] : memref<50x32x1x128x128xf32, #tpu.memory_space<hbm>> -> memref<1x1x1x128x128xf32, #tpu.memory_space<hbm>>
        %dma_wait3A_533 = tpu.memref_squeeze %dma_wait3A_532 : memref<1x1x1x128x128xf32, #tpu.memory_space<hbm>> -> memref<128x128xf32, #tpu.memory_space<hbm>>
        %dma_wait3A_534 = arith.constant 0 : i32
        %dma_wait3A_535 = arith.constant 0 : i32
        %dma_wait3A_536 = tpu.memref_slice %arg6[%dma_wait3A_518, %dma_wait3A_534, %dma_wait3A_535] : memref<5x128x128xf32, #tpu.memory_space<vmem>> -> memref<1x128x128xf32, #tpu.memory_space<vmem>>
        %dma_wait3A_537 = tpu.memref_squeeze %dma_wait3A_536 : memref<1x128x128xf32, #tpu.memory_space<vmem>> -> memref<128x128xf32, #tpu.memory_space<vmem>>
        tpu.wait_dma2 semaphore(%arg8 : memref<!tpu.dma_semaphore, #tpu.memory_space<semaphore_mem>>) src(%dma_wait3A_537 : memref<128x128xf32, #tpu.memory_space<vmem>>) dst(%dma_wait3A_533 : memref<128x128xf32, #tpu.memory_space<hbm>>)
      } else {
      }
      %add3A_95 = arith.constant 2 : i32
      %add3A_96 = arith.addi %add3A_92, %add3A_95 : i32
      %lt3A = arith.constant 50 : i32
      %lt3A_97 = arith.cmpi slt, %add3A_96, %lt3A : i32
      %convert_element_type3A_98 = arith.extui %lt3A_97 : i1 to i32
      %cond3A_99 = arith.constant 0 : i32
      %cond3A_100 = arith.cmpi ne, %convert_element_type3A_98, %cond3A_99 : i32
      scf.if %cond3A_100 {
        %add3A_518 = arith.constant 2 : i32
        %add3A_519 = arith.addi %add3A_92, %add3A_518 : i32
        %dma_start3A_520 = arith.constant 2 : i32
        %dma_start3A_521 = arith.constant 0 : i32
        %dma_start3A_522 = arith.constant 0 : i32
        %dma_start3A_523 = tpu.memref_slice %arg6[%dma_start3A_520, %dma_start3A_521, %dma_start3A_522] : memref<5x128x128xf32, #tpu.memory_space<vmem>> -> memref<1x128x128xf32, #tpu.memory_space<vmem>>
        %dma_start3A_524 = tpu.memref_squeeze %dma_start3A_523 : memref<1x128x128xf32, #tpu.memory_space<vmem>> -> memref<128x128xf32, #tpu.memory_space<vmem>>
        %dma_start3A_525 = arith.constant 0 : i32
        %dma_start3A_526 = tpu.memref_slice %arg5[%add3A_519, %dma_start3A_525] : memref<50x128xi32, #tpu.memory_space<vmem>> -> memref<1x128xi32, #tpu.memory_space<vmem>>
        %dma_start3A_527 = tpu.memref_squeeze %dma_start3A_526 : memref<1x128xi32, #tpu.memory_space<vmem>> -> memref<128xi32, #tpu.memory_space<vmem>>
        %dma_start3A_528 = arith.constant 0 : i32
        %dma_start3A_529 = arith.constant 0 : i32
        %dma_start3A_530 = tpu.memref_slice %arg3[%dma_start3A_528, %dma_start3A_529] : memref<100000x128xf32, #tpu.memory_space<hbm>> -> memref<100000x128xf32, #tpu.memory_space<hbm>>
        tpu.enqueue_indirect_dma source(%dma_start3A_530 : memref<100000x128xf32, #tpu.memory_space<hbm>>) target(%dma_start3A_524 : memref<128x128xf32, #tpu.memory_space<vmem>>) offsets(%dma_start3A_527 : memref<128xi32, #tpu.memory_space<vmem>>) semaphore(%arg7 : memref<!tpu.dma_semaphore, #tpu.memory_space<semaphore_mem>>)
      } else {
      }
      %dma_wait3A_101 = arith.constant 0 : i32
      %dma_wait3A_102 = arith.constant 0 : i32
      %dma_wait3A_103 = arith.constant 0 : i32
      %dma_wait3A_104 = tpu.memref_slice %arg6[%dma_wait3A_101, %dma_wait3A_102, %dma_wait3A_103] : memref<5x128x128xf32, #tpu.memory_space<vmem>> -> memref<1x128x128xf32, #tpu.memory_space<vmem>>
      %dma_wait3A_105 = tpu.memref_squeeze %dma_wait3A_104 : memref<1x128x128xf32, #tpu.memory_space<vmem>> -> memref<128x128xf32, #tpu.memory_space<vmem>>
      %dma_wait3A_106 = arith.constant 0 : i32
      %dma_wait3A_107 = tpu.memref_slice %arg5[%add3A_92, %dma_wait3A_106] : memref<50x128xi32, #tpu.memory_space<vmem>> -> memref<1x128xi32, #tpu.memory_space<vmem>>
      %dma_wait3A_108 = tpu.memref_squeeze %dma_wait3A_107 : memref<1x128xi32, #tpu.memory_space<vmem>> -> memref<128xi32, #tpu.memory_space<vmem>>
      %dma_wait3A_109 = arith.constant 0 : i32
      %dma_wait3A_110 = arith.constant 0 : i32
      %dma_wait3A_111 = tpu.memref_slice %arg3[%dma_wait3A_109, %dma_wait3A_110] : memref<100000x128xf32, #tpu.memory_space<hbm>> -> memref<100000x128xf32, #tpu.memory_space<hbm>>
      tpu.wait_indirect_dma semaphore(%arg7 : memref<!tpu.dma_semaphore, #tpu.memory_space<semaphore_mem>>) src(%dma_wait3A_111 : memref<100000x128xf32, #tpu.memory_space<hbm>>) dst(%dma_wait3A_105 : memref<128x128xf32, #tpu.memory_space<vmem>>)
      %scan3A_112 = arith.constant 0 : i32
      %scan3A_113 = arith.constant 0 : i32
      %scan3A_114 = arith.constant 64 : i32
      %scan3A_115 = arith.addi %scan3A_113, %scan3A_114 : i32
      %scan3A_116 = arith.constant 1 : i32
      scf.for %scan3A_518 = %scan3A_113 to %scan3A_115 step %scan3A_116  : i32 {
        %mul3A_519 = arith.constant 2 : i32
        %mul3A_520 = arith.muli %scan3A_518, %mul3A_519 : i32
        %add3A_521 = arith.constant 0 : i32
        %add3A_522 = arith.addi %mul3A_520, %add3A_521 : i32
        %get3A = arith.constant 0 : i32
        %get3A_523 = arith.index_cast %get3A : i32 to index
        %get3A_524 = arith.index_cast %add3A_522 : i32 to index
        %get3A_525 = arith.constant 0 : index
        %get3A_526 = tpu.vector_load %arg6[%get3A_523, %get3A_524, %get3A_525] {strides = array<i32>} : memref<5x128x128xf32, #tpu.memory_space<vmem>>, vector<1x1x16xf32>,
        %get3A_527 = vector.shape_cast %get3A_526 : vector<1x1x16xf32> to vector<16xf32>
        %mul3A_528 = arith.constant 11.3137083 : f32
        %mul3A_529 = vector.broadcast %mul3A_528 : f32 to vector<16xf32>
        %mul3A_530 = arith.mulf %get3A_527, %mul3A_529 : vector<16xf32>
        %swap3A = arith.constant 0 : i32
        %swap3A_531 = arith.index_cast %swap3A : i32 to index
        %swap3A_532 = arith.index_cast %add3A_522 : i32 to index
        %swap3A_533 = arith.constant 0 : index
        %swap3A_534 = tpu.vector_load %arg6[%swap3A_531, %swap3A_532, %swap3A_533] {strides = array<i32>} : memref<5x128x128xf32, #tpu.memory_space<vmem>>, vector<1x1x16xf32>,
        %swap3A_535 = vector.shape_cast %swap3A_534 : vector<1x1x16xf32> to vector<16xf32>
        %swap3A_536 = vector.shape_cast %mul3A_530 : vector<16xf32> to vector<1x1x16xf32>
        tpu.vector_store %arg6[%swap3A_531, %swap3A_532, %swap3A_533], %swap3A_536 {strides = array<i32>} : memref<5x128x128xf32, #tpu.memory_space<vmem>>, vector<1x1x16xf32>,
        %mul3A_537 = arith.constant 2 : i32
        %mul3A_538 = arith.muli %scan3A_518, %mul3A_537 : i32
        %add3A_539 = arith.constant 0 : i32
        %add3A_540 = arith.addi %mul3A_538, %add3A_539 : i32
        %get3A_541 = arith.constant 0 : i32
        %get3A_542 = arith.index_cast %get3A_541 : i32 to index
        %get3A_543 = arith.index_cast %add3A_540 : i32 to index
        %get3A_544 = arith.constant 16 : index
        %get3A_545 = tpu.vector_load %arg6[%get3A_542, %get3A_543, %get3A_544] {strides = array<i32>} : memref<5x128x128xf32, #tpu.memory_space<vmem>>, vector<1x1x16xf32>,
        %get3A_546 = vector.shape_cast %get3A_545 : vector<1x1x16xf32> to vector<16xf32>
        %mul3A_547 = arith.constant 11.3137083 : f32
        %mul3A_548 = vector.broadcast %mul3A_547 : f32 to vector<16xf32>
        %mul3A_549 = arith.mulf %get3A_546, %mul3A_548 : vector<16xf32>
        %swap3A_550 = arith.constant 0 : i32
        %swap3A_551 = arith.index_cast %swap3A_550 : i32 to index
        %swap3A_552 = arith.index_cast %add3A_540 : i32 to index
        %swap3A_553 = arith.constant 16 : index
        %swap3A_554 = tpu.vector_load %arg6[%swap3A_551, %swap3A_552, %swap3A_553] {strides = array<i32>} : memref<5x128x128xf32, #tpu.memory_space<vmem>>, vector<1x1x16xf32>,
        %swap3A_555 = vector.shape_cast %swap3A_554 : vector<1x1x16xf32> to vector<16xf32>
        %swap3A_556 = vector.shape_cast %mul3A_549 : vector<16xf32> to vector<1x1x16xf32>
        tpu.vector_store %arg6[%swap3A_551, %swap3A_552, %swap3A_553], %swap3A_556 {strides = array<i32>} : memref<5x128x128xf32, #tpu.memory_space<vmem>>, vector<1x1x16xf32>,
        %mul3A_557 = arith.constant 2 : i32
        %mul3A_558 = arith.muli %scan3A_518, %mul3A_557 : i32
        %add3A_559 = arith.constant 0 : i32
        %add3A_560 = arith.addi %mul3A_558, %add3A_559 : i32
        %get3A_561 = arith.constant 0 : i32
        %get3A_562 = arith.index_cast %get3A_561 : i32 to index
        %get3A_563 = arith.index_cast %add3A_560 : i32 to index
        %get3A_564 = arith.constant 32 : index
        %get3A_565 = tpu.vector_load %arg6[%get3A_562, %get3A_563, %get3A_564] {strides = array<i32>} : memref<5x128x128xf32, #tpu.memory_space<vmem>>, vector<1x1x16xf32>,
        %get3A_566 = vector.shape_cast %get3A_565 : vector<1x1x16xf32> to vector<16xf32>
        %mul3A_567 = arith.constant 11.3137083 : f32
        %mul3A_568 = vector.broadcast %mul3A_567 : f32 to vector<16xf32>
        %mul3A_569 = arith.mulf %get3A_566, %mul3A_568 : vector<16xf32>
        %swap3A_570 = arith.constant 0 : i32
        %swap3A_571 = arith.index_cast %swap3A_570 : i32 to index
        %swap3A_572 = arith.index_cast %add3A_560 : i32 to index
        %swap3A_573 = arith.constant 32 : index
        %swap3A_574 = tpu.vector_load %arg6[%swap3A_571, %swap3A_572, %swap3A_573] {strides = array<i32>} : memref<5x128x128xf32, #tpu.memory_space<vmem>>, vector<1x1x16xf32>,
        %swap3A_575 = vector.shape_cast %swap3A_574 : vector<1x1x16xf32> to vector<16xf32>
        %swap3A_576 = vector.shape_cast %mul3A_569 : vector<16xf32> to vector<1x1x16xf32>
        tpu.vector_store %arg6[%swap3A_571, %swap3A_572, %swap3A_573], %swap3A_576 {strides = array<i32>} : memref<5x128x128xf32, #tpu.memory_space<vmem>>, vector<1x1x16xf32>,
        %mul3A_577 = arith.constant 2 : i32
        %mul3A_578 = arith.muli %scan3A_518, %mul3A_577 : i32
        %add3A_579 = arith.constant 0 : i32
        %add3A_580 = arith.addi %mul3A_578, %add3A_579 : i32
        %get3A_581 = arith.constant 0 : i32
        %get3A_582 = arith.index_cast %get3A_581 : i32 to index
        %get3A_583 = arith.index_cast %add3A_580 : i32 to index
        %get3A_584 = arith.constant 48 : index
        %get3A_585 = tpu.vector_load %arg6[%get3A_582, %get3A_583, %get3A_584] {strides = array<i32>} : memref<5x128x128xf32, #tpu.memory_space<vmem>>, vector<1x1x16xf32>,
        %get3A_586 = vector.shape_cast %get3A_585 : vector<1x1x16xf32> to vector<16xf32>
        %mul3A_587 = arith.constant 11.3137083 : f32
        %mul3A_588 = vector.broadcast %mul3A_587 : f32 to vector<16xf32>
        %mul3A_589 = arith.mulf %get3A_586, %mul3A_588 : vector<16xf32>
        %swap3A_590 = arith.constant 0 : i32
        %swap3A_591 = arith.index_cast %swap3A_590 : i32 to index
        %swap3A_592 = arith.index_cast %add3A_580 : i32 to index
        %swap3A_593 = arith.constant 48 : index
        %swap3A_594 = tpu.vector_load %arg6[%swap3A_591, %swap3A_592, %swap3A_593] {strides = array<i32>} : memref<5x128x128xf32, #tpu.memory_space<vmem>>, vector<1x1x16xf32>,
        %swap3A_595 = vector.shape_cast %swap3A_594 : vector<1x1x16xf32> to vector<16xf32>
        %swap3A_596 = vector.shape_cast %mul3A_589 : vector<16xf32> to vector<1x1x16xf32>
        tpu.vector_store %arg6[%swap3A_591, %swap3A_592, %swap3A_593], %swap3A_596 {strides = array<i32>} : memref<5x128x128xf32, #tpu.memory_space<vmem>>, vector<1x1x16xf32>,
        %mul3A_597 = arith.constant 2 : i32
        %mul3A_598 = arith.muli %scan3A_518, %mul3A_597 : i32
        %add3A_599 = arith.constant 0 : i32
        %add3A_600 = arith.addi %mul3A_598, %add3A_599 : i32
        %get3A_601 = arith.constant 0 : i32
        %get3A_602 = arith.index_cast %get3A_601 : i32 to index
        %get3A_603 = arith.index_cast %add3A_600 : i32 to index
        %get3A_604 = arith.constant 64 : index
        %get3A_605 = tpu.vector_load %arg6[%get3A_602, %get3A_603, %get3A_604] {strides = array<i32>} : memref<5x128x128xf32, #tpu.memory_space<vmem>>, vector<1x1x16xf32>,
        %get3A_606 = vector.shape_cast %get3A_605 : vector<1x1x16xf32> to vector<16xf32>
        %mul3A_607 = arith.constant 11.3137083 : f32
        %mul3A_608 = vector.broadcast %mul3A_607 : f32 to vector<16xf32>
        %mul3A_609 = arith.mulf %get3A_606, %mul3A_608 : vector<16xf32>
        %swap3A_610 = arith.constant 0 : i32
        %swap3A_611 = arith.index_cast %swap3A_610 : i32 to index
        %swap3A_612 = arith.index_cast %add3A_600 : i32 to index
        %swap3A_613 = arith.constant 64 : index
        %swap3A_614 = tpu.vector_load %arg6[%swap3A_611, %swap3A_612, %swap3A_613] {strides = array<i32>} : memref<5x128x128xf32, #tpu.memory_space<vmem>>, vector<1x1x16xf32>,
        %swap3A_615 = vector.shape_cast %swap3A_614 : vector<1x1x16xf32> to vector<16xf32>
        %swap3A_616 = vector.shape_cast %mul3A_609 : vector<16xf32> to vector<1x1x16xf32>
        tpu.vector_store %arg6[%swap3A_611, %swap3A_612, %swap3A_613], %swap3A_616 {strides = array<i32>} : memref<5x128x128xf32, #tpu.memory_space<vmem>>, vector<1x1x16xf32>,
        %mul3A_617 = arith.constant 2 : i32
        %mul3A_618 = arith.muli %scan3A_518, %mul3A_617 : i32
        %add3A_619 = arith.constant 0 : i32
        %add3A_620 = arith.addi %mul3A_618, %add3A_619 : i32
        %get3A_621 = arith.constant 0 : i32
        %get3A_622 = arith.index_cast %get3A_621 : i32 to index
        %get3A_623 = arith.index_cast %add3A_620 : i32 to index
        %get3A_624 = arith.constant 80 : index
        %get3A_625 = tpu.vector_load %arg6[%get3A_622, %get3A_623, %get3A_624] {strides = array<i32>} : memref<5x128x128xf32, #tpu.memory_space<vmem>>, vector<1x1x16xf32>,
        %get3A_626 = vector.shape_cast %get3A_625 : vector<1x1x16xf32> to vector<16xf32>
        %mul3A_627 = arith.constant 11.3137083 : f32
        %mul3A_628 = vector.broadcast %mul3A_627 : f32 to vector<16xf32>
        %mul3A_629 = arith.mulf %get3A_626, %mul3A_628 : vector<16xf32>
        %swap3A_630 = arith.constant 0 : i32
        %swap3A_631 = arith.index_cast %swap3A_630 : i32 to index
        %swap3A_632 = arith.index_cast %add3A_620 : i32 to index
        %swap3A_633 = arith.constant 80 : index
        %swap3A_634 = tpu.vector_load %arg6[%swap3A_631, %swap3A_632, %swap3A_633] {strides = array<i32>} : memref<5x128x128xf32, #tpu.memory_space<vmem>>, vector<1x1x16xf32>,
        %swap3A_635 = vector.shape_cast %swap3A_634 : vector<1x1x16xf32> to vector<16xf32>
        %swap3A_636 = vector.shape_cast %mul3A_629 : vector<16xf32> to vector<1x1x16xf32>
        tpu.vector_store %arg6[%swap3A_631, %swap3A_632, %swap3A_633], %swap3A_636 {strides = array<i32>} : memref<5x128x128xf32, #tpu.memory_space<vmem>>, vector<1x1x16xf32>,
        %mul3A_637 = arith.constant 2 : i32
        %mul3A_638 = arith.muli %scan3A_518, %mul3A_637 : i32
        %add3A_639 = arith.constant 0 : i32
        %add3A_640 = arith.addi %mul3A_638, %add3A_639 : i32
        %get3A_641 = arith.constant 0 : i32
        %get3A_642 = arith.index_cast %get3A_641 : i32 to index
        %get3A_643 = arith.index_cast %add3A_640 : i32 to index
        %get3A_644 = arith.constant 96 : index
        %get3A_645 = tpu.vector_load %arg6[%get3A_642, %get3A_643, %get3A_644] {strides = array<i32>} : memref<5x128x128xf32, #tpu.memory_space<vmem>>, vector<1x1x16xf32>,
        %get3A_646 = vector.shape_cast %get3A_645 : vector<1x1x16xf32> to vector<16xf32>
        %mul3A_647 = arith.constant 11.3137083 : f32
        %mul3A_648 = vector.broadcast %mul3A_647 : f32 to vector<16xf32>
        %mul3A_649 = arith.mulf %get3A_646, %mul3A_648 : vector<16xf32>
        %swap3A_650 = arith.constant 0 : i32
        %swap3A_651 = arith.index_cast %swap3A_650 : i32 to index
        %swap3A_652 = arith.index_cast %add3A_640 : i32 to index
        %swap3A_653 = arith.constant 96 : index
        %swap3A_654 = tpu.vector_load %arg6[%swap3A_651, %swap3A_652, %swap3A_653] {strides = array<i32>} : memref<5x128x128xf32, #tpu.memory_space<vmem>>, vector<1x1x16xf32>,
        %swap3A_655 = vector.shape_cast %swap3A_654 : vector<1x1x16xf32> to vector<16xf32>
        %swap3A_656 = vector.shape_cast %mul3A_649 : vector<16xf32> to vector<1x1x16xf32>
        tpu.vector_store %arg6[%swap3A_651, %swap3A_652, %swap3A_653], %swap3A_656 {strides = array<i32>} : memref<5x128x128xf32, #tpu.memory_space<vmem>>, vector<1x1x16xf32>,
        %mul3A_657 = arith.constant 2 : i32
        %mul3A_658 = arith.muli %scan3A_518, %mul3A_657 : i32
        %add3A_659 = arith.constant 0 : i32
        %add3A_660 = arith.addi %mul3A_658, %add3A_659 : i32
        %get3A_661 = arith.constant 0 : i32
        %get3A_662 = arith.index_cast %get3A_661 : i32 to index
        %get3A_663 = arith.index_cast %add3A_660 : i32 to index
        %get3A_664 = arith.constant 112 : index
        %get3A_665 = tpu.vector_load %arg6[%get3A_662, %get3A_663, %get3A_664] {strides = array<i32>} : memref<5x128x128xf32, #tpu.memory_space<vmem>>, vector<1x1x16xf32>,
        %get3A_666 = vector.shape_cast %get3A_665 : vector<1x1x16xf32> to vector<16xf32>
        %mul3A_667 = arith.constant 11.3137083 : f32
        %mul3A_668 = vector.broadcast %mul3A_667 : f32 to vector<16xf32>
        %mul3A_669 = arith.mulf %get3A_666, %mul3A_668 : vector<16xf32>
        %swap3A_670 = arith.constant 0 : i32
        %swap3A_671 = arith.index_cast %swap3A_670 : i32 to index
        %swap3A_672 = arith.index_cast %add3A_660 : i32 to index
        %swap3A_673 = arith.constant 112 : index
        %swap3A_674 = tpu.vector_load %arg6[%swap3A_671, %swap3A_672, %swap3A_673] {strides = array<i32>} : memref<5x128x128xf32, #tpu.memory_space<vmem>>, vector<1x1x16xf32>,
        %swap3A_675 = vector.shape_cast %swap3A_674 : vector<1x1x16xf32> to vector<16xf32>
        %swap3A_676 = vector.shape_cast %mul3A_669 : vector<16xf32> to vector<1x1x16xf32>
        tpu.vector_store %arg6[%swap3A_671, %swap3A_672, %swap3A_673], %swap3A_676 {strides = array<i32>} : memref<5x128x128xf32, #tpu.memory_space<vmem>>, vector<1x1x16xf32>,
        %mul3A_677 = arith.constant 2 : i32
        %mul3A_678 = arith.muli %scan3A_518, %mul3A_677 : i32
        %add3A_679 = arith.constant 1 : i32
        %add3A_680 = arith.addi %mul3A_678, %add3A_679 : i32
        %get3A_681 = arith.constant 0 : i32
        %get3A_682 = arith.index_cast %get3A_681 : i32 to index
        %get3A_683 = arith.index_cast %add3A_680 : i32 to index
        %get3A_684 = arith.constant 0 : index
        %get3A_685 = tpu.vector_load %arg6[%get3A_682, %get3A_683, %get3A_684] {strides = array<i32>} : memref<5x128x128xf32, #tpu.memory_space<vmem>>, vector<1x1x16xf32>,
        %get3A_686 = vector.shape_cast %get3A_685 : vector<1x1x16xf32> to vector<16xf32>
        %mul3A_687 = arith.constant 11.3137083 : f32
        %mul3A_688 = vector.broadcast %mul3A_687 : f32 to vector<16xf32>
        %mul3A_689 = arith.mulf %get3A_686, %mul3A_688 : vector<16xf32>
        %swap3A_690 = arith.constant 0 : i32
        %swap3A_691 = arith.index_cast %swap3A_690 : i32 to index
        %swap3A_692 = arith.index_cast %add3A_680 : i32 to index
        %swap3A_693 = arith.constant 0 : index
        %swap3A_694 = tpu.vector_load %arg6[%swap3A_691, %swap3A_692, %swap3A_693] {strides = array<i32>} : memref<5x128x128xf32, #tpu.memory_space<vmem>>, vector<1x1x16xf32>,
        %swap3A_695 = vector.shape_cast %swap3A_694 : vector<1x1x16xf32> to vector<16xf32>
        %swap3A_696 = vector.shape_cast %mul3A_689 : vector<16xf32> to vector<1x1x16xf32>
        tpu.vector_store %arg6[%swap3A_691, %swap3A_692, %swap3A_693], %swap3A_696 {strides = array<i32>} : memref<5x128x128xf32, #tpu.memory_space<vmem>>, vector<1x1x16xf32>,
        %mul3A_697 = arith.constant 2 : i32
        %mul3A_698 = arith.muli %scan3A_518, %mul3A_697 : i32
        %add3A_699 = arith.constant 1 : i32
        %add3A_700 = arith.addi %mul3A_698, %add3A_699 : i32
        %get3A_701 = arith.constant 0 : i32
        %get3A_702 = arith.index_cast %get3A_701 : i32 to index
        %get3A_703 = arith.index_cast %add3A_700 : i32 to index
        %get3A_704 = arith.constant 16 : index
        %get3A_705 = tpu.vector_load %arg6[%get3A_702, %get3A_703, %get3A_704] {strides = array<i32>} : memref<5x128x128xf32, #tpu.memory_space<vmem>>, vector<1x1x16xf32>,
        %get3A_706 = vector.shape_cast %get3A_705 : vector<1x1x16xf32> to vector<16xf32>
        %mul3A_707 = arith.constant 11.3137083 : f32
        %mul3A_708 = vector.broadcast %mul3A_707 : f32 to vector<16xf32>
        %mul3A_709 = arith.mulf %get3A_706, %mul3A_708 : vector<16xf32>
        %swap3A_710 = arith.constant 0 : i32
        %swap3A_711 = arith.index_cast %swap3A_710 : i32 to index
        %swap3A_712 = arith.index_cast %add3A_700 : i32 to index
        %swap3A_713 = arith.constant 16 : index
        %swap3A_714 = tpu.vector_load %arg6[%swap3A_711, %swap3A_712, %swap3A_713] {strides = array<i32>} : memref<5x128x128xf32, #tpu.memory_space<vmem>>, vector<1x1x16xf32>,
        %swap3A_715 = vector.shape_cast %swap3A_714 : vector<1x1x16xf32> to vector<16xf32>
        %swap3A_716 = vector.shape_cast %mul3A_709 : vector<16xf32> to vector<1x1x16xf32>
        tpu.vector_store %arg6[%swap3A_711, %swap3A_712, %swap3A_713], %swap3A_716 {strides = array<i32>} : memref<5x128x128xf32, #tpu.memory_space<vmem>>, vector<1x1x16xf32>,
        %mul3A_717 = arith.constant 2 : i32
        %mul3A_718 = arith.muli %scan3A_518, %mul3A_717 : i32
        %add3A_719 = arith.constant 1 : i32
        %add3A_720 = arith.addi %mul3A_718, %add3A_719 : i32
        %get3A_721 = arith.constant 0 : i32
        %get3A_722 = arith.index_cast %get3A_721 : i32 to index
        %get3A_723 = arith.index_cast %add3A_720 : i32 to index
        %get3A_724 = arith.constant 32 : index
        %get3A_725 = tpu.vector_load %arg6[%get3A_722, %get3A_723, %get3A_724] {strides = array<i32>} : memref<5x128x128xf32, #tpu.memory_space<vmem>>, vector<1x1x16xf32>,
        %get3A_726 = vector.shape_cast %get3A_725 : vector<1x1x16xf32> to vector<16xf32>
        %mul3A_727 = arith.constant 11.3137083 : f32
        %mul3A_728 = vector.broadcast %mul3A_727 : f32 to vector<16xf32>
        %mul3A_729 = arith.mulf %get3A_726, %mul3A_728 : vector<16xf32>
        %swap3A_730 = arith.constant 0 : i32
        %swap3A_731 = arith.index_cast %swap3A_730 : i32 to index
        %swap3A_732 = arith.index_cast %add3A_720 : i32 to index
        %swap3A_733 = arith.constant 32 : index
        %swap3A_734 = tpu.vector_load %arg6[%swap3A_731, %swap3A_732, %swap3A_733] {strides = array<i32>} : memref<5x128x128xf32, #tpu.memory_space<vmem>>, vector<1x1x16xf32>,
        %swap3A_735 = vector.shape_cast %swap3A_734 : vector<1x1x16xf32> to vector<16xf32>
        %swap3A_736 = vector.shape_cast %mul3A_729 : vector<16xf32> to vector<1x1x16xf32>
        tpu.vector_store %arg6[%swap3A_731, %swap3A_732, %swap3A_733], %swap3A_736 {strides = array<i32>} : memref<5x128x128xf32, #tpu.memory_space<vmem>>, vector<1x1x16xf32>,
        %mul3A_737 = arith.constant 2 : i32
        %mul3A_738 = arith.muli %scan3A_518, %mul3A_737 : i32
        %add3A_739 = arith.constant 1 : i32
        %add3A_740 = arith.addi %mul3A_738, %add3A_739 : i32
        %get3A_741 = arith.constant 0 : i32
        %get3A_742 = arith.index_cast %get3A_741 : i32 to index
        %get3A_743 = arith.index_cast %add3A_740 : i32 to index
        %get3A_744 = arith.constant 48 : index
        %get3A_745 = tpu.vector_load %arg6[%get3A_742, %get3A_743, %get3A_744] {strides = array<i32>} : memref<5x128x128xf32, #tpu.memory_space<vmem>>, vector<1x1x16xf32>,
        %get3A_746 = vector.shape_cast %get3A_745 : vector<1x1x16xf32> to vector<16xf32>
        %mul3A_747 = arith.constant 11.3137083 : f32
        %mul3A_748 = vector.broadcast %mul3A_747 : f32 to vector<16xf32>
        %mul3A_749 = arith.mulf %get3A_746, %mul3A_748 : vector<16xf32>
        %swap3A_750 = arith.constant 0 : i32
        %swap3A_751 = arith.index_cast %swap3A_750 : i32 to index
        %swap3A_752 = arith.index_cast %add3A_740 : i32 to index
        %swap3A_753 = arith.constant 48 : index
        %swap3A_754 = tpu.vector_load %arg6[%swap3A_751, %swap3A_752, %swap3A_753] {strides = array<i32>} : memref<5x128x128xf32, #tpu.memory_space<vmem>>, vector<1x1x16xf32>,
        %swap3A_755 = vector.shape_cast %swap3A_754 : vector<1x1x16xf32> to vector<16xf32>
        %swap3A_756 = vector.shape_cast %mul3A_749 : vector<16xf32> to vector<1x1x16xf32>
        tpu.vector_store %arg6[%swap3A_751, %swap3A_752, %swap3A_753], %swap3A_756 {strides = array<i32>} : memref<5x128x128xf32, #tpu.memory_space<vmem>>, vector<1x1x16xf32>,
        %mul3A_757 = arith.constant 2 : i32
        %mul3A_758 = arith.muli %scan3A_518, %mul3A_757 : i32
        %add3A_759 = arith.constant 1 : i32
        %add3A_760 = arith.addi %mul3A_758, %add3A_759 : i32
        %get3A_761 = arith.constant 0 : i32
        %get3A_762 = arith.index_cast %get3A_761 : i32 to index
        %get3A_763 = arith.index_cast %add3A_760 : i32 to index
        %get3A_764 = arith.constant 64 : index
        %get3A_765 = tpu.vector_load %arg6[%get3A_762, %get3A_763, %get3A_764] {strides = array<i32>} : memref<5x128x128xf32, #tpu.memory_space<vmem>>, vector<1x1x16xf32>,
        %get3A_766 = vector.shape_cast %get3A_765 : vector<1x1x16xf32> to vector<16xf32>
        %mul3A_767 = arith.constant 11.3137083 : f32
        %mul3A_768 = vector.broadcast %mul3A_767 : f32 to vector<16xf32>
        %mul3A_769 = arith.mulf %get3A_766, %mul3A_768 : vector<16xf32>
        %swap3A_770 = arith.constant 0 : i32
        %swap3A_771 = arith.index_cast %swap3A_770 : i32 to index
        %swap3A_772 = arith.index_cast %add3A_760 : i32 to index
        %swap3A_773 = arith.constant 64 : index
        %swap3A_774 = tpu.vector_load %arg6[%swap3A_771, %swap3A_772, %swap3A_773] {strides = array<i32>} : memref<5x128x128xf32, #tpu.memory_space<vmem>>, vector<1x1x16xf32>,
        %swap3A_775 = vector.shape_cast %swap3A_774 : vector<1x1x16xf32> to vector<16xf32>
        %swap3A_776 = vector.shape_cast %mul3A_769 : vector<16xf32> to vector<1x1x16xf32>
        tpu.vector_store %arg6[%swap3A_771, %swap3A_772, %swap3A_773], %swap3A_776 {strides = array<i32>} : memref<5x128x128xf32, #tpu.memory_space<vmem>>, vector<1x1x16xf32>,
        %mul3A_777 = arith.constant 2 : i32
        %mul3A_778 = arith.muli %scan3A_518, %mul3A_777 : i32
        %add3A_779 = arith.constant 1 : i32
        %add3A_780 = arith.addi %mul3A_778, %add3A_779 : i32
        %get3A_781 = arith.constant 0 : i32
        %get3A_782 = arith.index_cast %get3A_781 : i32 to index
        %get3A_783 = arith.index_cast %add3A_780 : i32 to index
        %get3A_784 = arith.constant 80 : index
        %get3A_785 = tpu.vector_load %arg6[%get3A_782, %get3A_783, %get3A_784] {strides = array<i32>} : memref<5x128x128xf32, #tpu.memory_space<vmem>>, vector<1x1x16xf32>,
        %get3A_786 = vector.shape_cast %get3A_785 : vector<1x1x16xf32> to vector<16xf32>
        %mul3A_787 = arith.constant 11.3137083 : f32
        %mul3A_788 = vector.broadcast %mul3A_787 : f32 to vector<16xf32>
        %mul3A_789 = arith.mulf %get3A_786, %mul3A_788 : vector<16xf32>
        %swap3A_790 = arith.constant 0 : i32
        %swap3A_791 = arith.index_cast %swap3A_790 : i32 to index
        %swap3A_792 = arith.index_cast %add3A_780 : i32 to index
        %swap3A_793 = arith.constant 80 : index
        %swap3A_794 = tpu.vector_load %arg6[%swap3A_791, %swap3A_792, %swap3A_793] {strides = array<i32>} : memref<5x128x128xf32, #tpu.memory_space<vmem>>, vector<1x1x16xf32>,
        %swap3A_795 = vector.shape_cast %swap3A_794 : vector<1x1x16xf32> to vector<16xf32>
        %swap3A_796 = vector.shape_cast %mul3A_789 : vector<16xf32> to vector<1x1x16xf32>
        tpu.vector_store %arg6[%swap3A_791, %swap3A_792, %swap3A_793], %swap3A_796 {strides = array<i32>} : memref<5x128x128xf32, #tpu.memory_space<vmem>>, vector<1x1x16xf32>,
        %mul3A_797 = arith.constant 2 : i32
        %mul3A_798 = arith.muli %scan3A_518, %mul3A_797 : i32
        %add3A_799 = arith.constant 1 : i32
        %add3A_800 = arith.addi %mul3A_798, %add3A_799 : i32
        %get3A_801 = arith.constant 0 : i32
        %get3A_802 = arith.index_cast %get3A_801 : i32 to index
        %get3A_803 = arith.index_cast %add3A_800 : i32 to index
        %get3A_804 = arith.constant 96 : index
        %get3A_805 = tpu.vector_load %arg6[%get3A_802, %get3A_803, %get3A_804] {strides = array<i32>} : memref<5x128x128xf32, #tpu.memory_space<vmem>>, vector<1x1x16xf32>,
        %get3A_806 = vector.shape_cast %get3A_805 : vector<1x1x16xf32> to vector<16xf32>
        %mul3A_807 = arith.constant 11.3137083 : f32
        %mul3A_808 = vector.broadcast %mul3A_807 : f32 to vector<16xf32>
        %mul3A_809 = arith.mulf %get3A_806, %mul3A_808 : vector<16xf32>
        %swap3A_810 = arith.constant 0 : i32
        %swap3A_811 = arith.index_cast %swap3A_810 : i32 to index
        %swap3A_812 = arith.index_cast %add3A_800 : i32 to index
        %swap3A_813 = arith.constant 96 : index
        %swap3A_814 = tpu.vector_load %arg6[%swap3A_811, %swap3A_812, %swap3A_813] {strides = array<i32>} : memref<5x128x128xf32, #tpu.memory_space<vmem>>, vector<1x1x16xf32>,
        %swap3A_815 = vector.shape_cast %swap3A_814 : vector<1x1x16xf32> to vector<16xf32>
        %swap3A_816 = vector.shape_cast %mul3A_809 : vector<16xf32> to vector<1x1x16xf32>
        tpu.vector_store %arg6[%swap3A_811, %swap3A_812, %swap3A_813], %swap3A_816 {strides = array<i32>} : memref<5x128x128xf32, #tpu.memory_space<vmem>>, vector<1x1x16xf32>,
        %mul3A_817 = arith.constant 2 : i32
        %mul3A_818 = arith.muli %scan3A_518, %mul3A_817 : i32
        %add3A_819 = arith.constant 1 : i32
        %add3A_820 = arith.addi %mul3A_818, %add3A_819 : i32
        %get3A_821 = arith.constant 0 : i32
        %get3A_822 = arith.index_cast %get3A_821 : i32 to index
        %get3A_823 = arith.index_cast %add3A_820 : i32 to index
        %get3A_824 = arith.constant 112 : index
        %get3A_825 = tpu.vector_load %arg6[%get3A_822, %get3A_823, %get3A_824] {strides = array<i32>} : memref<5x128x128xf32, #tpu.memory_space<vmem>>, vector<1x1x16xf32>,
        %get3A_826 = vector.shape_cast %get3A_825 : vector<1x1x16xf32> to vector<16xf32>
        %mul3A_827 = arith.constant 11.3137083 : f32
        %mul3A_828 = vector.broadcast %mul3A_827 : f32 to vector<16xf32>
        %mul3A_829 = arith.mulf %get3A_826, %mul3A_828 : vector<16xf32>
        %swap3A_830 = arith.constant 0 : i32
        %swap3A_831 = arith.index_cast %swap3A_830 : i32 to index
        %swap3A_832 = arith.index_cast %add3A_820 : i32 to index
        %swap3A_833 = arith.constant 112 : index
        %swap3A_834 = tpu.vector_load %arg6[%swap3A_831, %swap3A_832, %swap3A_833] {strides = array<i32>} : memref<5x128x128xf32, #tpu.memory_space<vmem>>, vector<1x1x16xf32>,
        %swap3A_835 = vector.shape_cast %swap3A_834 : vector<1x1x16xf32> to vector<16xf32>
        %swap3A_836 = vector.shape_cast %mul3A_829 : vector<16xf32> to vector<1x1x16xf32>
        tpu.vector_store %arg6[%swap3A_831, %swap3A_832, %swap3A_833], %swap3A_836 {strides = array<i32>} : memref<5x128x128xf32, #tpu.memory_space<vmem>>, vector<1x1x16xf32>,
      }
      %scan3A_117 = arith.constant 64 : i32
      %jit3A = arith.constant 1 : i32
      %div3A = arith.divsi %add3A_92, %jit3A : i32
      %sign3A = arith.constant 0 : i32
      %sign3A_118 = arith.cmpi sgt, %add3A_92, %sign3A : i32
      %sign3A_119 = arith.extui %sign3A_118 : i1 to i32
      %sign3A_120 = arith.constant 0 : i32
      %sign3A_121 = arith.cmpi slt, %add3A_92, %sign3A_120 : i32
      %sign3A_122 = arith.extui %sign3A_121 : i1 to i32
      %sign3A_123 = arith.subi %sign3A_119, %sign3A_122 : i32
      %sign3A_124 = arith.constant 0 : i32
      %sign3A_125 = arith.cmpi sgt, %jit3A, %sign3A_124 : i32
      %sign3A_126 = arith.extui %sign3A_125 : i1 to i32
      %sign3A_127 = arith.constant 0 : i32
      %sign3A_128 = arith.cmpi slt, %jit3A, %sign3A_127 : i32
      %sign3A_129 = arith.extui %sign3A_128 : i1 to i32
      %sign3A_130 = arith.subi %sign3A_126, %sign3A_129 : i32
      %ne3A = arith.cmpi ne, %sign3A_123, %sign3A_130 : i32
      %rem3A = arith.remsi %add3A_92, %jit3A : i32
      %ne3A_131 = arith.constant 0 : i32
      %ne3A_132 = arith.cmpi ne, %rem3A, %ne3A_131 : i32
      %and3A = arith.andi %ne3A, %ne3A_132 : i1
      %sub3A = arith.constant 1 : i32
      %sub3A_133 = arith.subi %div3A, %sub3A : i32
      %select_n3A = arith.select %and3A, %sub3A_133, %div3A : i32
      %jit3A_134 = arith.constant 1 : i32
      %eq3A = arith.constant 0 : i32
      %eq3A_135 = arith.cmpi eq, %jit3A_134, %eq3A : i32
      %jit3A_136 = arith.constant 1 : i32
      %select_n3A_137 = arith.select %eq3A_135, %jit3A_136, %jit3A_134 : i32
      %rem3A_138 = arith.remsi %add3A_92, %select_n3A_137 : i32
      %ne3A_139 = arith.constant 0 : i32
      %ne3A_140 = arith.cmpi ne, %rem3A_138, %ne3A_139 : i32
      %lt3A_141 = arith.constant 0 : i32
      %lt3A_142 = arith.cmpi slt, %rem3A_138, %lt3A_141 : i32
      %lt3A_143 = arith.constant 0 : i32
      %lt3A_144 = arith.cmpi slt, %select_n3A_137, %lt3A_143 : i32
      %ne3A_145 = arith.xori %lt3A_142, %lt3A_144 : i1
      %and3A_146 = arith.andi %ne3A_145, %ne3A_140 : i1
      %add3A_147 = arith.addi %rem3A_138, %select_n3A_137 : i32
      %select_n3A_148 = arith.select %and3A_146, %add3A_147, %rem3A_138 : i32
      %dma_start3A_149 = arith.constant 0 : i32
      %dma_start3A_150 = arith.constant 0 : i32
      %dma_start3A_151 = arith.constant 0 : i32
      %dma_start3A_152 = tpu.memref_slice %arg6[%dma_start3A_149, %dma_start3A_150, %dma_start3A_151] : memref<5x128x128xf32, #tpu.memory_space<vmem>> -> memref<1x128x128xf32, #tpu.memory_space<vmem>>
      %dma_start3A_153 = tpu.memref_squeeze %dma_start3A_152 : memref<1x128x128xf32, #tpu.memory_space<vmem>> -> memref<128x128xf32, #tpu.memory_space<vmem>>
      %dma_start3A_154 = arith.constant 0 : i32
      %dma_start3A_155 = arith.constant 0 : i32
      %dma_start3A_156 = tpu.memref_slice %arg4[%select_n3A, %add3A, %select_n3A_148, %dma_start3A_154, %dma_start3A_155] : memref<50x32x1x128x128xf32, #tpu.memory_space<hbm>> -> memref<1x1x1x128x128xf32, #tpu.memory_space<hbm>>
      %dma_start3A_157 = tpu.memref_squeeze %dma_start3A_156 : memref<1x1x1x128x128xf32, #tpu.memory_space<hbm>> -> memref<128x128xf32, #tpu.memory_space<hbm>>
      %dma_start3A_158 = arith.constant 0 : i32
      %dma_start3A_159 = arith.constant 0 : i32
      %dma_start3A_160 = tpu.memref_slice %arg4[%select_n3A, %add3A, %select_n3A_148, %dma_start3A_158, %dma_start3A_159] : memref<50x32x1x128x128xf32, #tpu.memory_space<hbm>> -> memref<1x1x1x128x128xf32, #tpu.memory_space<hbm>>
      %dma_start3A_161 = tpu.memref_squeeze %dma_start3A_160 : memref<1x1x1x128x128xf32, #tpu.memory_space<hbm>> -> memref<128x128xf32, #tpu.memory_space<hbm>>
      %dma_start3A_162 = arith.constant 0 : i32
      %dma_start3A_163 = arith.constant 0 : i32
      %dma_start3A_164 = tpu.memref_slice %arg6[%dma_start3A_149, %dma_start3A_162, %dma_start3A_163] : memref<5x128x128xf32, #tpu.memory_space<vmem>> -> memref<1x128x128xf32, #tpu.memory_space<vmem>>
      %dma_start3A_165 = tpu.memref_squeeze %dma_start3A_164 : memref<1x128x128xf32, #tpu.memory_space<vmem>> -> memref<128x128xf32, #tpu.memory_space<vmem>>
      tpu.enqueue_dma source(%dma_start3A_165 : memref<128x128xf32, #tpu.memory_space<vmem>>) target(%dma_start3A_161 : memref<128x128xf32, #tpu.memory_space<hbm>>) target_semaphore(%arg8 : memref<!tpu.dma_semaphore, #tpu.memory_space<semaphore_mem>>)
      %add3A_166 = arith.constant 1 : i32
      %add3A_167 = arith.addi %mul3A_90, %add3A_166 : i32
      %ge3A_168 = arith.constant 3 : i32
      %ge3A_169 = arith.cmpi sge, %add3A_167, %ge3A_168 : i32
      %convert_element_type3A_170 = arith.extui %ge3A_169 : i1 to i32
      %cond3A_171 = arith.constant 0 : i32
      %cond3A_172 = arith.cmpi ne, %convert_element_type3A_170, %cond3A_171 : i32
      scf.if %cond3A_172 {
        %dma_wait3A_518 = arith.constant 0 : i32
        %dma_wait3A_519 = arith.constant 0 : i32
        %dma_wait3A_520 = arith.constant 0 : i32
        %dma_wait3A_521 = arith.constant 0 : i32
        %dma_wait3A_522 = arith.constant 0 : i32
        %dma_wait3A_523 = arith.constant 0 : i32
        %dma_wait3A_524 = tpu.memref_slice %arg6[%dma_wait3A_518, %dma_wait3A_522, %dma_wait3A_523] : memref<5x128x128xf32, #tpu.memory_space<vmem>> -> memref<1x128x128xf32, #tpu.memory_space<vmem>>
        %dma_wait3A_525 = tpu.memref_squeeze %dma_wait3A_524 : memref<1x128x128xf32, #tpu.memory_space<vmem>> -> memref<128x128xf32, #tpu.memory_space<vmem>>
        %dma_wait3A_526 = arith.constant 0 : i32
        %dma_wait3A_527 = arith.constant 0 : i32
        %dma_wait3A_528 = tpu.memref_slice %arg4[%dma_wait3A_519, %dma_wait3A_520, %dma_wait3A_521, %dma_wait3A_526, %dma_wait3A_527] : memref<50x32x1x128x128xf32, #tpu.memory_space<hbm>> -> memref<1x1x1x128x128xf32, #tpu.memory_space<hbm>>
        %dma_wait3A_529 = tpu.memref_squeeze %dma_wait3A_528 : memref<1x1x1x128x128xf32, #tpu.memory_space<hbm>> -> memref<128x128xf32, #tpu.memory_space<hbm>>
        %dma_wait3A_530 = arith.constant 0 : i32
        %dma_wait3A_531 = arith.constant 0 : i32
        %dma_wait3A_532 = tpu.memref_slice %arg4[%dma_wait3A_519, %dma_wait3A_520, %dma_wait3A_521, %dma_wait3A_530, %dma_wait3A_531] : memref<50x32x1x128x128xf32, #tpu.memory_space<hbm>> -> memref<1x1x1x128x128xf32, #tpu.memory_space<hbm>>
        %dma_wait3A_533 = tpu.memref_squeeze %dma_wait3A_532 : memref<1x1x1x128x128xf32, #tpu.memory_space<hbm>> -> memref<128x128xf32, #tpu.memory_space<hbm>>
        %dma_wait3A_534 = arith.constant 0 : i32
        %dma_wait3A_535 = arith.constant 0 : i32
        %dma_wait3A_536 = tpu.memref_slice %arg6[%dma_wait3A_518, %dma_wait3A_534, %dma_wait3A_535] : memref<5x128x128xf32, #tpu.memory_space<vmem>> -> memref<1x128x128xf32, #tpu.memory_space<vmem>>
        %dma_wait3A_537 = tpu.memref_squeeze %dma_wait3A_536 : memref<1x128x128xf32, #tpu.memory_space<vmem>> -> memref<128x128xf32, #tpu.memory_space<vmem>>
        tpu.wait_dma2 semaphore(%arg8 : memref<!tpu.dma_semaphore, #tpu.memory_space<semaphore_mem>>) src(%dma_wait3A_537 : memref<128x128xf32, #tpu.memory_space<vmem>>) dst(%dma_wait3A_533 : memref<128x128xf32, #tpu.memory_space<hbm>>)
      } else {
      }
      %add3A_173 = arith.constant 2 : i32
      %add3A_174 = arith.addi %add3A_167, %add3A_173 : i32
      %lt3A_175 = arith.constant 50 : i32
      %lt3A_176 = arith.cmpi slt, %add3A_174, %lt3A_175 : i32
      %convert_element_type3A_177 = arith.extui %lt3A_176 : i1 to i32
      %cond3A_178 = arith.constant 0 : i32
      %cond3A_179 = arith.cmpi ne, %convert_element_type3A_177, %cond3A_178 : i32
      scf.if %cond3A_179 {
        %add3A_518 = arith.constant 2 : i32
        %add3A_519 = arith.addi %add3A_167, %add3A_518 : i32
        %dma_start3A_520 = arith.constant 3 : i32
        %dma_start3A_521 = arith.constant 0 : i32
        %dma_start3A_522 = arith.constant 0 : i32
        %dma_start3A_523 = tpu.memref_slice %arg6[%dma_start3A_520, %dma_start3A_521, %dma_start3A_522] : memref<5x128x128xf32, #tpu.memory_space<vmem>> -> memref<1x128x128xf32, #tpu.memory_space<vmem>>
        %dma_start3A_524 = tpu.memref_squeeze %dma_start3A_523 : memref<1x128x128xf32, #tpu.memory_space<vmem>> -> memref<128x128xf32, #tpu.memory_space<vmem>>
        %dma_start3A_525 = arith.constant 0 : i32
        %dma_start3A_526 = tpu.memref_slice %arg5[%add3A_519, %dma_start3A_525] : memref<50x128xi32, #tpu.memory_space<vmem>> -> memref<1x128xi32, #tpu.memory_space<vmem>>
        %dma_start3A_527 = tpu.memref_squeeze %dma_start3A_526 : memref<1x128xi32, #tpu.memory_space<vmem>> -> memref<128xi32, #tpu.memory_space<vmem>>
        %dma_start3A_528 = arith.constant 0 : i32
        %dma_start3A_529 = arith.constant 0 : i32
        %dma_start3A_530 = tpu.memref_slice %arg3[%dma_start3A_528, %dma_start3A_529] : memref<100000x128xf32, #tpu.memory_space<hbm>> -> memref<100000x128xf32, #tpu.memory_space<hbm>>
        tpu.enqueue_indirect_dma source(%dma_start3A_530 : memref<100000x128xf32, #tpu.memory_space<hbm>>) target(%dma_start3A_524 : memref<128x128xf32, #tpu.memory_space<vmem>>) offsets(%dma_start3A_527 : memref<128xi32, #tpu.memory_space<vmem>>) semaphore(%arg7 : memref<!tpu.dma_semaphore, #tpu.memory_space<semaphore_mem>>)
      } else {
      }
      %dma_wait3A_180 = arith.constant 1 : i32
      %dma_wait3A_181 = arith.constant 0 : i32
      %dma_wait3A_182 = arith.constant 0 : i32
      %dma_wait3A_183 = tpu.memref_slice %arg6[%dma_wait3A_180, %dma_wait3A_181, %dma_wait3A_182] : memref<5x128x128xf32, #tpu.memory_space<vmem>> -> memref<1x128x128xf32, #tpu.memory_space<vmem>>
      %dma_wait3A_184 = tpu.memref_squeeze %dma_wait3A_183 : memref<1x128x128xf32, #tpu.memory_space<vmem>> -> memref<128x128xf32, #tpu.memory_space<vmem>>
      %dma_wait3A_185 = arith.constant 0 : i32
      %dma_wait3A_186 = tpu.memref_slice %arg5[%add3A_167, %dma_wait3A_185] : memref<50x128xi32, #tpu.memory_space<vmem>> -> memref<1x128xi32, #tpu.memory_space<vmem>>
      %dma_wait3A_187 = tpu.memref_squeeze %dma_wait3A_186 : memref<1x128xi32, #tpu.memory_space<vmem>> -> memref<128xi32, #tpu.memory_space<vmem>>
      %dma_wait3A_188 = arith.constant 0 : i32
      %dma_wait3A_189 = arith.constant 0 : i32
      %dma_wait3A_190 = tpu.memref_slice %arg3[%dma_wait3A_188, %dma_wait3A_189] : memref<100000x128xf32, #tpu.memory_space<hbm>> -> memref<100000x128xf32, #tpu.memory_space<hbm>>
      tpu.wait_indirect_dma semaphore(%arg7 : memref<!tpu.dma_semaphore, #tpu.memory_space<semaphore_mem>>) src(%dma_wait3A_190 : memref<100000x128xf32, #tpu.memory_space<hbm>>) dst(%dma_wait3A_184 : memref<128x128xf32, #tpu.memory_space<vmem>>)
      %scan3A_191 = arith.constant 0 : i32
      %scan3A_192 = arith.constant 0 : i32
      %scan3A_193 = arith.constant 64 : i32
      %scan3A_194 = arith.addi %scan3A_192, %scan3A_193 : i32
      %scan3A_195 = arith.constant 1 : i32
      scf.for %scan3A_518 = %scan3A_192 to %scan3A_194 step %scan3A_195  : i32 {
        %mul3A_519 = arith.constant 2 : i32
        %mul3A_520 = arith.muli %scan3A_518, %mul3A_519 : i32
        %add3A_521 = arith.constant 0 : i32
        %add3A_522 = arith.addi %mul3A_520, %add3A_521 : i32
        %get3A = arith.constant 1 : i32
        %get3A_523 = arith.index_cast %get3A : i32 to index
        %get3A_524 = arith.index_cast %add3A_522 : i32 to index
        %get3A_525 = arith.constant 0 : index
        %get3A_526 = tpu.vector_load %arg6[%get3A_523, %get3A_524, %get3A_525] {strides = array<i32>} : memref<5x128x128xf32, #tpu.memory_space<vmem>>, vector<1x1x16xf32>,
        %get3A_527 = vector.shape_cast %get3A_526 : vector<1x1x16xf32> to vector<16xf32>
        %mul3A_528 = arith.constant 11.3137083 : f32
        %mul3A_529 = vector.broadcast %mul3A_528 : f32 to vector<16xf32>
        %mul3A_530 = arith.mulf %get3A_527, %mul3A_529 : vector<16xf32>
        %swap3A = arith.constant 1 : i32
        %swap3A_531 = arith.index_cast %swap3A : i32 to index
        %swap3A_532 = arith.index_cast %add3A_522 : i32 to index
        %swap3A_533 = arith.constant 0 : index
        %swap3A_534 = tpu.vector_load %arg6[%swap3A_531, %swap3A_532, %swap3A_533] {strides = array<i32>} : memref<5x128x128xf32, #tpu.memory_space<vmem>>, vector<1x1x16xf32>,
        %swap3A_535 = vector.shape_cast %swap3A_534 : vector<1x1x16xf32> to vector<16xf32>
        %swap3A_536 = vector.shape_cast %mul3A_530 : vector<16xf32> to vector<1x1x16xf32>
        tpu.vector_store %arg6[%swap3A_531, %swap3A_532, %swap3A_533], %swap3A_536 {strides = array<i32>} : memref<5x128x128xf32, #tpu.memory_space<vmem>>, vector<1x1x16xf32>,
        %mul3A_537 = arith.constant 2 : i32
        %mul3A_538 = arith.muli %scan3A_518, %mul3A_537 : i32
        %add3A_539 = arith.constant 0 : i32
        %add3A_540 = arith.addi %mul3A_538, %add3A_539 : i32
        %get3A_541 = arith.constant 1 : i32
        %get3A_542 = arith.index_cast %get3A_541 : i32 to index
        %get3A_543 = arith.index_cast %add3A_540 : i32 to index
        %get3A_544 = arith.constant 16 : index
        %get3A_545 = tpu.vector_load %arg6[%get3A_542, %get3A_543, %get3A_544] {strides = array<i32>} : memref<5x128x128xf32, #tpu.memory_space<vmem>>, vector<1x1x16xf32>,
        %get3A_546 = vector.shape_cast %get3A_545 : vector<1x1x16xf32> to vector<16xf32>
        %mul3A_547 = arith.constant 11.3137083 : f32
        %mul3A_548 = vector.broadcast %mul3A_547 : f32 to vector<16xf32>
        %mul3A_549 = arith.mulf %get3A_546, %mul3A_548 : vector<16xf32>
        %swap3A_550 = arith.constant 1 : i32
        %swap3A_551 = arith.index_cast %swap3A_550 : i32 to index
        %swap3A_552 = arith.index_cast %add3A_540 : i32 to index
        %swap3A_553 = arith.constant 16 : index
        %swap3A_554 = tpu.vector_load %arg6[%swap3A_551, %swap3A_552, %swap3A_553] {strides = array<i32>} : memref<5x128x128xf32, #tpu.memory_space<vmem>>, vector<1x1x16xf32>,
        %swap3A_555 = vector.shape_cast %swap3A_554 : vector<1x1x16xf32> to vector<16xf32>
        %swap3A_556 = vector.shape_cast %mul3A_549 : vector<16xf32> to vector<1x1x16xf32>
        tpu.vector_store %arg6[%swap3A_551, %swap3A_552, %swap3A_553], %swap3A_556 {strides = array<i32>} : memref<5x128x128xf32, #tpu.memory_space<vmem>>, vector<1x1x16xf32>,
        %mul3A_557 = arith.constant 2 : i32
        %mul3A_558 = arith.muli %scan3A_518, %mul3A_557 : i32
        %add3A_559 = arith.constant 0 : i32
        %add3A_560 = arith.addi %mul3A_558, %add3A_559 : i32
        %get3A_561 = arith.constant 1 : i32
        %get3A_562 = arith.index_cast %get3A_561 : i32 to index
        %get3A_563 = arith.index_cast %add3A_560 : i32 to index
        %get3A_564 = arith.constant 32 : index
        %get3A_565 = tpu.vector_load %arg6[%get3A_562, %get3A_563, %get3A_564] {strides = array<i32>} : memref<5x128x128xf32, #tpu.memory_space<vmem>>, vector<1x1x16xf32>,
        %get3A_566 = vector.shape_cast %get3A_565 : vector<1x1x16xf32> to vector<16xf32>
        %mul3A_567 = arith.constant 11.3137083 : f32
        %mul3A_568 = vector.broadcast %mul3A_567 : f32 to vector<16xf32>
        %mul3A_569 = arith.mulf %get3A_566, %mul3A_568 : vector<16xf32>
        %swap3A_570 = arith.constant 1 : i32
        %swap3A_571 = arith.index_cast %swap3A_570 : i32 to index
        %swap3A_572 = arith.index_cast %add3A_560 : i32 to index
        %swap3A_573 = arith.constant 32 : index
        %swap3A_574 = tpu.vector_load %arg6[%swap3A_571, %swap3A_572, %swap3A_573] {strides = array<i32>} : memref<5x128x128xf32, #tpu.memory_space<vmem>>, vector<1x1x16xf32>,
        %swap3A_575 = vector.shape_cast %swap3A_574 : vector<1x1x16xf32> to vector<16xf32>
        %swap3A_576 = vector.shape_cast %mul3A_569 : vector<16xf32> to vector<1x1x16xf32>
        tpu.vector_store %arg6[%swap3A_571, %swap3A_572, %swap3A_573], %swap3A_576 {strides = array<i32>} : memref<5x128x128xf32, #tpu.memory_space<vmem>>, vector<1x1x16xf32>,
        %mul3A_577 = arith.constant 2 : i32
        %mul3A_578 = arith.muli %scan3A_518, %mul3A_577 : i32
        %add3A_579 = arith.constant 0 : i32
        %add3A_580 = arith.addi %mul3A_578, %add3A_579 : i32
        %get3A_581 = arith.constant 1 : i32
        %get3A_582 = arith.index_cast %get3A_581 : i32 to index
        %get3A_583 = arith.index_cast %add3A_580 : i32 to index
        %get3A_584 = arith.constant 48 : index
        %get3A_585 = tpu.vector_load %arg6[%get3A_582, %get3A_583, %get3A_584] {strides = array<i32>} : memref<5x128x128xf32, #tpu.memory_space<vmem>>, vector<1x1x16xf32>,
        %get3A_586 = vector.shape_cast %get3A_585 : vector<1x1x16xf32> to vector<16xf32>
        %mul3A_587 = arith.constant 11.3137083 : f32
        %mul3A_588 = vector.broadcast %mul3A_587 : f32 to vector<16xf32>
        %mul3A_589 = arith.mulf %get3A_586, %mul3A_588 : vector<16xf32>
        %swap3A_590 = arith.constant 1 : i32
        %swap3A_591 = arith.index_cast %swap3A_590 : i32 to index
        %swap3A_592 = arith.index_cast %add3A_580 : i32 to index
        %swap3A_593 = arith.constant 48 : index
        %swap3A_594 = tpu.vector_load %arg6[%swap3A_591, %swap3A_592, %swap3A_593] {strides = array<i32>} : memref<5x128x128xf32, #tpu.memory_space<vmem>>, vector<1x1x16xf32>,
        %swap3A_595 = vector.shape_cast %swap3A_594 : vector<1x1x16xf32> to vector<16xf32>
        %swap3A_596 = vector.shape_cast %mul3A_589 : vector<16xf32> to vector<1x1x16xf32>
        tpu.vector_store %arg6[%swap3A_591, %swap3A_592, %swap3A_593], %swap3A_596 {strides = array<i32>} : memref<5x128x128xf32, #tpu.memory_space<vmem>>, vector<1x1x16xf32>,
        %mul3A_597 = arith.constant 2 : i32
        %mul3A_598 = arith.muli %scan3A_518, %mul3A_597 : i32
        %add3A_599 = arith.constant 0 : i32
        %add3A_600 = arith.addi %mul3A_598, %add3A_599 : i32
        %get3A_601 = arith.constant 1 : i32
        %get3A_602 = arith.index_cast %get3A_601 : i32 to index
        %get3A_603 = arith.index_cast %add3A_600 : i32 to index
        %get3A_604 = arith.constant 64 : index
        %get3A_605 = tpu.vector_load %arg6[%get3A_602, %get3A_603, %get3A_604] {strides = array<i32>} : memref<5x128x128xf32, #tpu.memory_space<vmem>>, vector<1x1x16xf32>,
        %get3A_606 = vector.shape_cast %get3A_605 : vector<1x1x16xf32> to vector<16xf32>
        %mul3A_607 = arith.constant 11.3137083 : f32
        %mul3A_608 = vector.broadcast %mul3A_607 : f32 to vector<16xf32>
        %mul3A_609 = arith.mulf %get3A_606, %mul3A_608 : vector<16xf32>
        %swap3A_610 = arith.constant 1 : i32
        %swap3A_611 = arith.index_cast %swap3A_610 : i32 to index
        %swap3A_612 = arith.index_cast %add3A_600 : i32 to index
        %swap3A_613 = arith.constant 64 : index
        %swap3A_614 = tpu.vector_load %arg6[%swap3A_611, %swap3A_612, %swap3A_613] {strides = array<i32>} : memref<5x128x128xf32, #tpu.memory_space<vmem>>, vector<1x1x16xf32>,
        %swap3A_615 = vector.shape_cast %swap3A_614 : vector<1x1x16xf32> to vector<16xf32>
        %swap3A_616 = vector.shape_cast %mul3A_609 : vector<16xf32> to vector<1x1x16xf32>
        tpu.vector_store %arg6[%swap3A_611, %swap3A_612, %swap3A_613], %swap3A_616 {strides = array<i32>} : memref<5x128x128xf32, #tpu.memory_space<vmem>>, vector<1x1x16xf32>,
        %mul3A_617 = arith.constant 2 : i32
        %mul3A_618 = arith.muli %scan3A_518, %mul3A_617 : i32
        %add3A_619 = arith.constant 0 : i32
        %add3A_620 = arith.addi %mul3A_618, %add3A_619 : i32
        %get3A_621 = arith.constant 1 : i32
        %get3A_622 = arith.index_cast %get3A_621 : i32 to index
        %get3A_623 = arith.index_cast %add3A_620 : i32 to index
        %get3A_624 = arith.constant 80 : index
        %get3A_625 = tpu.vector_load %arg6[%get3A_622, %get3A_623, %get3A_624] {strides = array<i32>} : memref<5x128x128xf32, #tpu.memory_space<vmem>>, vector<1x1x16xf32>,
        %get3A_626 = vector.shape_cast %get3A_625 : vector<1x1x16xf32> to vector<16xf32>
        %mul3A_627 = arith.constant 11.3137083 : f32
        %mul3A_628 = vector.broadcast %mul3A_627 : f32 to vector<16xf32>
        %mul3A_629 = arith.mulf %get3A_626, %mul3A_628 : vector<16xf32>
        %swap3A_630 = arith.constant 1 : i32
        %swap3A_631 = arith.index_cast %swap3A_630 : i32 to index
        %swap3A_632 = arith.index_cast %add3A_620 : i32 to index
        %swap3A_633 = arith.constant 80 : index
        %swap3A_634 = tpu.vector_load %arg6[%swap3A_631, %swap3A_632, %swap3A_633] {strides = array<i32>} : memref<5x128x128xf32, #tpu.memory_space<vmem>>, vector<1x1x16xf32>,
        %swap3A_635 = vector.shape_cast %swap3A_634 : vector<1x1x16xf32> to vector<16xf32>
        %swap3A_636 = vector.shape_cast %mul3A_629 : vector<16xf32> to vector<1x1x16xf32>
        tpu.vector_store %arg6[%swap3A_631, %swap3A_632, %swap3A_633], %swap3A_636 {strides = array<i32>} : memref<5x128x128xf32, #tpu.memory_space<vmem>>, vector<1x1x16xf32>,
        %mul3A_637 = arith.constant 2 : i32
        %mul3A_638 = arith.muli %scan3A_518, %mul3A_637 : i32
        %add3A_639 = arith.constant 0 : i32
        %add3A_640 = arith.addi %mul3A_638, %add3A_639 : i32
        %get3A_641 = arith.constant 1 : i32
        %get3A_642 = arith.index_cast %get3A_641 : i32 to index
        %get3A_643 = arith.index_cast %add3A_640 : i32 to index
        %get3A_644 = arith.constant 96 : index
        %get3A_645 = tpu.vector_load %arg6[%get3A_642, %get3A_643, %get3A_644] {strides = array<i32>} : memref<5x128x128xf32, #tpu.memory_space<vmem>>, vector<1x1x16xf32>,
        %get3A_646 = vector.shape_cast %get3A_645 : vector<1x1x16xf32> to vector<16xf32>
        %mul3A_647 = arith.constant 11.3137083 : f32
        %mul3A_648 = vector.broadcast %mul3A_647 : f32 to vector<16xf32>
        %mul3A_649 = arith.mulf %get3A_646, %mul3A_648 : vector<16xf32>
        %swap3A_650 = arith.constant 1 : i32
        %swap3A_651 = arith.index_cast %swap3A_650 : i32 to index
        %swap3A_652 = arith.index_cast %add3A_640 : i32 to index
        %swap3A_653 = arith.constant 96 : index
        %swap3A_654 = tpu.vector_load %arg6[%swap3A_651, %swap3A_652, %swap3A_653] {strides = array<i32>} : memref<5x128x128xf32, #tpu.memory_space<vmem>>, vector<1x1x16xf32>,
        %swap3A_655 = vector.shape_cast %swap3A_654 : vector<1x1x16xf32> to vector<16xf32>
        %swap3A_656 = vector.shape_cast %mul3A_649 : vector<16xf32> to vector<1x1x16xf32>
        tpu.vector_store %arg6[%swap3A_651, %swap3A_652, %swap3A_653], %swap3A_656 {strides = array<i32>} : memref<5x128x128xf32, #tpu.memory_space<vmem>>, vector<1x1x16xf32>,
        %mul3A_657 = arith.constant 2 : i32
        %mul3A_658 = arith.muli %scan3A_518, %mul3A_657 : i32
        %add3A_659 = arith.constant 0 : i32
        %add3A_660 = arith.addi %mul3A_658, %add3A_659 : i32
        %get3A_661 = arith.constant 1 : i32
        %get3A_662 = arith.index_cast %get3A_661 : i32 to index
        %get3A_663 = arith.index_cast %add3A_660 : i32 to index
        %get3A_664 = arith.constant 112 : index
        %get3A_665 = tpu.vector_load %arg6[%get3A_662, %get3A_663, %get3A_664] {strides = array<i32>} : memref<5x128x128xf32, #tpu.memory_space<vmem>>, vector<1x1x16xf32>,
        %get3A_666 = vector.shape_cast %get3A_665 : vector<1x1x16xf32> to vector<16xf32>
        %mul3A_667 = arith.constant 11.3137083 : f32
        %mul3A_668 = vector.broadcast %mul3A_667 : f32 to vector<16xf32>
        %mul3A_669 = arith.mulf %get3A_666, %mul3A_668 : vector<16xf32>
        %swap3A_670 = arith.constant 1 : i32
        %swap3A_671 = arith.index_cast %swap3A_670 : i32 to index
        %swap3A_672 = arith.index_cast %add3A_660 : i32 to index
        %swap3A_673 = arith.constant 112 : index
        %swap3A_674 = tpu.vector_load %arg6[%swap3A_671, %swap3A_672, %swap3A_673] {strides = array<i32>} : memref<5x128x128xf32, #tpu.memory_space<vmem>>, vector<1x1x16xf32>,
        %swap3A_675 = vector.shape_cast %swap3A_674 : vector<1x1x16xf32> to vector<16xf32>
        %swap3A_676 = vector.shape_cast %mul3A_669 : vector<16xf32> to vector<1x1x16xf32>
        tpu.vector_store %arg6[%swap3A_671, %swap3A_672, %swap3A_673], %swap3A_676 {strides = array<i32>} : memref<5x128x128xf32, #tpu.memory_space<vmem>>, vector<1x1x16xf32>,
        %mul3A_677 = arith.constant 2 : i32
        %mul3A_678 = arith.muli %scan3A_518, %mul3A_677 : i32
        %add3A_679 = arith.constant 1 : i32
        %add3A_680 = arith.addi %mul3A_678, %add3A_679 : i32
        %get3A_681 = arith.constant 1 : i32
        %get3A_682 = arith.index_cast %get3A_681 : i32 to index
        %get3A_683 = arith.index_cast %add3A_680 : i32 to index
        %get3A_684 = arith.constant 0 : index
        %get3A_685 = tpu.vector_load %arg6[%get3A_682, %get3A_683, %get3A_684] {strides = array<i32>} : memref<5x128x128xf32, #tpu.memory_space<vmem>>, vector<1x1x16xf32>,
        %get3A_686 = vector.shape_cast %get3A_685 : vector<1x1x16xf32> to vector<16xf32>
        %mul3A_687 = arith.constant 11.3137083 : f32
        %mul3A_688 = vector.broadcast %mul3A_687 : f32 to vector<16xf32>
        %mul3A_689 = arith.mulf %get3A_686, %mul3A_688 : vector<16xf32>
        %swap3A_690 = arith.constant 1 : i32
        %swap3A_691 = arith.index_cast %swap3A_690 : i32 to index
        %swap3A_692 = arith.index_cast %add3A_680 : i32 to index
        %swap3A_693 = arith.constant 0 : index
        %swap3A_694 = tpu.vector_load %arg6[%swap3A_691, %swap3A_692, %swap3A_693] {strides = array<i32>} : memref<5x128x128xf32, #tpu.memory_space<vmem>>, vector<1x1x16xf32>,
        %swap3A_695 = vector.shape_cast %swap3A_694 : vector<1x1x16xf32> to vector<16xf32>
        %swap3A_696 = vector.shape_cast %mul3A_689 : vector<16xf32> to vector<1x1x16xf32>
        tpu.vector_store %arg6[%swap3A_691, %swap3A_692, %swap3A_693], %swap3A_696 {strides = array<i32>} : memref<5x128x128xf32, #tpu.memory_space<vmem>>, vector<1x1x16xf32>,
        %mul3A_697 = arith.constant 2 : i32
        %mul3A_698 = arith.muli %scan3A_518, %mul3A_697 : i32
        %add3A_699 = arith.constant 1 : i32
        %add3A_700 = arith.addi %mul3A_698, %add3A_699 : i32
        %get3A_701 = arith.constant 1 : i32
        %get3A_702 = arith.index_cast %get3A_701 : i32 to index
        %get3A_703 = arith.index_cast %add3A_700 : i32 to index
        %get3A_704 = arith.constant 16 : index
        %get3A_705 = tpu.vector_load %arg6[%get3A_702, %get3A_703, %get3A_704] {strides = array<i32>} : memref<5x128x128xf32, #tpu.memory_space<vmem>>, vector<1x1x16xf32>,
        %get3A_706 = vector.shape_cast %get3A_705 : vector<1x1x16xf32> to vector<16xf32>
        %mul3A_707 = arith.constant 11.3137083 : f32
        %mul3A_708 = vector.broadcast %mul3A_707 : f32 to vector<16xf32>
        %mul3A_709 = arith.mulf %get3A_706, %mul3A_708 : vector<16xf32>
        %swap3A_710 = arith.constant 1 : i32
        %swap3A_711 = arith.index_cast %swap3A_710 : i32 to index
        %swap3A_712 = arith.index_cast %add3A_700 : i32 to index
        %swap3A_713 = arith.constant 16 : index
        %swap3A_714 = tpu.vector_load %arg6[%swap3A_711, %swap3A_712, %swap3A_713] {strides = array<i32>} : memref<5x128x128xf32, #tpu.memory_space<vmem>>, vector<1x1x16xf32>,
        %swap3A_715 = vector.shape_cast %swap3A_714 : vector<1x1x16xf32> to vector<16xf32>
        %swap3A_716 = vector.shape_cast %mul3A_709 : vector<16xf32> to vector<1x1x16xf32>
        tpu.vector_store %arg6[%swap3A_711, %swap3A_712, %swap3A_713], %swap3A_716 {strides = array<i32>} : memref<5x128x128xf32, #tpu.memory_space<vmem>>, vector<1x1x16xf32>,
        %mul3A_717 = arith.constant 2 : i32
        %mul3A_718 = arith.muli %scan3A_518, %mul3A_717 : i32
        %add3A_719 = arith.constant 1 : i32
        %add3A_720 = arith.addi %mul3A_718, %add3A_719 : i32
        %get3A_721 = arith.constant 1 : i32
        %get3A_722 = arith.index_cast %get3A_721 : i32 to index
        %get3A_723 = arith.index_cast %add3A_720 : i32 to index
        %get3A_724 = arith.constant 32 : index
        %get3A_725 = tpu.vector_load %arg6[%get3A_722, %get3A_723, %get3A_724] {strides = array<i32>} : memref<5x128x128xf32, #tpu.memory_space<vmem>>, vector<1x1x16xf32>,
        %get3A_726 = vector.shape_cast %get3A_725 : vector<1x1x16xf32> to vector<16xf32>
        %mul3A_727 = arith.constant 11.3137083 : f32
        %mul3A_728 = vector.broadcast %mul3A_727 : f32 to vector<16xf32>
        %mul3A_729 = arith.mulf %get3A_726, %mul3A_728 : vector<16xf32>
        %swap3A_730 = arith.constant 1 : i32
        %swap3A_731 = arith.index_cast %swap3A_730 : i32 to index
        %swap3A_732 = arith.index_cast %add3A_720 : i32 to index
        %swap3A_733 = arith.constant 32 : index
        %swap3A_734 = tpu.vector_load %arg6[%swap3A_731, %swap3A_732, %swap3A_733] {strides = array<i32>} : memref<5x128x128xf32, #tpu.memory_space<vmem>>, vector<1x1x16xf32>,
        %swap3A_735 = vector.shape_cast %swap3A_734 : vector<1x1x16xf32> to vector<16xf32>
        %swap3A_736 = vector.shape_cast %mul3A_729 : vector<16xf32> to vector<1x1x16xf32>
        tpu.vector_store %arg6[%swap3A_731, %swap3A_732, %swap3A_733], %swap3A_736 {strides = array<i32>} : memref<5x128x128xf32, #tpu.memory_space<vmem>>, vector<1x1x16xf32>,
        %mul3A_737 = arith.constant 2 : i32
        %mul3A_738 = arith.muli %scan3A_518, %mul3A_737 : i32
        %add3A_739 = arith.constant 1 : i32
        %add3A_740 = arith.addi %mul3A_738, %add3A_739 : i32
        %get3A_741 = arith.constant 1 : i32
        %get3A_742 = arith.index_cast %get3A_741 : i32 to index
        %get3A_743 = arith.index_cast %add3A_740 : i32 to index
        %get3A_744 = arith.constant 48 : index
        %get3A_745 = tpu.vector_load %arg6[%get3A_742, %get3A_743, %get3A_744] {strides = array<i32>} : memref<5x128x128xf32, #tpu.memory_space<vmem>>, vector<1x1x16xf32>,
        %get3A_746 = vector.shape_cast %get3A_745 : vector<1x1x16xf32> to vector<16xf32>
        %mul3A_747 = arith.constant 11.3137083 : f32
        %mul3A_748 = vector.broadcast %mul3A_747 : f32 to vector<16xf32>
        %mul3A_749 = arith.mulf %get3A_746, %mul3A_748 : vector<16xf32>
        %swap3A_750 = arith.constant 1 : i32
        %swap3A_751 = arith.index_cast %swap3A_750 : i32 to index
        %swap3A_752 = arith.index_cast %add3A_740 : i32 to index
        %swap3A_753 = arith.constant 48 : index
        %swap3A_754 = tpu.vector_load %arg6[%swap3A_751, %swap3A_752, %swap3A_753] {strides = array<i32>} : memref<5x128x128xf32, #tpu.memory_space<vmem>>, vector<1x1x16xf32>,
        %swap3A_755 = vector.shape_cast %swap3A_754 : vector<1x1x16xf32> to vector<16xf32>
        %swap3A_756 = vector.shape_cast %mul3A_749 : vector<16xf32> to vector<1x1x16xf32>
        tpu.vector_store %arg6[%swap3A_751, %swap3A_752, %swap3A_753], %swap3A_756 {strides = array<i32>} : memref<5x128x128xf32, #tpu.memory_space<vmem>>, vector<1x1x16xf32>,
        %mul3A_757 = arith.constant 2 : i32
        %mul3A_758 = arith.muli %scan3A_518, %mul3A_757 : i32
        %add3A_759 = arith.constant 1 : i32
        %add3A_760 = arith.addi %mul3A_758, %add3A_759 : i32
        %get3A_761 = arith.constant 1 : i32
        %get3A_762 = arith.index_cast %get3A_761 : i32 to index
        %get3A_763 = arith.index_cast %add3A_760 : i32 to index
        %get3A_764 = arith.constant 64 : index
        %get3A_765 = tpu.vector_load %arg6[%get3A_762, %get3A_763, %get3A_764] {strides = array<i32>} : memref<5x128x128xf32, #tpu.memory_space<vmem>>, vector<1x1x16xf32>,
        %get3A_766 = vector.shape_cast %get3A_765 : vector<1x1x16xf32> to vector<16xf32>
        %mul3A_767 = arith.constant 11.3137083 : f32
        %mul3A_768 = vector.broadcast %mul3A_767 : f32 to vector<16xf32>
        %mul3A_769 = arith.mulf %get3A_766, %mul3A_768 : vector<16xf32>
        %swap3A_770 = arith.constant 1 : i32
        %swap3A_771 = arith.index_cast %swap3A_770 : i32 to index
        %swap3A_772 = arith.index_cast %add3A_760 : i32 to index
        %swap3A_773 = arith.constant 64 : index
        %swap3A_774 = tpu.vector_load %arg6[%swap3A_771, %swap3A_772, %swap3A_773] {strides = array<i32>} : memref<5x128x128xf32, #tpu.memory_space<vmem>>, vector<1x1x16xf32>,
        %swap3A_775 = vector.shape_cast %swap3A_774 : vector<1x1x16xf32> to vector<16xf32>
        %swap3A_776 = vector.shape_cast %mul3A_769 : vector<16xf32> to vector<1x1x16xf32>
        tpu.vector_store %arg6[%swap3A_771, %swap3A_772, %swap3A_773], %swap3A_776 {strides = array<i32>} : memref<5x128x128xf32, #tpu.memory_space<vmem>>, vector<1x1x16xf32>,
        %mul3A_777 = arith.constant 2 : i32
        %mul3A_778 = arith.muli %scan3A_518, %mul3A_777 : i32
        %add3A_779 = arith.constant 1 : i32
        %add3A_780 = arith.addi %mul3A_778, %add3A_779 : i32
        %get3A_781 = arith.constant 1 : i32
        %get3A_782 = arith.index_cast %get3A_781 : i32 to index
        %get3A_783 = arith.index_cast %add3A_780 : i32 to index
        %get3A_784 = arith.constant 80 : index
        %get3A_785 = tpu.vector_load %arg6[%get3A_782, %get3A_783, %get3A_784] {strides = array<i32>} : memref<5x128x128xf32, #tpu.memory_space<vmem>>, vector<1x1x16xf32>,
        %get3A_786 = vector.shape_cast %get3A_785 : vector<1x1x16xf32> to vector<16xf32>
        %mul3A_787 = arith.constant 11.3137083 : f32
        %mul3A_788 = vector.broadcast %mul3A_787 : f32 to vector<16xf32>
        %mul3A_789 = arith.mulf %get3A_786, %mul3A_788 : vector<16xf32>
        %swap3A_790 = arith.constant 1 : i32
        %swap3A_791 = arith.index_cast %swap3A_790 : i32 to index
        %swap3A_792 = arith.index_cast %add3A_780 : i32 to index
        %swap3A_793 = arith.constant 80 : index
        %swap3A_794 = tpu.vector_load %arg6[%swap3A_791, %swap3A_792, %swap3A_793] {strides = array<i32>} : memref<5x128x128xf32, #tpu.memory_space<vmem>>, vector<1x1x16xf32>,
        %swap3A_795 = vector.shape_cast %swap3A_794 : vector<1x1x16xf32> to vector<16xf32>
        %swap3A_796 = vector.shape_cast %mul3A_789 : vector<16xf32> to vector<1x1x16xf32>
        tpu.vector_store %arg6[%swap3A_791, %swap3A_792, %swap3A_793], %swap3A_796 {strides = array<i32>} : memref<5x128x128xf32, #tpu.memory_space<vmem>>, vector<1x1x16xf32>,
        %mul3A_797 = arith.constant 2 : i32
        %mul3A_798 = arith.muli %scan3A_518, %mul3A_797 : i32
        %add3A_799 = arith.constant 1 : i32
        %add3A_800 = arith.addi %mul3A_798, %add3A_799 : i32
        %get3A_801 = arith.constant 1 : i32
        %get3A_802 = arith.index_cast %get3A_801 : i32 to index
        %get3A_803 = arith.index_cast %add3A_800 : i32 to index
        %get3A_804 = arith.constant 96 : index
        %get3A_805 = tpu.vector_load %arg6[%get3A_802, %get3A_803, %get3A_804] {strides = array<i32>} : memref<5x128x128xf32, #tpu.memory_space<vmem>>, vector<1x1x16xf32>,
        %get3A_806 = vector.shape_cast %get3A_805 : vector<1x1x16xf32> to vector<16xf32>
        %mul3A_807 = arith.constant 11.3137083 : f32
        %mul3A_808 = vector.broadcast %mul3A_807 : f32 to vector<16xf32>
        %mul3A_809 = arith.mulf %get3A_806, %mul3A_808 : vector<16xf32>
        %swap3A_810 = arith.constant 1 : i32
        %swap3A_811 = arith.index_cast %swap3A_810 : i32 to index
        %swap3A_812 = arith.index_cast %add3A_800 : i32 to index
        %swap3A_813 = arith.constant 96 : index
        %swap3A_814 = tpu.vector_load %arg6[%swap3A_811, %swap3A_812, %swap3A_813] {strides = array<i32>} : memref<5x128x128xf32, #tpu.memory_space<vmem>>, vector<1x1x16xf32>,
        %swap3A_815 = vector.shape_cast %swap3A_814 : vector<1x1x16xf32> to vector<16xf32>
        %swap3A_816 = vector.shape_cast %mul3A_809 : vector<16xf32> to vector<1x1x16xf32>
        tpu.vector_store %arg6[%swap3A_811, %swap3A_812, %swap3A_813], %swap3A_816 {strides = array<i32>} : memref<5x128x128xf32, #tpu.memory_space<vmem>>, vector<1x1x16xf32>,
        %mul3A_817 = arith.constant 2 : i32
        %mul3A_818 = arith.muli %scan3A_518, %mul3A_817 : i32
        %add3A_819 = arith.constant 1 : i32
        %add3A_820 = arith.addi %mul3A_818, %add3A_819 : i32
        %get3A_821 = arith.constant 1 : i32
        %get3A_822 = arith.index_cast %get3A_821 : i32 to index
        %get3A_823 = arith.index_cast %add3A_820 : i32 to index
        %get3A_824 = arith.constant 112 : index
        %get3A_825 = tpu.vector_load %arg6[%get3A_822, %get3A_823, %get3A_824] {strides = array<i32>} : memref<5x128x128xf32, #tpu.memory_space<vmem>>, vector<1x1x16xf32>,
        %get3A_826 = vector.shape_cast %get3A_825 : vector<1x1x16xf32> to vector<16xf32>
        %mul3A_827 = arith.constant 11.3137083 : f32
        %mul3A_828 = vector.broadcast %mul3A_827 : f32 to vector<16xf32>
        %mul3A_829 = arith.mulf %get3A_826, %mul3A_828 : vector<16xf32>
        %swap3A_830 = arith.constant 1 : i32
        %swap3A_831 = arith.index_cast %swap3A_830 : i32 to index
        %swap3A_832 = arith.index_cast %add3A_820 : i32 to index
        %swap3A_833 = arith.constant 112 : index
        %swap3A_834 = tpu.vector_load %arg6[%swap3A_831, %swap3A_832, %swap3A_833] {strides = array<i32>} : memref<5x128x128xf32, #tpu.memory_space<vmem>>, vector<1x1x16xf32>,
        %swap3A_835 = vector.shape_cast %swap3A_834 : vector<1x1x16xf32> to vector<16xf32>
        %swap3A_836 = vector.shape_cast %mul3A_829 : vector<16xf32> to vector<1x1x16xf32>
        tpu.vector_store %arg6[%swap3A_831, %swap3A_832, %swap3A_833], %swap3A_836 {strides = array<i32>} : memref<5x128x128xf32, #tpu.memory_space<vmem>>, vector<1x1x16xf32>,
      }
      %scan3A_196 = arith.constant 64 : i32
      %jit3A_197 = arith.constant 1 : i32
      %div3A_198 = arith.divsi %add3A_167, %jit3A_197 : i32
      %sign3A_199 = arith.constant 0 : i32
      %sign3A_200 = arith.cmpi sgt, %add3A_167, %sign3A_199 : i32
      %sign3A_201 = arith.extui %sign3A_200 : i1 to i32
      %sign3A_202 = arith.constant 0 : i32
      %sign3A_203 = arith.cmpi slt, %add3A_167, %sign3A_202 : i32
      %sign3A_204 = arith.extui %sign3A_203 : i1 to i32
      %sign3A_205 = arith.subi %sign3A_201, %sign3A_204 : i32
      %sign3A_206 = arith.constant 0 : i32
      %sign3A_207 = arith.cmpi sgt, %jit3A_197, %sign3A_206 : i32
      %sign3A_208 = arith.extui %sign3A_207 : i1 to i32
      %sign3A_209 = arith.constant 0 : i32
      %sign3A_210 = arith.cmpi slt, %jit3A_197, %sign3A_209 : i32
      %sign3A_211 = arith.extui %sign3A_210 : i1 to i32
      %sign3A_212 = arith.subi %sign3A_208, %sign3A_211 : i32
      %ne3A_213 = arith.cmpi ne, %sign3A_205, %sign3A_212 : i32
      %rem3A_214 = arith.remsi %add3A_167, %jit3A_197 : i32
      %ne3A_215 = arith.constant 0 : i32
      %ne3A_216 = arith.cmpi ne, %rem3A_214, %ne3A_215 : i32
      %and3A_217 = arith.andi %ne3A_213, %ne3A_216 : i1
      %sub3A_218 = arith.constant 1 : i32
      %sub3A_219 = arith.subi %div3A_198, %sub3A_218 : i32
      %select_n3A_220 = arith.select %and3A_217, %sub3A_219, %div3A_198 : i32
      %jit3A_221 = arith.constant 1 : i32
      %eq3A_222 = arith.constant 0 : i32
      %eq3A_223 = arith.cmpi eq, %jit3A_221, %eq3A_222 : i32
      %jit3A_224 = arith.constant 1 : i32
      %select_n3A_225 = arith.select %eq3A_223, %jit3A_224, %jit3A_221 : i32
      %rem3A_226 = arith.remsi %add3A_167, %select_n3A_225 : i32
      %ne3A_227 = arith.constant 0 : i32
      %ne3A_228 = arith.cmpi ne, %rem3A_226, %ne3A_227 : i32
      %lt3A_229 = arith.constant 0 : i32
      %lt3A_230 = arith.cmpi slt, %rem3A_226, %lt3A_229 : i32
      %lt3A_231 = arith.constant 0 : i32
      %lt3A_232 = arith.cmpi slt, %select_n3A_225, %lt3A_231 : i32
      %ne3A_233 = arith.xori %lt3A_230, %lt3A_232 : i1
      %and3A_234 = arith.andi %ne3A_233, %ne3A_228 : i1
      %add3A_235 = arith.addi %rem3A_226, %select_n3A_225 : i32
      %select_n3A_236 = arith.select %and3A_234, %add3A_235, %rem3A_226 : i32
      %dma_start3A_237 = arith.constant 1 : i32
      %dma_start3A_238 = arith.constant 0 : i32
      %dma_start3A_239 = arith.constant 0 : i32
      %dma_start3A_240 = tpu.memref_slice %arg6[%dma_start3A_237, %dma_start3A_238, %dma_start3A_239] : memref<5x128x128xf32, #tpu.memory_space<vmem>> -> memref<1x128x128xf32, #tpu.memory_space<vmem>>
      %dma_start3A_241 = tpu.memref_squeeze %dma_start3A_240 : memref<1x128x128xf32, #tpu.memory_space<vmem>> -> memref<128x128xf32, #tpu.memory_space<vmem>>
      %dma_start3A_242 = arith.constant 0 : i32
      %dma_start3A_243 = arith.constant 0 : i32
      %dma_start3A_244 = tpu.memref_slice %arg4[%select_n3A_220, %add3A, %select_n3A_236, %dma_start3A_242, %dma_start3A_243] : memref<50x32x1x128x128xf32, #tpu.memory_space<hbm>> -> memref<1x1x1x128x128xf32, #tpu.memory_space<hbm>>
      %dma_start3A_245 = tpu.memref_squeeze %dma_start3A_244 : memref<1x1x1x128x128xf32, #tpu.memory_space<hbm>> -> memref<128x128xf32, #tpu.memory_space<hbm>>
      %dma_start3A_246 = arith.constant 0 : i32
      %dma_start3A_247 = arith.constant 0 : i32
      %dma_start3A_248 = tpu.memref_slice %arg4[%select_n3A_220, %add3A, %select_n3A_236, %dma_start3A_246, %dma_start3A_247] : memref<50x32x1x128x128xf32, #tpu.memory_space<hbm>> -> memref<1x1x1x128x128xf32, #tpu.memory_space<hbm>>
      %dma_start3A_249 = tpu.memref_squeeze %dma_start3A_248 : memref<1x1x1x128x128xf32, #tpu.memory_space<hbm>> -> memref<128x128xf32, #tpu.memory_space<hbm>>
      %dma_start3A_250 = arith.constant 0 : i32
      %dma_start3A_251 = arith.constant 0 : i32
      %dma_start3A_252 = tpu.memref_slice %arg6[%dma_start3A_237, %dma_start3A_250, %dma_start3A_251] : memref<5x128x128xf32, #tpu.memory_space<vmem>> -> memref<1x128x128xf32, #tpu.memory_space<vmem>>
      %dma_start3A_253 = tpu.memref_squeeze %dma_start3A_252 : memref<1x128x128xf32, #tpu.memory_space<vmem>> -> memref<128x128xf32, #tpu.memory_space<vmem>>
      tpu.enqueue_dma source(%dma_start3A_253 : memref<128x128xf32, #tpu.memory_space<vmem>>) target(%dma_start3A_249 : memref<128x128xf32, #tpu.memory_space<hbm>>) target_semaphore(%arg8 : memref<!tpu.dma_semaphore, #tpu.memory_space<semaphore_mem>>)
      %add3A_254 = arith.constant 2 : i32
      %add3A_255 = arith.addi %mul3A_90, %add3A_254 : i32
      %ge3A_256 = arith.constant 3 : i32
      %ge3A_257 = arith.cmpi sge, %add3A_255, %ge3A_256 : i32
      %convert_element_type3A_258 = arith.extui %ge3A_257 : i1 to i32
      %cond3A_259 = arith.constant 0 : i32
      %cond3A_260 = arith.cmpi ne, %convert_element_type3A_258, %cond3A_259 : i32
      scf.if %cond3A_260 {
        %dma_wait3A_518 = arith.constant 0 : i32
        %dma_wait3A_519 = arith.constant 0 : i32
        %dma_wait3A_520 = arith.constant 0 : i32
        %dma_wait3A_521 = arith.constant 0 : i32
        %dma_wait3A_522 = arith.constant 0 : i32
        %dma_wait3A_523 = arith.constant 0 : i32
        %dma_wait3A_524 = tpu.memref_slice %arg6[%dma_wait3A_518, %dma_wait3A_522, %dma_wait3A_523] : memref<5x128x128xf32, #tpu.memory_space<vmem>> -> memref<1x128x128xf32, #tpu.memory_space<vmem>>
        %dma_wait3A_525 = tpu.memref_squeeze %dma_wait3A_524 : memref<1x128x128xf32, #tpu.memory_space<vmem>> -> memref<128x128xf32, #tpu.memory_space<vmem>>
        %dma_wait3A_526 = arith.constant 0 : i32
        %dma_wait3A_527 = arith.constant 0 : i32
        %dma_wait3A_528 = tpu.memref_slice %arg4[%dma_wait3A_519, %dma_wait3A_520, %dma_wait3A_521, %dma_wait3A_526, %dma_wait3A_527] : memref<50x32x1x128x128xf32, #tpu.memory_space<hbm>> -> memref<1x1x1x128x128xf32, #tpu.memory_space<hbm>>
        %dma_wait3A_529 = tpu.memref_squeeze %dma_wait3A_528 : memref<1x1x1x128x128xf32, #tpu.memory_space<hbm>> -> memref<128x128xf32, #tpu.memory_space<hbm>>
        %dma_wait3A_530 = arith.constant 0 : i32
        %dma_wait3A_531 = arith.constant 0 : i32
        %dma_wait3A_532 = tpu.memref_slice %arg4[%dma_wait3A_519, %dma_wait3A_520, %dma_wait3A_521, %dma_wait3A_530, %dma_wait3A_531] : memref<50x32x1x128x128xf32, #tpu.memory_space<hbm>> -> memref<1x1x1x128x128xf32, #tpu.memory_space<hbm>>
        %dma_wait3A_533 = tpu.memref_squeeze %dma_wait3A_532 : memref<1x1x1x128x128xf32, #tpu.memory_space<hbm>> -> memref<128x128xf32, #tpu.memory_space<hbm>>
        %dma_wait3A_534 = arith.constant 0 : i32
        %dma_wait3A_535 = arith.constant 0 : i32
        %dma_wait3A_536 = tpu.memref_slice %arg6[%dma_wait3A_518, %dma_wait3A_534, %dma_wait3A_535] : memref<5x128x128xf32, #tpu.memory_space<vmem>> -> memref<1x128x128xf32, #tpu.memory_space<vmem>>
        %dma_wait3A_537 = tpu.memref_squeeze %dma_wait3A_536 : memref<1x128x128xf32, #tpu.memory_space<vmem>> -> memref<128x128xf32, #tpu.memory_space<vmem>>
        tpu.wait_dma2 semaphore(%arg8 : memref<!tpu.dma_semaphore, #tpu.memory_space<semaphore_mem>>) src(%dma_wait3A_537 : memref<128x128xf32, #tpu.memory_space<vmem>>) dst(%dma_wait3A_533 : memref<128x128xf32, #tpu.memory_space<hbm>>)
      } else {
      }
      %add3A_261 = arith.constant 2 : i32
      %add3A_262 = arith.addi %add3A_255, %add3A_261 : i32
      %lt3A_263 = arith.constant 50 : i32
      %lt3A_264 = arith.cmpi slt, %add3A_262, %lt3A_263 : i32
      %convert_element_type3A_265 = arith.extui %lt3A_264 : i1 to i32
      %cond3A_266 = arith.constant 0 : i32
      %cond3A_267 = arith.cmpi ne, %convert_element_type3A_265, %cond3A_266 : i32
      scf.if %cond3A_267 {
        %add3A_518 = arith.constant 2 : i32
        %add3A_519 = arith.addi %add3A_255, %add3A_518 : i32
        %dma_start3A_520 = arith.constant 4 : i32
        %dma_start3A_521 = arith.constant 0 : i32
        %dma_start3A_522 = arith.constant 0 : i32
        %dma_start3A_523 = tpu.memref_slice %arg6[%dma_start3A_520, %dma_start3A_521, %dma_start3A_522] : memref<5x128x128xf32, #tpu.memory_space<vmem>> -> memref<1x128x128xf32, #tpu.memory_space<vmem>>
        %dma_start3A_524 = tpu.memref_squeeze %dma_start3A_523 : memref<1x128x128xf32, #tpu.memory_space<vmem>> -> memref<128x128xf32, #tpu.memory_space<vmem>>
        %dma_start3A_525 = arith.constant 0 : i32
        %dma_start3A_526 = tpu.memref_slice %arg5[%add3A_519, %dma_start3A_525] : memref<50x128xi32, #tpu.memory_space<vmem>> -> memref<1x128xi32, #tpu.memory_space<vmem>>
        %dma_start3A_527 = tpu.memref_squeeze %dma_start3A_526 : memref<1x128xi32, #tpu.memory_space<vmem>> -> memref<128xi32, #tpu.memory_space<vmem>>
        %dma_start3A_528 = arith.constant 0 : i32
        %dma_start3A_529 = arith.constant 0 : i32
        %dma_start3A_530 = tpu.memref_slice %arg3[%dma_start3A_528, %dma_start3A_529] : memref<100000x128xf32, #tpu.memory_space<hbm>> -> memref<100000x128xf32, #tpu.memory_space<hbm>>
        tpu.enqueue_indirect_dma source(%dma_start3A_530 : memref<100000x128xf32, #tpu.memory_space<hbm>>) target(%dma_start3A_524 : memref<128x128xf32, #tpu.memory_space<vmem>>) offsets(%dma_start3A_527 : memref<128xi32, #tpu.memory_space<vmem>>) semaphore(%arg7 : memref<!tpu.dma_semaphore, #tpu.memory_space<semaphore_mem>>)
      } else {
      }
      %dma_wait3A_268 = arith.constant 2 : i32
      %dma_wait3A_269 = arith.constant 0 : i32
      %dma_wait3A_270 = arith.constant 0 : i32
      %dma_wait3A_271 = tpu.memref_slice %arg6[%dma_wait3A_268, %dma_wait3A_269, %dma_wait3A_270] : memref<5x128x128xf32, #tpu.memory_space<vmem>> -> memref<1x128x128xf32, #tpu.memory_space<vmem>>
      %dma_wait3A_272 = tpu.memref_squeeze %dma_wait3A_271 : memref<1x128x128xf32, #tpu.memory_space<vmem>> -> memref<128x128xf32, #tpu.memory_space<vmem>>
      %dma_wait3A_273 = arith.constant 0 : i32
      %dma_wait3A_274 = tpu.memref_slice %arg5[%add3A_255, %dma_wait3A_273] : memref<50x128xi32, #tpu.memory_space<vmem>> -> memref<1x128xi32, #tpu.memory_space<vmem>>
      %dma_wait3A_275 = tpu.memref_squeeze %dma_wait3A_274 : memref<1x128xi32, #tpu.memory_space<vmem>> -> memref<128xi32, #tpu.memory_space<vmem>>
      %dma_wait3A_276 = arith.constant 0 : i32
      %dma_wait3A_277 = arith.constant 0 : i32
      %dma_wait3A_278 = tpu.memref_slice %arg3[%dma_wait3A_276, %dma_wait3A_277] : memref<100000x128xf32, #tpu.memory_space<hbm>> -> memref<100000x128xf32, #tpu.memory_space<hbm>>
      tpu.wait_indirect_dma semaphore(%arg7 : memref<!tpu.dma_semaphore, #tpu.memory_space<semaphore_mem>>) src(%dma_wait3A_278 : memref<100000x128xf32, #tpu.memory_space<hbm>>) dst(%dma_wait3A_272 : memref<128x128xf32, #tpu.memory_space<vmem>>)
      %scan3A_279 = arith.constant 0 : i32
      %scan3A_280 = arith.constant 0 : i32
      %scan3A_281 = arith.constant 64 : i32
      %scan3A_282 = arith.addi %scan3A_280, %scan3A_281 : i32
      %scan3A_283 = arith.constant 1 : i32
      scf.for %scan3A_518 = %scan3A_280 to %scan3A_282 step %scan3A_283  : i32 {
        %mul3A_519 = arith.constant 2 : i32
        %mul3A_520 = arith.muli %scan3A_518, %mul3A_519 : i32
        %add3A_521 = arith.constant 0 : i32
        %add3A_522 = arith.addi %mul3A_520, %add3A_521 : i32
        %get3A = arith.constant 2 : i32
        %get3A_523 = arith.index_cast %get3A : i32 to index
        %get3A_524 = arith.index_cast %add3A_522 : i32 to index
        %get3A_525 = arith.constant 0 : index
        %get3A_526 = tpu.vector_load %arg6[%get3A_523, %get3A_524, %get3A_525] {strides = array<i32>} : memref<5x128x128xf32, #tpu.memory_space<vmem>>, vector<1x1x16xf32>,
        %get3A_527 = vector.shape_cast %get3A_526 : vector<1x1x16xf32> to vector<16xf32>
        %mul3A_528 = arith.constant 11.3137083 : f32
        %mul3A_529 = vector.broadcast %mul3A_528 : f32 to vector<16xf32>
        %mul3A_530 = arith.mulf %get3A_527, %mul3A_529 : vector<16xf32>
        %swap3A = arith.constant 2 : i32
        %swap3A_531 = arith.index_cast %swap3A : i32 to index
        %swap3A_532 = arith.index_cast %add3A_522 : i32 to index
        %swap3A_533 = arith.constant 0 : index
        %swap3A_534 = tpu.vector_load %arg6[%swap3A_531, %swap3A_532, %swap3A_533] {strides = array<i32>} : memref<5x128x128xf32, #tpu.memory_space<vmem>>, vector<1x1x16xf32>,
        %swap3A_535 = vector.shape_cast %swap3A_534 : vector<1x1x16xf32> to vector<16xf32>
        %swap3A_536 = vector.shape_cast %mul3A_530 : vector<16xf32> to vector<1x1x16xf32>
        tpu.vector_store %arg6[%swap3A_531, %swap3A_532, %swap3A_533], %swap3A_536 {strides = array<i32>} : memref<5x128x128xf32, #tpu.memory_space<vmem>>, vector<1x1x16xf32>,
        %mul3A_537 = arith.constant 2 : i32
        %mul3A_538 = arith.muli %scan3A_518, %mul3A_537 : i32
        %add3A_539 = arith.constant 0 : i32
        %add3A_540 = arith.addi %mul3A_538, %add3A_539 : i32
        %get3A_541 = arith.constant 2 : i32
        %get3A_542 = arith.index_cast %get3A_541 : i32 to index
        %get3A_543 = arith.index_cast %add3A_540 : i32 to index
        %get3A_544 = arith.constant 16 : index
        %get3A_545 = tpu.vector_load %arg6[%get3A_542, %get3A_543, %get3A_544] {strides = array<i32>} : memref<5x128x128xf32, #tpu.memory_space<vmem>>, vector<1x1x16xf32>,
        %get3A_546 = vector.shape_cast %get3A_545 : vector<1x1x16xf32> to vector<16xf32>
        %mul3A_547 = arith.constant 11.3137083 : f32
        %mul3A_548 = vector.broadcast %mul3A_547 : f32 to vector<16xf32>
        %mul3A_549 = arith.mulf %get3A_546, %mul3A_548 : vector<16xf32>
        %swap3A_550 = arith.constant 2 : i32
        %swap3A_551 = arith.index_cast %swap3A_550 : i32 to index
        %swap3A_552 = arith.index_cast %add3A_540 : i32 to index
        %swap3A_553 = arith.constant 16 : index
        %swap3A_554 = tpu.vector_load %arg6[%swap3A_551, %swap3A_552, %swap3A_553] {strides = array<i32>} : memref<5x128x128xf32, #tpu.memory_space<vmem>>, vector<1x1x16xf32>,
        %swap3A_555 = vector.shape_cast %swap3A_554 : vector<1x1x16xf32> to vector<16xf32>
        %swap3A_556 = vector.shape_cast %mul3A_549 : vector<16xf32> to vector<1x1x16xf32>
        tpu.vector_store %arg6[%swap3A_551, %swap3A_552, %swap3A_553], %swap3A_556 {strides = array<i32>} : memref<5x128x128xf32, #tpu.memory_space<vmem>>, vector<1x1x16xf32>,
        %mul3A_557 = arith.constant 2 : i32
        %mul3A_558 = arith.muli %scan3A_518, %mul3A_557 : i32
        %add3A_559 = arith.constant 0 : i32
        %add3A_560 = arith.addi %mul3A_558, %add3A_559 : i32
        %get3A_561 = arith.constant 2 : i32
        %get3A_562 = arith.index_cast %get3A_561 : i32 to index
        %get3A_563 = arith.index_cast %add3A_560 : i32 to index
        %get3A_564 = arith.constant 32 : index
        %get3A_565 = tpu.vector_load %arg6[%get3A_562, %get3A_563, %get3A_564] {strides = array<i32>} : memref<5x128x128xf32, #tpu.memory_space<vmem>>, vector<1x1x16xf32>,
        %get3A_566 = vector.shape_cast %get3A_565 : vector<1x1x16xf32> to vector<16xf32>
        %mul3A_567 = arith.constant 11.3137083 : f32
        %mul3A_568 = vector.broadcast %mul3A_567 : f32 to vector<16xf32>
        %mul3A_569 = arith.mulf %get3A_566, %mul3A_568 : vector<16xf32>
        %swap3A_570 = arith.constant 2 : i32
        %swap3A_571 = arith.index_cast %swap3A_570 : i32 to index
        %swap3A_572 = arith.index_cast %add3A_560 : i32 to index
        %swap3A_573 = arith.constant 32 : index
        %swap3A_574 = tpu.vector_load %arg6[%swap3A_571, %swap3A_572, %swap3A_573] {strides = array<i32>} : memref<5x128x128xf32, #tpu.memory_space<vmem>>, vector<1x1x16xf32>,
        %swap3A_575 = vector.shape_cast %swap3A_574 : vector<1x1x16xf32> to vector<16xf32>
        %swap3A_576 = vector.shape_cast %mul3A_569 : vector<16xf32> to vector<1x1x16xf32>
        tpu.vector_store %arg6[%swap3A_571, %swap3A_572, %swap3A_573], %swap3A_576 {strides = array<i32>} : memref<5x128x128xf32, #tpu.memory_space<vmem>>, vector<1x1x16xf32>,
        %mul3A_577 = arith.constant 2 : i32
        %mul3A_578 = arith.muli %scan3A_518, %mul3A_577 : i32
        %add3A_579 = arith.constant 0 : i32
        %add3A_580 = arith.addi %mul3A_578, %add3A_579 : i32
        %get3A_581 = arith.constant 2 : i32
        %get3A_582 = arith.index_cast %get3A_581 : i32 to index
        %get3A_583 = arith.index_cast %add3A_580 : i32 to index
        %get3A_584 = arith.constant 48 : index
        %get3A_585 = tpu.vector_load %arg6[%get3A_582, %get3A_583, %get3A_584] {strides = array<i32>} : memref<5x128x128xf32, #tpu.memory_space<vmem>>, vector<1x1x16xf32>,
        %get3A_586 = vector.shape_cast %get3A_585 : vector<1x1x16xf32> to vector<16xf32>
        %mul3A_587 = arith.constant 11.3137083 : f32
        %mul3A_588 = vector.broadcast %mul3A_587 : f32 to vector<16xf32>
        %mul3A_589 = arith.mulf %get3A_586, %mul3A_588 : vector<16xf32>
        %swap3A_590 = arith.constant 2 : i32
        %swap3A_591 = arith.index_cast %swap3A_590 : i32 to index
        %swap3A_592 = arith.index_cast %add3A_580 : i32 to index
        %swap3A_593 = arith.constant 48 : index
        %swap3A_594 = tpu.vector_load %arg6[%swap3A_591, %swap3A_592, %swap3A_593] {strides = array<i32>} : memref<5x128x128xf32, #tpu.memory_space<vmem>>, vector<1x1x16xf32>,
        %swap3A_595 = vector.shape_cast %swap3A_594 : vector<1x1x16xf32> to vector<16xf32>
        %swap3A_596 = vector.shape_cast %mul3A_589 : vector<16xf32> to vector<1x1x16xf32>
        tpu.vector_store %arg6[%swap3A_591, %swap3A_592, %swap3A_593], %swap3A_596 {strides = array<i32>} : memref<5x128x128xf32, #tpu.memory_space<vmem>>, vector<1x1x16xf32>,
        %mul3A_597 = arith.constant 2 : i32
        %mul3A_598 = arith.muli %scan3A_518, %mul3A_597 : i32
        %add3A_599 = arith.constant 0 : i32
        %add3A_600 = arith.addi %mul3A_598, %add3A_599 : i32
        %get3A_601 = arith.constant 2 : i32
        %get3A_602 = arith.index_cast %get3A_601 : i32 to index
        %get3A_603 = arith.index_cast %add3A_600 : i32 to index
        %get3A_604 = arith.constant 64 : index
        %get3A_605 = tpu.vector_load %arg6[%get3A_602, %get3A_603, %get3A_604] {strides = array<i32>} : memref<5x128x128xf32, #tpu.memory_space<vmem>>, vector<1x1x16xf32>,
        %get3A_606 = vector.shape_cast %get3A_605 : vector<1x1x16xf32> to vector<16xf32>
        %mul3A_607 = arith.constant 11.3137083 : f32
        %mul3A_608 = vector.broadcast %mul3A_607 : f32 to vector<16xf32>
        %mul3A_609 = arith.mulf %get3A_606, %mul3A_608 : vector<16xf32>
        %swap3A_610 = arith.constant 2 : i32
        %swap3A_611 = arith.index_cast %swap3A_610 : i32 to index
        %swap3A_612 = arith.index_cast %add3A_600 : i32 to index
        %swap3A_613 = arith.constant 64 : index
        %swap3A_614 = tpu.vector_load %arg6[%swap3A_611, %swap3A_612, %swap3A_613] {strides = array<i32>} : memref<5x128x128xf32, #tpu.memory_space<vmem>>, vector<1x1x16xf32>,
        %swap3A_615 = vector.shape_cast %swap3A_614 : vector<1x1x16xf32> to vector<16xf32>
        %swap3A_616 = vector.shape_cast %mul3A_609 : vector<16xf32> to vector<1x1x16xf32>
        tpu.vector_store %arg6[%swap3A_611, %swap3A_612, %swap3A_613], %swap3A_616 {strides = array<i32>} : memref<5x128x128xf32, #tpu.memory_space<vmem>>, vector<1x1x16xf32>,
        %mul3A_617 = arith.constant 2 : i32
        %mul3A_618 = arith.muli %scan3A_518, %mul3A_617 : i32
        %add3A_619 = arith.constant 0 : i32
        %add3A_620 = arith.addi %mul3A_618, %add3A_619 : i32
        %get3A_621 = arith.constant 2 : i32
        %get3A_622 = arith.index_cast %get3A_621 : i32 to index
        %get3A_623 = arith.index_cast %add3A_620 : i32 to index
        %get3A_624 = arith.constant 80 : index
        %get3A_625 = tpu.vector_load %arg6[%get3A_622, %get3A_623, %get3A_624] {strides = array<i32>} : memref<5x128x128xf32, #tpu.memory_space<vmem>>, vector<1x1x16xf32>,
        %get3A_626 = vector.shape_cast %get3A_625 : vector<1x1x16xf32> to vector<16xf32>
        %mul3A_627 = arith.constant 11.3137083 : f32
        %mul3A_628 = vector.broadcast %mul3A_627 : f32 to vector<16xf32>
        %mul3A_629 = arith.mulf %get3A_626, %mul3A_628 : vector<16xf32>
        %swap3A_630 = arith.constant 2 : i32
        %swap3A_631 = arith.index_cast %swap3A_630 : i32 to index
        %swap3A_632 = arith.index_cast %add3A_620 : i32 to index
        %swap3A_633 = arith.constant 80 : index
        %swap3A_634 = tpu.vector_load %arg6[%swap3A_631, %swap3A_632, %swap3A_633] {strides = array<i32>} : memref<5x128x128xf32, #tpu.memory_space<vmem>>, vector<1x1x16xf32>,
        %swap3A_635 = vector.shape_cast %swap3A_634 : vector<1x1x16xf32> to vector<16xf32>
        %swap3A_636 = vector.shape_cast %mul3A_629 : vector<16xf32> to vector<1x1x16xf32>
        tpu.vector_store %arg6[%swap3A_631, %swap3A_632, %swap3A_633], %swap3A_636 {strides = array<i32>} : memref<5x128x128xf32, #tpu.memory_space<vmem>>, vector<1x1x16xf32>,
        %mul3A_637 = arith.constant 2 : i32
        %mul3A_638 = arith.muli %scan3A_518, %mul3A_637 : i32
        %add3A_639 = arith.constant 0 : i32
        %add3A_640 = arith.addi %mul3A_638, %add3A_639 : i32
        %get3A_641 = arith.constant 2 : i32
        %get3A_642 = arith.index_cast %get3A_641 : i32 to index
        %get3A_643 = arith.index_cast %add3A_640 : i32 to index
        %get3A_644 = arith.constant 96 : index
        %get3A_645 = tpu.vector_load %arg6[%get3A_642, %get3A_643, %get3A_644] {strides = array<i32>} : memref<5x128x128xf32, #tpu.memory_space<vmem>>, vector<1x1x16xf32>,
        %get3A_646 = vector.shape_cast %get3A_645 : vector<1x1x16xf32> to vector<16xf32>
        %mul3A_647 = arith.constant 11.3137083 : f32
        %mul3A_648 = vector.broadcast %mul3A_647 : f32 to vector<16xf32>
        %mul3A_649 = arith.mulf %get3A_646, %mul3A_648 : vector<16xf32>
        %swap3A_650 = arith.constant 2 : i32
        %swap3A_651 = arith.index_cast %swap3A_650 : i32 to index
        %swap3A_652 = arith.index_cast %add3A_640 : i32 to index
        %swap3A_653 = arith.constant 96 : index
        %swap3A_654 = tpu.vector_load %arg6[%swap3A_651, %swap3A_652, %swap3A_653] {strides = array<i32>} : memref<5x128x128xf32, #tpu.memory_space<vmem>>, vector<1x1x16xf32>,
        %swap3A_655 = vector.shape_cast %swap3A_654 : vector<1x1x16xf32> to vector<16xf32>
        %swap3A_656 = vector.shape_cast %mul3A_649 : vector<16xf32> to vector<1x1x16xf32>
        tpu.vector_store %arg6[%swap3A_651, %swap3A_652, %swap3A_653], %swap3A_656 {strides = array<i32>} : memref<5x128x128xf32, #tpu.memory_space<vmem>>, vector<1x1x16xf32>,
        %mul3A_657 = arith.constant 2 : i32
        %mul3A_658 = arith.muli %scan3A_518, %mul3A_657 : i32
        %add3A_659 = arith.constant 0 : i32
        %add3A_660 = arith.addi %mul3A_658, %add3A_659 : i32
        %get3A_661 = arith.constant 2 : i32
        %get3A_662 = arith.index_cast %get3A_661 : i32 to index
        %get3A_663 = arith.index_cast %add3A_660 : i32 to index
        %get3A_664 = arith.constant 112 : index
        %get3A_665 = tpu.vector_load %arg6[%get3A_662, %get3A_663, %get3A_664] {strides = array<i32>} : memref<5x128x128xf32, #tpu.memory_space<vmem>>, vector<1x1x16xf32>,
        %get3A_666 = vector.shape_cast %get3A_665 : vector<1x1x16xf32> to vector<16xf32>
        %mul3A_667 = arith.constant 11.3137083 : f32
        %mul3A_668 = vector.broadcast %mul3A_667 : f32 to vector<16xf32>
        %mul3A_669 = arith.mulf %get3A_666, %mul3A_668 : vector<16xf32>
        %swap3A_670 = arith.constant 2 : i32
        %swap3A_671 = arith.index_cast %swap3A_670 : i32 to index
        %swap3A_672 = arith.index_cast %add3A_660 : i32 to index
        %swap3A_673 = arith.constant 112 : index
        %swap3A_674 = tpu.vector_load %arg6[%swap3A_671, %swap3A_672, %swap3A_673] {strides = array<i32>} : memref<5x128x128xf32, #tpu.memory_space<vmem>>, vector<1x1x16xf32>,
        %swap3A_675 = vector.shape_cast %swap3A_674 : vector<1x1x16xf32> to vector<16xf32>
        %swap3A_676 = vector.shape_cast %mul3A_669 : vector<16xf32> to vector<1x1x16xf32>
        tpu.vector_store %arg6[%swap3A_671, %swap3A_672, %swap3A_673], %swap3A_676 {strides = array<i32>} : memref<5x128x128xf32, #tpu.memory_space<vmem>>, vector<1x1x16xf32>,
        %mul3A_677 = arith.constant 2 : i32
        %mul3A_678 = arith.muli %scan3A_518, %mul3A_677 : i32
        %add3A_679 = arith.constant 1 : i32
        %add3A_680 = arith.addi %mul3A_678, %add3A_679 : i32
        %get3A_681 = arith.constant 2 : i32
        %get3A_682 = arith.index_cast %get3A_681 : i32 to index
        %get3A_683 = arith.index_cast %add3A_680 : i32 to index
        %get3A_684 = arith.constant 0 : index
        %get3A_685 = tpu.vector_load %arg6[%get3A_682, %get3A_683, %get3A_684] {strides = array<i32>} : memref<5x128x128xf32, #tpu.memory_space<vmem>>, vector<1x1x16xf32>,
        %get3A_686 = vector.shape_cast %get3A_685 : vector<1x1x16xf32> to vector<16xf32>
        %mul3A_687 = arith.constant 11.3137083 : f32
        %mul3A_688 = vector.broadcast %mul3A_687 : f32 to vector<16xf32>
        %mul3A_689 = arith.mulf %get3A_686, %mul3A_688 : vector<16xf32>
        %swap3A_690 = arith.constant 2 : i32
        %swap3A_691 = arith.index_cast %swap3A_690 : i32 to index
        %swap3A_692 = arith.index_cast %add3A_680 : i32 to index
        %swap3A_693 = arith.constant 0 : index
        %swap3A_694 = tpu.vector_load %arg6[%swap3A_691, %swap3A_692, %swap3A_693] {strides = array<i32>} : memref<5x128x128xf32, #tpu.memory_space<vmem>>, vector<1x1x16xf32>,
        %swap3A_695 = vector.shape_cast %swap3A_694 : vector<1x1x16xf32> to vector<16xf32>
        %swap3A_696 = vector.shape_cast %mul3A_689 : vector<16xf32> to vector<1x1x16xf32>
        tpu.vector_store %arg6[%swap3A_691, %swap3A_692, %swap3A_693], %swap3A_696 {strides = array<i32>} : memref<5x128x128xf32, #tpu.memory_space<vmem>>, vector<1x1x16xf32>,
        %mul3A_697 = arith.constant 2 : i32
        %mul3A_698 = arith.muli %scan3A_518, %mul3A_697 : i32
        %add3A_699 = arith.constant 1 : i32
        %add3A_700 = arith.addi %mul3A_698, %add3A_699 : i32
        %get3A_701 = arith.constant 2 : i32
        %get3A_702 = arith.index_cast %get3A_701 : i32 to index
        %get3A_703 = arith.index_cast %add3A_700 : i32 to index
        %get3A_704 = arith.constant 16 : index
        %get3A_705 = tpu.vector_load %arg6[%get3A_702, %get3A_703, %get3A_704] {strides = array<i32>} : memref<5x128x128xf32, #tpu.memory_space<vmem>>, vector<1x1x16xf32>,
        %get3A_706 = vector.shape_cast %get3A_705 : vector<1x1x16xf32> to vector<16xf32>
        %mul3A_707 = arith.constant 11.3137083 : f32
        %mul3A_708 = vector.broadcast %mul3A_707 : f32 to vector<16xf32>
        %mul3A_709 = arith.mulf %get3A_706, %mul3A_708 : vector<16xf32>
        %swap3A_710 = arith.constant 2 : i32
        %swap3A_711 = arith.index_cast %swap3A_710 : i32 to index
        %swap3A_712 = arith.index_cast %add3A_700 : i32 to index
        %swap3A_713 = arith.constant 16 : index
        %swap3A_714 = tpu.vector_load %arg6[%swap3A_711, %swap3A_712, %swap3A_713] {strides = array<i32>} : memref<5x128x128xf32, #tpu.memory_space<vmem>>, vector<1x1x16xf32>,
        %swap3A_715 = vector.shape_cast %swap3A_714 : vector<1x1x16xf32> to vector<16xf32>
        %swap3A_716 = vector.shape_cast %mul3A_709 : vector<16xf32> to vector<1x1x16xf32>
        tpu.vector_store %arg6[%swap3A_711, %swap3A_712, %swap3A_713], %swap3A_716 {strides = array<i32>} : memref<5x128x128xf32, #tpu.memory_space<vmem>>, vector<1x1x16xf32>,
        %mul3A_717 = arith.constant 2 : i32
        %mul3A_718 = arith.muli %scan3A_518, %mul3A_717 : i32
        %add3A_719 = arith.constant 1 : i32
        %add3A_720 = arith.addi %mul3A_718, %add3A_719 : i32
        %get3A_721 = arith.constant 2 : i32
        %get3A_722 = arith.index_cast %get3A_721 : i32 to index
        %get3A_723 = arith.index_cast %add3A_720 : i32 to index
        %get3A_724 = arith.constant 32 : index
        %get3A_725 = tpu.vector_load %arg6[%get3A_722, %get3A_723, %get3A_724] {strides = array<i32>} : memref<5x128x128xf32, #tpu.memory_space<vmem>>, vector<1x1x16xf32>,
        %get3A_726 = vector.shape_cast %get3A_725 : vector<1x1x16xf32> to vector<16xf32>
        %mul3A_727 = arith.constant 11.3137083 : f32
        %mul3A_728 = vector.broadcast %mul3A_727 : f32 to vector<16xf32>
        %mul3A_729 = arith.mulf %get3A_726, %mul3A_728 : vector<16xf32>
        %swap3A_730 = arith.constant 2 : i32
        %swap3A_731 = arith.index_cast %swap3A_730 : i32 to index
        %swap3A_732 = arith.index_cast %add3A_720 : i32 to index
        %swap3A_733 = arith.constant 32 : index
        %swap3A_734 = tpu.vector_load %arg6[%swap3A_731, %swap3A_732, %swap3A_733] {strides = array<i32>} : memref<5x128x128xf32, #tpu.memory_space<vmem>>, vector<1x1x16xf32>,
        %swap3A_735 = vector.shape_cast %swap3A_734 : vector<1x1x16xf32> to vector<16xf32>
        %swap3A_736 = vector.shape_cast %mul3A_729 : vector<16xf32> to vector<1x1x16xf32>
        tpu.vector_store %arg6[%swap3A_731, %swap3A_732, %swap3A_733], %swap3A_736 {strides = array<i32>} : memref<5x128x128xf32, #tpu.memory_space<vmem>>, vector<1x1x16xf32>,
        %mul3A_737 = arith.constant 2 : i32
        %mul3A_738 = arith.muli %scan3A_518, %mul3A_737 : i32
        %add3A_739 = arith.constant 1 : i32
        %add3A_740 = arith.addi %mul3A_738, %add3A_739 : i32
        %get3A_741 = arith.constant 2 : i32
        %get3A_742 = arith.index_cast %get3A_741 : i32 to index
        %get3A_743 = arith.index_cast %add3A_740 : i32 to index
        %get3A_744 = arith.constant 48 : index
        %get3A_745 = tpu.vector_load %arg6[%get3A_742, %get3A_743, %get3A_744] {strides = array<i32>} : memref<5x128x128xf32, #tpu.memory_space<vmem>>, vector<1x1x16xf32>,
        %get3A_746 = vector.shape_cast %get3A_745 : vector<1x1x16xf32> to vector<16xf32>
        %mul3A_747 = arith.constant 11.3137083 : f32
        %mul3A_748 = vector.broadcast %mul3A_747 : f32 to vector<16xf32>
        %mul3A_749 = arith.mulf %get3A_746, %mul3A_748 : vector<16xf32>
        %swap3A_750 = arith.constant 2 : i32
        %swap3A_751 = arith.index_cast %swap3A_750 : i32 to index
        %swap3A_752 = arith.index_cast %add3A_740 : i32 to index
        %swap3A_753 = arith.constant 48 : index
        %swap3A_754 = tpu.vector_load %arg6[%swap3A_751, %swap3A_752, %swap3A_753] {strides = array<i32>} : memref<5x128x128xf32, #tpu.memory_space<vmem>>, vector<1x1x16xf32>,
        %swap3A_755 = vector.shape_cast %swap3A_754 : vector<1x1x16xf32> to vector<16xf32>
        %swap3A_756 = vector.shape_cast %mul3A_749 : vector<16xf32> to vector<1x1x16xf32>
        tpu.vector_store %arg6[%swap3A_751, %swap3A_752, %swap3A_753], %swap3A_756 {strides = array<i32>} : memref<5x128x128xf32, #tpu.memory_space<vmem>>, vector<1x1x16xf32>,
        %mul3A_757 = arith.constant 2 : i32
        %mul3A_758 = arith.muli %scan3A_518, %mul3A_757 : i32
        %add3A_759 = arith.constant 1 : i32
        %add3A_760 = arith.addi %mul3A_758, %add3A_759 : i32
        %get3A_761 = arith.constant 2 : i32
        %get3A_762 = arith.index_cast %get3A_761 : i32 to index
        %get3A_763 = arith.index_cast %add3A_760 : i32 to index
        %get3A_764 = arith.constant 64 : index
        %get3A_765 = tpu.vector_load %arg6[%get3A_762, %get3A_763, %get3A_764] {strides = array<i32>} : memref<5x128x128xf32, #tpu.memory_space<vmem>>, vector<1x1x16xf32>,
        %get3A_766 = vector.shape_cast %get3A_765 : vector<1x1x16xf32> to vector<16xf32>
        %mul3A_767 = arith.constant 11.3137083 : f32
        %mul3A_768 = vector.broadcast %mul3A_767 : f32 to vector<16xf32>
        %mul3A_769 = arith.mulf %get3A_766, %mul3A_768 : vector<16xf32>
        %swap3A_770 = arith.constant 2 : i32
        %swap3A_771 = arith.index_cast %swap3A_770 : i32 to index
        %swap3A_772 = arith.index_cast %add3A_760 : i32 to index
        %swap3A_773 = arith.constant 64 : index
        %swap3A_774 = tpu.vector_load %arg6[%swap3A_771, %swap3A_772, %swap3A_773] {strides = array<i32>} : memref<5x128x128xf32, #tpu.memory_space<vmem>>, vector<1x1x16xf32>,
        %swap3A_775 = vector.shape_cast %swap3A_774 : vector<1x1x16xf32> to vector<16xf32>
        %swap3A_776 = vector.shape_cast %mul3A_769 : vector<16xf32> to vector<1x1x16xf32>
        tpu.vector_store %arg6[%swap3A_771, %swap3A_772, %swap3A_773], %swap3A_776 {strides = array<i32>} : memref<5x128x128xf32, #tpu.memory_space<vmem>>, vector<1x1x16xf32>,
        %mul3A_777 = arith.constant 2 : i32
        %mul3A_778 = arith.muli %scan3A_518, %mul3A_777 : i32
        %add3A_779 = arith.constant 1 : i32
        %add3A_780 = arith.addi %mul3A_778, %add3A_779 : i32
        %get3A_781 = arith.constant 2 : i32
        %get3A_782 = arith.index_cast %get3A_781 : i32 to index
        %get3A_783 = arith.index_cast %add3A_780 : i32 to index
        %get3A_784 = arith.constant 80 : index
        %get3A_785 = tpu.vector_load %arg6[%get3A_782, %get3A_783, %get3A_784] {strides = array<i32>} : memref<5x128x128xf32, #tpu.memory_space<vmem>>, vector<1x1x16xf32>,
        %get3A_786 = vector.shape_cast %get3A_785 : vector<1x1x16xf32> to vector<16xf32>
        %mul3A_787 = arith.constant 11.3137083 : f32
        %mul3A_788 = vector.broadcast %mul3A_787 : f32 to vector<16xf32>
        %mul3A_789 = arith.mulf %get3A_786, %mul3A_788 : vector<16xf32>
        %swap3A_790 = arith.constant 2 : i32
        %swap3A_791 = arith.index_cast %swap3A_790 : i32 to index
        %swap3A_792 = arith.index_cast %add3A_780 : i32 to index
        %swap3A_793 = arith.constant 80 : index
        %swap3A_794 = tpu.vector_load %arg6[%swap3A_791, %swap3A_792, %swap3A_793] {strides = array<i32>} : memref<5x128x128xf32, #tpu.memory_space<vmem>>, vector<1x1x16xf32>,
        %swap3A_795 = vector.shape_cast %swap3A_794 : vector<1x1x16xf32> to vector<16xf32>
        %swap3A_796 = vector.shape_cast %mul3A_789 : vector<16xf32> to vector<1x1x16xf32>
        tpu.vector_store %arg6[%swap3A_791, %swap3A_792, %swap3A_793], %swap3A_796 {strides = array<i32>} : memref<5x128x128xf32, #tpu.memory_space<vmem>>, vector<1x1x16xf32>,
        %mul3A_797 = arith.constant 2 : i32
        %mul3A_798 = arith.muli %scan3A_518, %mul3A_797 : i32
        %add3A_799 = arith.constant 1 : i32
        %add3A_800 = arith.addi %mul3A_798, %add3A_799 : i32
        %get3A_801 = arith.constant 2 : i32
        %get3A_802 = arith.index_cast %get3A_801 : i32 to index
        %get3A_803 = arith.index_cast %add3A_800 : i32 to index
        %get3A_804 = arith.constant 96 : index
        %get3A_805 = tpu.vector_load %arg6[%get3A_802, %get3A_803, %get3A_804] {strides = array<i32>} : memref<5x128x128xf32, #tpu.memory_space<vmem>>, vector<1x1x16xf32>,
        %get3A_806 = vector.shape_cast %get3A_805 : vector<1x1x16xf32> to vector<16xf32>
        %mul3A_807 = arith.constant 11.3137083 : f32
        %mul3A_808 = vector.broadcast %mul3A_807 : f32 to vector<16xf32>
        %mul3A_809 = arith.mulf %get3A_806, %mul3A_808 : vector<16xf32>
        %swap3A_810 = arith.constant 2 : i32
        %swap3A_811 = arith.index_cast %swap3A_810 : i32 to index
        %swap3A_812 = arith.index_cast %add3A_800 : i32 to index
        %swap3A_813 = arith.constant 96 : index
        %swap3A_814 = tpu.vector_load %arg6[%swap3A_811, %swap3A_812, %swap3A_813] {strides = array<i32>} : memref<5x128x128xf32, #tpu.memory_space<vmem>>, vector<1x1x16xf32>,
        %swap3A_815 = vector.shape_cast %swap3A_814 : vector<1x1x16xf32> to vector<16xf32>
        %swap3A_816 = vector.shape_cast %mul3A_809 : vector<16xf32> to vector<1x1x16xf32>
        tpu.vector_store %arg6[%swap3A_811, %swap3A_812, %swap3A_813], %swap3A_816 {strides = array<i32>} : memref<5x128x128xf32, #tpu.memory_space<vmem>>, vector<1x1x16xf32>,
        %mul3A_817 = arith.constant 2 : i32
        %mul3A_818 = arith.muli %scan3A_518, %mul3A_817 : i32
        %add3A_819 = arith.constant 1 : i32
        %add3A_820 = arith.addi %mul3A_818, %add3A_819 : i32
        %get3A_821 = arith.constant 2 : i32
        %get3A_822 = arith.index_cast %get3A_821 : i32 to index
        %get3A_823 = arith.index_cast %add3A_820 : i32 to index
        %get3A_824 = arith.constant 112 : index
        %get3A_825 = tpu.vector_load %arg6[%get3A_822, %get3A_823, %get3A_824] {strides = array<i32>} : memref<5x128x128xf32, #tpu.memory_space<vmem>>, vector<1x1x16xf32>,
        %get3A_826 = vector.shape_cast %get3A_825 : vector<1x1x16xf32> to vector<16xf32>
        %mul3A_827 = arith.constant 11.3137083 : f32
        %mul3A_828 = vector.broadcast %mul3A_827 : f32 to vector<16xf32>
        %mul3A_829 = arith.mulf %get3A_826, %mul3A_828 : vector<16xf32>
        %swap3A_830 = arith.constant 2 : i32
        %swap3A_831 = arith.index_cast %swap3A_830 : i32 to index
        %swap3A_832 = arith.index_cast %add3A_820 : i32 to index
        %swap3A_833 = arith.constant 112 : index
        %swap3A_834 = tpu.vector_load %arg6[%swap3A_831, %swap3A_832, %swap3A_833] {strides = array<i32>} : memref<5x128x128xf32, #tpu.memory_space<vmem>>, vector<1x1x16xf32>,
        %swap3A_835 = vector.shape_cast %swap3A_834 : vector<1x1x16xf32> to vector<16xf32>
        %swap3A_836 = vector.shape_cast %mul3A_829 : vector<16xf32> to vector<1x1x16xf32>
        tpu.vector_store %arg6[%swap3A_831, %swap3A_832, %swap3A_833], %swap3A_836 {strides = array<i32>} : memref<5x128x128xf32, #tpu.memory_space<vmem>>, vector<1x1x16xf32>,
      }
      %scan3A_284 = arith.constant 64 : i32
      %jit3A_285 = arith.constant 1 : i32
      %div3A_286 = arith.divsi %add3A_255, %jit3A_285 : i32
      %sign3A_287 = arith.constant 0 : i32
      %sign3A_288 = arith.cmpi sgt, %add3A_255, %sign3A_287 : i32
      %sign3A_289 = arith.extui %sign3A_288 : i1 to i32
      %sign3A_290 = arith.constant 0 : i32
      %sign3A_291 = arith.cmpi slt, %add3A_255, %sign3A_290 : i32
      %sign3A_292 = arith.extui %sign3A_291 : i1 to i32
      %sign3A_293 = arith.subi %sign3A_289, %sign3A_292 : i32
      %sign3A_294 = arith.constant 0 : i32
      %sign3A_295 = arith.cmpi sgt, %jit3A_285, %sign3A_294 : i32
      %sign3A_296 = arith.extui %sign3A_295 : i1 to i32
      %sign3A_297 = arith.constant 0 : i32
      %sign3A_298 = arith.cmpi slt, %jit3A_285, %sign3A_297 : i32
      %sign3A_299 = arith.extui %sign3A_298 : i1 to i32
      %sign3A_300 = arith.subi %sign3A_296, %sign3A_299 : i32
      %ne3A_301 = arith.cmpi ne, %sign3A_293, %sign3A_300 : i32
      %rem3A_302 = arith.remsi %add3A_255, %jit3A_285 : i32
      %ne3A_303 = arith.constant 0 : i32
      %ne3A_304 = arith.cmpi ne, %rem3A_302, %ne3A_303 : i32
      %and3A_305 = arith.andi %ne3A_301, %ne3A_304 : i1
      %sub3A_306 = arith.constant 1 : i32
      %sub3A_307 = arith.subi %div3A_286, %sub3A_306 : i32
      %select_n3A_308 = arith.select %and3A_305, %sub3A_307, %div3A_286 : i32
      %jit3A_309 = arith.constant 1 : i32
      %eq3A_310 = arith.constant 0 : i32
      %eq3A_311 = arith.cmpi eq, %jit3A_309, %eq3A_310 : i32
      %jit3A_312 = arith.constant 1 : i32
      %select_n3A_313 = arith.select %eq3A_311, %jit3A_312, %jit3A_309 : i32
      %rem3A_314 = arith.remsi %add3A_255, %select_n3A_313 : i32
      %ne3A_315 = arith.constant 0 : i32
      %ne3A_316 = arith.cmpi ne, %rem3A_314, %ne3A_315 : i32
      %lt3A_317 = arith.constant 0 : i32
      %lt3A_318 = arith.cmpi slt, %rem3A_314, %lt3A_317 : i32
      %lt3A_319 = arith.constant 0 : i32
      %lt3A_320 = arith.cmpi slt, %select_n3A_313, %lt3A_319 : i32
      %ne3A_321 = arith.xori %lt3A_318, %lt3A_320 : i1
      %and3A_322 = arith.andi %ne3A_321, %ne3A_316 : i1
      %add3A_323 = arith.addi %rem3A_314, %select_n3A_313 : i32
      %select_n3A_324 = arith.select %and3A_322, %add3A_323, %rem3A_314 : i32
      %dma_start3A_325 = arith.constant 2 : i32
      %dma_start3A_326 = arith.constant 0 : i32
      %dma_start3A_327 = arith.constant 0 : i32
      %dma_start3A_328 = tpu.memref_slice %arg6[%dma_start3A_325, %dma_start3A_326, %dma_start3A_327] : memref<5x128x128xf32, #tpu.memory_space<vmem>> -> memref<1x128x128xf32, #tpu.memory_space<vmem>>
      %dma_start3A_329 = tpu.memref_squeeze %dma_start3A_328 : memref<1x128x128xf32, #tpu.memory_space<vmem>> -> memref<128x128xf32, #tpu.memory_space<vmem>>
      %dma_start3A_330 = arith.constant 0 : i32
      %dma_start3A_331 = arith.constant 0 : i32
      %dma_start3A_332 = tpu.memref_slice %arg4[%select_n3A_308, %add3A, %select_n3A_324, %dma_start3A_330, %dma_start3A_331] : memref<50x32x1x128x128xf32, #tpu.memory_space<hbm>> -> memref<1x1x1x128x128xf32, #tpu.memory_space<hbm>>
      %dma_start3A_333 = tpu.memref_squeeze %dma_start3A_332 : memref<1x1x1x128x128xf32, #tpu.memory_space<hbm>> -> memref<128x128xf32, #tpu.memory_space<hbm>>
      %dma_start3A_334 = arith.constant 0 : i32
      %dma_start3A_335 = arith.constant 0 : i32
      %dma_start3A_336 = tpu.memref_slice %arg4[%select_n3A_308, %add3A, %select_n3A_324, %dma_start3A_334, %dma_start3A_335] : memref<50x32x1x128x128xf32, #tpu.memory_space<hbm>> -> memref<1x1x1x128x128xf32, #tpu.memory_space<hbm>>
      %dma_start3A_337 = tpu.memref_squeeze %dma_start3A_336 : memref<1x1x1x128x128xf32, #tpu.memory_space<hbm>> -> memref<128x128xf32, #tpu.memory_space<hbm>>
      %dma_start3A_338 = arith.constant 0 : i32
      %dma_start3A_339 = arith.constant 0 : i32
      %dma_start3A_340 = tpu.memref_slice %arg6[%dma_start3A_325, %dma_start3A_338, %dma_start3A_339] : memref<5x128x128xf32, #tpu.memory_space<vmem>> -> memref<1x128x128xf32, #tpu.memory_space<vmem>>
      %dma_start3A_341 = tpu.memref_squeeze %dma_start3A_340 : memref<1x128x128xf32, #tpu.memory_space<vmem>> -> memref<128x128xf32, #tpu.memory_space<vmem>>
      tpu.enqueue_dma source(%dma_start3A_341 : memref<128x128xf32, #tpu.memory_space<vmem>>) target(%dma_start3A_337 : memref<128x128xf32, #tpu.memory_space<hbm>>) target_semaphore(%arg8 : memref<!tpu.dma_semaphore, #tpu.memory_space<semaphore_mem>>)
      %add3A_342 = arith.constant 3 : i32
      %add3A_343 = arith.addi %mul3A_90, %add3A_342 : i32
      %ge3A_344 = arith.constant 3 : i32
      %ge3A_345 = arith.cmpi sge, %add3A_343, %ge3A_344 : i32
      %convert_element_type3A_346 = arith.extui %ge3A_345 : i1 to i32
      %cond3A_347 = arith.constant 0 : i32
      %cond3A_348 = arith.cmpi ne, %convert_element_type3A_346, %cond3A_347 : i32
      scf.if %cond3A_348 {
        %dma_wait3A_518 = arith.constant 0 : i32
        %dma_wait3A_519 = arith.constant 0 : i32
        %dma_wait3A_520 = arith.constant 0 : i32
        %dma_wait3A_521 = arith.constant 0 : i32
        %dma_wait3A_522 = arith.constant 0 : i32
        %dma_wait3A_523 = arith.constant 0 : i32
        %dma_wait3A_524 = tpu.memref_slice %arg6[%dma_wait3A_518, %dma_wait3A_522, %dma_wait3A_523] : memref<5x128x128xf32, #tpu.memory_space<vmem>> -> memref<1x128x128xf32, #tpu.memory_space<vmem>>
        %dma_wait3A_525 = tpu.memref_squeeze %dma_wait3A_524 : memref<1x128x128xf32, #tpu.memory_space<vmem>> -> memref<128x128xf32, #tpu.memory_space<vmem>>
        %dma_wait3A_526 = arith.constant 0 : i32
        %dma_wait3A_527 = arith.constant 0 : i32
        %dma_wait3A_528 = tpu.memref_slice %arg4[%dma_wait3A_519, %dma_wait3A_520, %dma_wait3A_521, %dma_wait3A_526, %dma_wait3A_527] : memref<50x32x1x128x128xf32, #tpu.memory_space<hbm>> -> memref<1x1x1x128x128xf32, #tpu.memory_space<hbm>>
        %dma_wait3A_529 = tpu.memref_squeeze %dma_wait3A_528 : memref<1x1x1x128x128xf32, #tpu.memory_space<hbm>> -> memref<128x128xf32, #tpu.memory_space<hbm>>
        %dma_wait3A_530 = arith.constant 0 : i32
        %dma_wait3A_531 = arith.constant 0 : i32
        %dma_wait3A_532 = tpu.memref_slice %arg4[%dma_wait3A_519, %dma_wait3A_520, %dma_wait3A_521, %dma_wait3A_530, %dma_wait3A_531] : memref<50x32x1x128x128xf32, #tpu.memory_space<hbm>> -> memref<1x1x1x128x128xf32, #tpu.memory_space<hbm>>
        %dma_wait3A_533 = tpu.memref_squeeze %dma_wait3A_532 : memref<1x1x1x128x128xf32, #tpu.memory_space<hbm>> -> memref<128x128xf32, #tpu.memory_space<hbm>>
        %dma_wait3A_534 = arith.constant 0 : i32
        %dma_wait3A_535 = arith.constant 0 : i32
        %dma_wait3A_536 = tpu.memref_slice %arg6[%dma_wait3A_518, %dma_wait3A_534, %dma_wait3A_535] : memref<5x128x128xf32, #tpu.memory_space<vmem>> -> memref<1x128x128xf32, #tpu.memory_space<vmem>>
        %dma_wait3A_537 = tpu.memref_squeeze %dma_wait3A_536 : memref<1x128x128xf32, #tpu.memory_space<vmem>> -> memref<128x128xf32, #tpu.memory_space<vmem>>
        tpu.wait_dma2 semaphore(%arg8 : memref<!tpu.dma_semaphore, #tpu.memory_space<semaphore_mem>>) src(%dma_wait3A_537 : memref<128x128xf32, #tpu.memory_space<vmem>>) dst(%dma_wait3A_533 : memref<128x128xf32, #tpu.memory_space<hbm>>)
      } else {
      }
      %add3A_349 = arith.constant 2 : i32
      %add3A_350 = arith.addi %add3A_343, %add3A_349 : i32
      %lt3A_351 = arith.constant 50 : i32
      %lt3A_352 = arith.cmpi slt, %add3A_350, %lt3A_351 : i32
      %convert_element_type3A_353 = arith.extui %lt3A_352 : i1 to i32
      %cond3A_354 = arith.constant 0 : i32
      %cond3A_355 = arith.cmpi ne, %convert_element_type3A_353, %cond3A_354 : i32
      scf.if %cond3A_355 {
        %add3A_518 = arith.constant 2 : i32
        %add3A_519 = arith.addi %add3A_343, %add3A_518 : i32
        %dma_start3A_520 = arith.constant 0 : i32
        %dma_start3A_521 = arith.constant 0 : i32
        %dma_start3A_522 = arith.constant 0 : i32
        %dma_start3A_523 = tpu.memref_slice %arg6[%dma_start3A_520, %dma_start3A_521, %dma_start3A_522] : memref<5x128x128xf32, #tpu.memory_space<vmem>> -> memref<1x128x128xf32, #tpu.memory_space<vmem>>
        %dma_start3A_524 = tpu.memref_squeeze %dma_start3A_523 : memref<1x128x128xf32, #tpu.memory_space<vmem>> -> memref<128x128xf32, #tpu.memory_space<vmem>>
        %dma_start3A_525 = arith.constant 0 : i32
        %dma_start3A_526 = tpu.memref_slice %arg5[%add3A_519, %dma_start3A_525] : memref<50x128xi32, #tpu.memory_space<vmem>> -> memref<1x128xi32, #tpu.memory_space<vmem>>
        %dma_start3A_527 = tpu.memref_squeeze %dma_start3A_526 : memref<1x128xi32, #tpu.memory_space<vmem>> -> memref<128xi32, #tpu.memory_space<vmem>>
        %dma_start3A_528 = arith.constant 0 : i32
        %dma_start3A_529 = arith.constant 0 : i32
        %dma_start3A_530 = tpu.memref_slice %arg3[%dma_start3A_528, %dma_start3A_529] : memref<100000x128xf32, #tpu.memory_space<hbm>> -> memref<100000x128xf32, #tpu.memory_space<hbm>>
        tpu.enqueue_indirect_dma source(%dma_start3A_530 : memref<100000x128xf32, #tpu.memory_space<hbm>>) target(%dma_start3A_524 : memref<128x128xf32, #tpu.memory_space<vmem>>) offsets(%dma_start3A_527 : memref<128xi32, #tpu.memory_space<vmem>>) semaphore(%arg7 : memref<!tpu.dma_semaphore, #tpu.memory_space<semaphore_mem>>)
      } else {
      }
      %dma_wait3A_356 = arith.constant 3 : i32
      %dma_wait3A_357 = arith.constant 0 : i32
      %dma_wait3A_358 = arith.constant 0 : i32
      %dma_wait3A_359 = tpu.memref_slice %arg6[%dma_wait3A_356, %dma_wait3A_357, %dma_wait3A_358] : memref<5x128x128xf32, #tpu.memory_space<vmem>> -> memref<1x128x128xf32, #tpu.memory_space<vmem>>
      %dma_wait3A_360 = tpu.memref_squeeze %dma_wait3A_359 : memref<1x128x128xf32, #tpu.memory_space<vmem>> -> memref<128x128xf32, #tpu.memory_space<vmem>>
      %dma_wait3A_361 = arith.constant 0 : i32
      %dma_wait3A_362 = tpu.memref_slice %arg5[%add3A_343, %dma_wait3A_361] : memref<50x128xi32, #tpu.memory_space<vmem>> -> memref<1x128xi32, #tpu.memory_space<vmem>>
      %dma_wait3A_363 = tpu.memref_squeeze %dma_wait3A_362 : memref<1x128xi32, #tpu.memory_space<vmem>> -> memref<128xi32, #tpu.memory_space<vmem>>
      %dma_wait3A_364 = arith.constant 0 : i32
      %dma_wait3A_365 = arith.constant 0 : i32
      %dma_wait3A_366 = tpu.memref_slice %arg3[%dma_wait3A_364, %dma_wait3A_365] : memref<100000x128xf32, #tpu.memory_space<hbm>> -> memref<100000x128xf32, #tpu.memory_space<hbm>>
      tpu.wait_indirect_dma semaphore(%arg7 : memref<!tpu.dma_semaphore, #tpu.memory_space<semaphore_mem>>) src(%dma_wait3A_366 : memref<100000x128xf32, #tpu.memory_space<hbm>>) dst(%dma_wait3A_360 : memref<128x128xf32, #tpu.memory_space<vmem>>)
      %scan3A_367 = arith.constant 0 : i32
      %scan3A_368 = arith.constant 0 : i32
      %scan3A_369 = arith.constant 64 : i32
      %scan3A_370 = arith.addi %scan3A_368, %scan3A_369 : i32
      %scan3A_371 = arith.constant 1 : i32
      scf.for %scan3A_518 = %scan3A_368 to %scan3A_370 step %scan3A_371  : i32 {
        %mul3A_519 = arith.constant 2 : i32
        %mul3A_520 = arith.muli %scan3A_518, %mul3A_519 : i32
        %add3A_521 = arith.constant 0 : i32
        %add3A_522 = arith.addi %mul3A_520, %add3A_521 : i32
        %get3A = arith.constant 3 : i32
        %get3A_523 = arith.index_cast %get3A : i32 to index
        %get3A_524 = arith.index_cast %add3A_522 : i32 to index
        %get3A_525 = arith.constant 0 : index
        %get3A_526 = tpu.vector_load %arg6[%get3A_523, %get3A_524, %get3A_525] {strides = array<i32>} : memref<5x128x128xf32, #tpu.memory_space<vmem>>, vector<1x1x16xf32>,
        %get3A_527 = vector.shape_cast %get3A_526 : vector<1x1x16xf32> to vector<16xf32>
        %mul3A_528 = arith.constant 11.3137083 : f32
        %mul3A_529 = vector.broadcast %mul3A_528 : f32 to vector<16xf32>
        %mul3A_530 = arith.mulf %get3A_527, %mul3A_529 : vector<16xf32>
        %swap3A = arith.constant 3 : i32
        %swap3A_531 = arith.index_cast %swap3A : i32 to index
        %swap3A_532 = arith.index_cast %add3A_522 : i32 to index
        %swap3A_533 = arith.constant 0 : index
        %swap3A_534 = tpu.vector_load %arg6[%swap3A_531, %swap3A_532, %swap3A_533] {strides = array<i32>} : memref<5x128x128xf32, #tpu.memory_space<vmem>>, vector<1x1x16xf32>,
        %swap3A_535 = vector.shape_cast %swap3A_534 : vector<1x1x16xf32> to vector<16xf32>
        %swap3A_536 = vector.shape_cast %mul3A_530 : vector<16xf32> to vector<1x1x16xf32>
        tpu.vector_store %arg6[%swap3A_531, %swap3A_532, %swap3A_533], %swap3A_536 {strides = array<i32>} : memref<5x128x128xf32, #tpu.memory_space<vmem>>, vector<1x1x16xf32>,
        %mul3A_537 = arith.constant 2 : i32
        %mul3A_538 = arith.muli %scan3A_518, %mul3A_537 : i32
        %add3A_539 = arith.constant 0 : i32
        %add3A_540 = arith.addi %mul3A_538, %add3A_539 : i32
        %get3A_541 = arith.constant 3 : i32
        %get3A_542 = arith.index_cast %get3A_541 : i32 to index
        %get3A_543 = arith.index_cast %add3A_540 : i32 to index
        %get3A_544 = arith.constant 16 : index
        %get3A_545 = tpu.vector_load %arg6[%get3A_542, %get3A_543, %get3A_544] {strides = array<i32>} : memref<5x128x128xf32, #tpu.memory_space<vmem>>, vector<1x1x16xf32>,
        %get3A_546 = vector.shape_cast %get3A_545 : vector<1x1x16xf32> to vector<16xf32>
        %mul3A_547 = arith.constant 11.3137083 : f32
        %mul3A_548 = vector.broadcast %mul3A_547 : f32 to vector<16xf32>
        %mul3A_549 = arith.mulf %get3A_546, %mul3A_548 : vector<16xf32>
        %swap3A_550 = arith.constant 3 : i32
        %swap3A_551 = arith.index_cast %swap3A_550 : i32 to index
        %swap3A_552 = arith.index_cast %add3A_540 : i32 to index
        %swap3A_553 = arith.constant 16 : index
        %swap3A_554 = tpu.vector_load %arg6[%swap3A_551, %swap3A_552, %swap3A_553] {strides = array<i32>} : memref<5x128x128xf32, #tpu.memory_space<vmem>>, vector<1x1x16xf32>,
        %swap3A_555 = vector.shape_cast %swap3A_554 : vector<1x1x16xf32> to vector<16xf32>
        %swap3A_556 = vector.shape_cast %mul3A_549 : vector<16xf32> to vector<1x1x16xf32>
        tpu.vector_store %arg6[%swap3A_551, %swap3A_552, %swap3A_553], %swap3A_556 {strides = array<i32>} : memref<5x128x128xf32, #tpu.memory_space<vmem>>, vector<1x1x16xf32>,
        %mul3A_557 = arith.constant 2 : i32
        %mul3A_558 = arith.muli %scan3A_518, %mul3A_557 : i32
        %add3A_559 = arith.constant 0 : i32
        %add3A_560 = arith.addi %mul3A_558, %add3A_559 : i32
        %get3A_561 = arith.constant 3 : i32
        %get3A_562 = arith.index_cast %get3A_561 : i32 to index
        %get3A_563 = arith.index_cast %add3A_560 : i32 to index
        %get3A_564 = arith.constant 32 : index
        %get3A_565 = tpu.vector_load %arg6[%get3A_562, %get3A_563, %get3A_564] {strides = array<i32>} : memref<5x128x128xf32, #tpu.memory_space<vmem>>, vector<1x1x16xf32>,
        %get3A_566 = vector.shape_cast %get3A_565 : vector<1x1x16xf32> to vector<16xf32>
        %mul3A_567 = arith.constant 11.3137083 : f32
        %mul3A_568 = vector.broadcast %mul3A_567 : f32 to vector<16xf32>
        %mul3A_569 = arith.mulf %get3A_566, %mul3A_568 : vector<16xf32>
        %swap3A_570 = arith.constant 3 : i32
        %swap3A_571 = arith.index_cast %swap3A_570 : i32 to index
        %swap3A_572 = arith.index_cast %add3A_560 : i32 to index
        %swap3A_573 = arith.constant 32 : index
        %swap3A_574 = tpu.vector_load %arg6[%swap3A_571, %swap3A_572, %swap3A_573] {strides = array<i32>} : memref<5x128x128xf32, #tpu.memory_space<vmem>>, vector<1x1x16xf32>,
        %swap3A_575 = vector.shape_cast %swap3A_574 : vector<1x1x16xf32> to vector<16xf32>
        %swap3A_576 = vector.shape_cast %mul3A_569 : vector<16xf32> to vector<1x1x16xf32>
        tpu.vector_store %arg6[%swap3A_571, %swap3A_572, %swap3A_573], %swap3A_576 {strides = array<i32>} : memref<5x128x128xf32, #tpu.memory_space<vmem>>, vector<1x1x16xf32>,
        %mul3A_577 = arith.constant 2 : i32
        %mul3A_578 = arith.muli %scan3A_518, %mul3A_577 : i32
        %add3A_579 = arith.constant 0 : i32
        %add3A_580 = arith.addi %mul3A_578, %add3A_579 : i32
        %get3A_581 = arith.constant 3 : i32
        %get3A_582 = arith.index_cast %get3A_581 : i32 to index
        %get3A_583 = arith.index_cast %add3A_580 : i32 to index
        %get3A_584 = arith.constant 48 : index
        %get3A_585 = tpu.vector_load %arg6[%get3A_582, %get3A_583, %get3A_584] {strides = array<i32>} : memref<5x128x128xf32, #tpu.memory_space<vmem>>, vector<1x1x16xf32>,
        %get3A_586 = vector.shape_cast %get3A_585 : vector<1x1x16xf32> to vector<16xf32>
        %mul3A_587 = arith.constant 11.3137083 : f32
        %mul3A_588 = vector.broadcast %mul3A_587 : f32 to vector<16xf32>
        %mul3A_589 = arith.mulf %get3A_586, %mul3A_588 : vector<16xf32>
        %swap3A_590 = arith.constant 3 : i32
        %swap3A_591 = arith.index_cast %swap3A_590 : i32 to index
        %swap3A_592 = arith.index_cast %add3A_580 : i32 to index
        %swap3A_593 = arith.constant 48 : index
        %swap3A_594 = tpu.vector_load %arg6[%swap3A_591, %swap3A_592, %swap3A_593] {strides = array<i32>} : memref<5x128x128xf32, #tpu.memory_space<vmem>>, vector<1x1x16xf32>,
        %swap3A_595 = vector.shape_cast %swap3A_594 : vector<1x1x16xf32> to vector<16xf32>
        %swap3A_596 = vector.shape_cast %mul3A_589 : vector<16xf32> to vector<1x1x16xf32>
        tpu.vector_store %arg6[%swap3A_591, %swap3A_592, %swap3A_593], %swap3A_596 {strides = array<i32>} : memref<5x128x128xf32, #tpu.memory_space<vmem>>, vector<1x1x16xf32>,
        %mul3A_597 = arith.constant 2 : i32
        %mul3A_598 = arith.muli %scan3A_518, %mul3A_597 : i32
        %add3A_599 = arith.constant 0 : i32
        %add3A_600 = arith.addi %mul3A_598, %add3A_599 : i32
        %get3A_601 = arith.constant 3 : i32
        %get3A_602 = arith.index_cast %get3A_601 : i32 to index
        %get3A_603 = arith.index_cast %add3A_600 : i32 to index
        %get3A_604 = arith.constant 64 : index
        %get3A_605 = tpu.vector_load %arg6[%get3A_602, %get3A_603, %get3A_604] {strides = array<i32>} : memref<5x128x128xf32, #tpu.memory_space<vmem>>, vector<1x1x16xf32>,
        %get3A_606 = vector.shape_cast %get3A_605 : vector<1x1x16xf32> to vector<16xf32>
        %mul3A_607 = arith.constant 11.3137083 : f32
        %mul3A_608 = vector.broadcast %mul3A_607 : f32 to vector<16xf32>
        %mul3A_609 = arith.mulf %get3A_606, %mul3A_608 : vector<16xf32>
        %swap3A_610 = arith.constant 3 : i32
        %swap3A_611 = arith.index_cast %swap3A_610 : i32 to index
        %swap3A_612 = arith.index_cast %add3A_600 : i32 to index
        %swap3A_613 = arith.constant 64 : index
        %swap3A_614 = tpu.vector_load %arg6[%swap3A_611, %swap3A_612, %swap3A_613] {strides = array<i32>} : memref<5x128x128xf32, #tpu.memory_space<vmem>>, vector<1x1x16xf32>,
        %swap3A_615 = vector.shape_cast %swap3A_614 : vector<1x1x16xf32> to vector<16xf32>
        %swap3A_616 = vector.shape_cast %mul3A_609 : vector<16xf32> to vector<1x1x16xf32>
        tpu.vector_store %arg6[%swap3A_611, %swap3A_612, %swap3A_613], %swap3A_616 {strides = array<i32>} : memref<5x128x128xf32, #tpu.memory_space<vmem>>, vector<1x1x16xf32>,
        %mul3A_617 = arith.constant 2 : i32
        %mul3A_618 = arith.muli %scan3A_518, %mul3A_617 : i32
        %add3A_619 = arith.constant 0 : i32
        %add3A_620 = arith.addi %mul3A_618, %add3A_619 : i32
        %get3A_621 = arith.constant 3 : i32
        %get3A_622 = arith.index_cast %get3A_621 : i32 to index
        %get3A_623 = arith.index_cast %add3A_620 : i32 to index
        %get3A_624 = arith.constant 80 : index
        %get3A_625 = tpu.vector_load %arg6[%get3A_622, %get3A_623, %get3A_624] {strides = array<i32>} : memref<5x128x128xf32, #tpu.memory_space<vmem>>, vector<1x1x16xf32>,
        %get3A_626 = vector.shape_cast %get3A_625 : vector<1x1x16xf32> to vector<16xf32>
        %mul3A_627 = arith.constant 11.3137083 : f32
        %mul3A_628 = vector.broadcast %mul3A_627 : f32 to vector<16xf32>
        %mul3A_629 = arith.mulf %get3A_626, %mul3A_628 : vector<16xf32>
        %swap3A_630 = arith.constant 3 : i32
        %swap3A_631 = arith.index_cast %swap3A_630 : i32 to index
        %swap3A_632 = arith.index_cast %add3A_620 : i32 to index
        %swap3A_633 = arith.constant 80 : index
        %swap3A_634 = tpu.vector_load %arg6[%swap3A_631, %swap3A_632, %swap3A_633] {strides = array<i32>} : memref<5x128x128xf32, #tpu.memory_space<vmem>>, vector<1x1x16xf32>,
        %swap3A_635 = vector.shape_cast %swap3A_634 : vector<1x1x16xf32> to vector<16xf32>
        %swap3A_636 = vector.shape_cast %mul3A_629 : vector<16xf32> to vector<1x1x16xf32>
        tpu.vector_store %arg6[%swap3A_631, %swap3A_632, %swap3A_633], %swap3A_636 {strides = array<i32>} : memref<5x128x128xf32, #tpu.memory_space<vmem>>, vector<1x1x16xf32>,
        %mul3A_637 = arith.constant 2 : i32
        %mul3A_638 = arith.muli %scan3A_518, %mul3A_637 : i32
        %add3A_639 = arith.constant 0 : i32
        %add3A_640 = arith.addi %mul3A_638, %add3A_639 : i32
        %get3A_641 = arith.constant 3 : i32
        %get3A_642 = arith.index_cast %get3A_641 : i32 to index
        %get3A_643 = arith.index_cast %add3A_640 : i32 to index
        %get3A_644 = arith.constant 96 : index
        %get3A_645 = tpu.vector_load %arg6[%get3A_642, %get3A_643, %get3A_644] {strides = array<i32>} : memref<5x128x128xf32, #tpu.memory_space<vmem>>, vector<1x1x16xf32>,
        %get3A_646 = vector.shape_cast %get3A_645 : vector<1x1x16xf32> to vector<16xf32>
        %mul3A_647 = arith.constant 11.3137083 : f32
        %mul3A_648 = vector.broadcast %mul3A_647 : f32 to vector<16xf32>
        %mul3A_649 = arith.mulf %get3A_646, %mul3A_648 : vector<16xf32>
        %swap3A_650 = arith.constant 3 : i32
        %swap3A_651 = arith.index_cast %swap3A_650 : i32 to index
        %swap3A_652 = arith.index_cast %add3A_640 : i32 to index
        %swap3A_653 = arith.constant 96 : index
        %swap3A_654 = tpu.vector_load %arg6[%swap3A_651, %swap3A_652, %swap3A_653] {strides = array<i32>} : memref<5x128x128xf32, #tpu.memory_space<vmem>>, vector<1x1x16xf32>,
        %swap3A_655 = vector.shape_cast %swap3A_654 : vector<1x1x16xf32> to vector<16xf32>
        %swap3A_656 = vector.shape_cast %mul3A_649 : vector<16xf32> to vector<1x1x16xf32>
        tpu.vector_store %arg6[%swap3A_651, %swap3A_652, %swap3A_653], %swap3A_656 {strides = array<i32>} : memref<5x128x128xf32, #tpu.memory_space<vmem>>, vector<1x1x16xf32>,
        %mul3A_657 = arith.constant 2 : i32
        %mul3A_658 = arith.muli %scan3A_518, %mul3A_657 : i32
        %add3A_659 = arith.constant 0 : i32
        %add3A_660 = arith.addi %mul3A_658, %add3A_659 : i32
        %get3A_661 = arith.constant 3 : i32
        %get3A_662 = arith.index_cast %get3A_661 : i32 to index
        %get3A_663 = arith.index_cast %add3A_660 : i32 to index
        %get3A_664 = arith.constant 112 : index
        %get3A_665 = tpu.vector_load %arg6[%get3A_662, %get3A_663, %get3A_664] {strides = array<i32>} : memref<5x128x128xf32, #tpu.memory_space<vmem>>, vector<1x1x16xf32>,
        %get3A_666 = vector.shape_cast %get3A_665 : vector<1x1x16xf32> to vector<16xf32>
        %mul3A_667 = arith.constant 11.3137083 : f32
        %mul3A_668 = vector.broadcast %mul3A_667 : f32 to vector<16xf32>
        %mul3A_669 = arith.mulf %get3A_666, %mul3A_668 : vector<16xf32>
        %swap3A_670 = arith.constant 3 : i32
        %swap3A_671 = arith.index_cast %swap3A_670 : i32 to index
        %swap3A_672 = arith.index_cast %add3A_660 : i32 to index
        %swap3A_673 = arith.constant 112 : index
        %swap3A_674 = tpu.vector_load %arg6[%swap3A_671, %swap3A_672, %swap3A_673] {strides = array<i32>} : memref<5x128x128xf32, #tpu.memory_space<vmem>>, vector<1x1x16xf32>,
        %swap3A_675 = vector.shape_cast %swap3A_674 : vector<1x1x16xf32> to vector<16xf32>
        %swap3A_676 = vector.shape_cast %mul3A_669 : vector<16xf32> to vector<1x1x16xf32>
        tpu.vector_store %arg6[%swap3A_671, %swap3A_672, %swap3A_673], %swap3A_676 {strides = array<i32>} : memref<5x128x128xf32, #tpu.memory_space<vmem>>, vector<1x1x16xf32>,
        %mul3A_677 = arith.constant 2 : i32
        %mul3A_678 = arith.muli %scan3A_518, %mul3A_677 : i32
        %add3A_679 = arith.constant 1 : i32
        %add3A_680 = arith.addi %mul3A_678, %add3A_679 : i32
        %get3A_681 = arith.constant 3 : i32
        %get3A_682 = arith.index_cast %get3A_681 : i32 to index
        %get3A_683 = arith.index_cast %add3A_680 : i32 to index
        %get3A_684 = arith.constant 0 : index
        %get3A_685 = tpu.vector_load %arg6[%get3A_682, %get3A_683, %get3A_684] {strides = array<i32>} : memref<5x128x128xf32, #tpu.memory_space<vmem>>, vector<1x1x16xf32>,
        %get3A_686 = vector.shape_cast %get3A_685 : vector<1x1x16xf32> to vector<16xf32>
        %mul3A_687 = arith.constant 11.3137083 : f32
        %mul3A_688 = vector.broadcast %mul3A_687 : f32 to vector<16xf32>
        %mul3A_689 = arith.mulf %get3A_686, %mul3A_688 : vector<16xf32>
        %swap3A_690 = arith.constant 3 : i32
        %swap3A_691 = arith.index_cast %swap3A_690 : i32 to index
        %swap3A_692 = arith.index_cast %add3A_680 : i32 to index
        %swap3A_693 = arith.constant 0 : index
        %swap3A_694 = tpu.vector_load %arg6[%swap3A_691, %swap3A_692, %swap3A_693] {strides = array<i32>} : memref<5x128x128xf32, #tpu.memory_space<vmem>>, vector<1x1x16xf32>,
        %swap3A_695 = vector.shape_cast %swap3A_694 : vector<1x1x16xf32> to vector<16xf32>
        %swap3A_696 = vector.shape_cast %mul3A_689 : vector<16xf32> to vector<1x1x16xf32>
        tpu.vector_store %arg6[%swap3A_691, %swap3A_692, %swap3A_693], %swap3A_696 {strides = array<i32>} : memref<5x128x128xf32, #tpu.memory_space<vmem>>, vector<1x1x16xf32>,
        %mul3A_697 = arith.constant 2 : i32
        %mul3A_698 = arith.muli %scan3A_518, %mul3A_697 : i32
        %add3A_699 = arith.constant 1 : i32
        %add3A_700 = arith.addi %mul3A_698, %add3A_699 : i32
        %get3A_701 = arith.constant 3 : i32
        %get3A_702 = arith.index_cast %get3A_701 : i32 to index
        %get3A_703 = arith.index_cast %add3A_700 : i32 to index
        %get3A_704 = arith.constant 16 : index
        %get3A_705 = tpu.vector_load %arg6[%get3A_702, %get3A_703, %get3A_704] {strides = array<i32>} : memref<5x128x128xf32, #tpu.memory_space<vmem>>, vector<1x1x16xf32>,
        %get3A_706 = vector.shape_cast %get3A_705 : vector<1x1x16xf32> to vector<16xf32>
        %mul3A_707 = arith.constant 11.3137083 : f32
        %mul3A_708 = vector.broadcast %mul3A_707 : f32 to vector<16xf32>
        %mul3A_709 = arith.mulf %get3A_706, %mul3A_708 : vector<16xf32>
        %swap3A_710 = arith.constant 3 : i32
        %swap3A_711 = arith.index_cast %swap3A_710 : i32 to index
        %swap3A_712 = arith.index_cast %add3A_700 : i32 to index
        %swap3A_713 = arith.constant 16 : index
        %swap3A_714 = tpu.vector_load %arg6[%swap3A_711, %swap3A_712, %swap3A_713] {strides = array<i32>} : memref<5x128x128xf32, #tpu.memory_space<vmem>>, vector<1x1x16xf32>,
        %swap3A_715 = vector.shape_cast %swap3A_714 : vector<1x1x16xf32> to vector<16xf32>
        %swap3A_716 = vector.shape_cast %mul3A_709 : vector<16xf32> to vector<1x1x16xf32>
        tpu.vector_store %arg6[%swap3A_711, %swap3A_712, %swap3A_713], %swap3A_716 {strides = array<i32>} : memref<5x128x128xf32, #tpu.memory_space<vmem>>, vector<1x1x16xf32>,
        %mul3A_717 = arith.constant 2 : i32
        %mul3A_718 = arith.muli %scan3A_518, %mul3A_717 : i32
        %add3A_719 = arith.constant 1 : i32
        %add3A_720 = arith.addi %mul3A_718, %add3A_719 : i32
        %get3A_721 = arith.constant 3 : i32
        %get3A_722 = arith.index_cast %get3A_721 : i32 to index
        %get3A_723 = arith.index_cast %add3A_720 : i32 to index
        %get3A_724 = arith.constant 32 : index
        %get3A_725 = tpu.vector_load %arg6[%get3A_722, %get3A_723, %get3A_724] {strides = array<i32>} : memref<5x128x128xf32, #tpu.memory_space<vmem>>, vector<1x1x16xf32>,
        %get3A_726 = vector.shape_cast %get3A_725 : vector<1x1x16xf32> to vector<16xf32>
        %mul3A_727 = arith.constant 11.3137083 : f32
        %mul3A_728 = vector.broadcast %mul3A_727 : f32 to vector<16xf32>
        %mul3A_729 = arith.mulf %get3A_726, %mul3A_728 : vector<16xf32>
        %swap3A_730 = arith.constant 3 : i32
        %swap3A_731 = arith.index_cast %swap3A_730 : i32 to index
        %swap3A_732 = arith.index_cast %add3A_720 : i32 to index
        %swap3A_733 = arith.constant 32 : index
        %swap3A_734 = tpu.vector_load %arg6[%swap3A_731, %swap3A_732, %swap3A_733] {strides = array<i32>} : memref<5x128x128xf32, #tpu.memory_space<vmem>>, vector<1x1x16xf32>,
        %swap3A_735 = vector.shape_cast %swap3A_734 : vector<1x1x16xf32> to vector<16xf32>
        %swap3A_736 = vector.shape_cast %mul3A_729 : vector<16xf32> to vector<1x1x16xf32>
        tpu.vector_store %arg6[%swap3A_731, %swap3A_732, %swap3A_733], %swap3A_736 {strides = array<i32>} : memref<5x128x128xf32, #tpu.memory_space<vmem>>, vector<1x1x16xf32>,
        %mul3A_737 = arith.constant 2 : i32
        %mul3A_738 = arith.muli %scan3A_518, %mul3A_737 : i32
        %add3A_739 = arith.constant 1 : i32
        %add3A_740 = arith.addi %mul3A_738, %add3A_739 : i32
        %get3A_741 = arith.constant 3 : i32
        %get3A_742 = arith.index_cast %get3A_741 : i32 to index
        %get3A_743 = arith.index_cast %add3A_740 : i32 to index
        %get3A_744 = arith.constant 48 : index
        %get3A_745 = tpu.vector_load %arg6[%get3A_742, %get3A_743, %get3A_744] {strides = array<i32>} : memref<5x128x128xf32, #tpu.memory_space<vmem>>, vector<1x1x16xf32>,
        %get3A_746 = vector.shape_cast %get3A_745 : vector<1x1x16xf32> to vector<16xf32>
        %mul3A_747 = arith.constant 11.3137083 : f32
        %mul3A_748 = vector.broadcast %mul3A_747 : f32 to vector<16xf32>
        %mul3A_749 = arith.mulf %get3A_746, %mul3A_748 : vector<16xf32>
        %swap3A_750 = arith.constant 3 : i32
        %swap3A_751 = arith.index_cast %swap3A_750 : i32 to index
        %swap3A_752 = arith.index_cast %add3A_740 : i32 to index
        %swap3A_753 = arith.constant 48 : index
        %swap3A_754 = tpu.vector_load %arg6[%swap3A_751, %swap3A_752, %swap3A_753] {strides = array<i32>} : memref<5x128x128xf32, #tpu.memory_space<vmem>>, vector<1x1x16xf32>,
        %swap3A_755 = vector.shape_cast %swap3A_754 : vector<1x1x16xf32> to vector<16xf32>
        %swap3A_756 = vector.shape_cast %mul3A_749 : vector<16xf32> to vector<1x1x16xf32>
        tpu.vector_store %arg6[%swap3A_751, %swap3A_752, %swap3A_753], %swap3A_756 {strides = array<i32>} : memref<5x128x128xf32, #tpu.memory_space<vmem>>, vector<1x1x16xf32>,
        %mul3A_757 = arith.constant 2 : i32
        %mul3A_758 = arith.muli %scan3A_518, %mul3A_757 : i32
        %add3A_759 = arith.constant 1 : i32
        %add3A_760 = arith.addi %mul3A_758, %add3A_759 : i32
        %get3A_761 = arith.constant 3 : i32
        %get3A_762 = arith.index_cast %get3A_761 : i32 to index
        %get3A_763 = arith.index_cast %add3A_760 : i32 to index
        %get3A_764 = arith.constant 64 : index
        %get3A_765 = tpu.vector_load %arg6[%get3A_762, %get3A_763, %get3A_764] {strides = array<i32>} : memref<5x128x128xf32, #tpu.memory_space<vmem>>, vector<1x1x16xf32>,
        %get3A_766 = vector.shape_cast %get3A_765 : vector<1x1x16xf32> to vector<16xf32>
        %mul3A_767 = arith.constant 11.3137083 : f32
        %mul3A_768 = vector.broadcast %mul3A_767 : f32 to vector<16xf32>
        %mul3A_769 = arith.mulf %get3A_766, %mul3A_768 : vector<16xf32>
        %swap3A_770 = arith.constant 3 : i32
        %swap3A_771 = arith.index_cast %swap3A_770 : i32 to index
        %swap3A_772 = arith.index_cast %add3A_760 : i32 to index
        %swap3A_773 = arith.constant 64 : index
        %swap3A_774 = tpu.vector_load %arg6[%swap3A_771, %swap3A_772, %swap3A_773] {strides = array<i32>} : memref<5x128x128xf32, #tpu.memory_space<vmem>>, vector<1x1x16xf32>,
        %swap3A_775 = vector.shape_cast %swap3A_774 : vector<1x1x16xf32> to vector<16xf32>
        %swap3A_776 = vector.shape_cast %mul3A_769 : vector<16xf32> to vector<1x1x16xf32>
        tpu.vector_store %arg6[%swap3A_771, %swap3A_772, %swap3A_773], %swap3A_776 {strides = array<i32>} : memref<5x128x128xf32, #tpu.memory_space<vmem>>, vector<1x1x16xf32>,
        %mul3A_777 = arith.constant 2 : i32
        %mul3A_778 = arith.muli %scan3A_518, %mul3A_777 : i32
        %add3A_779 = arith.constant 1 : i32
        %add3A_780 = arith.addi %mul3A_778, %add3A_779 : i32
        %get3A_781 = arith.constant 3 : i32
        %get3A_782 = arith.index_cast %get3A_781 : i32 to index
        %get3A_783 = arith.index_cast %add3A_780 : i32 to index
        %get3A_784 = arith.constant 80 : index
        %get3A_785 = tpu.vector_load %arg6[%get3A_782, %get3A_783, %get3A_784] {strides = array<i32>} : memref<5x128x128xf32, #tpu.memory_space<vmem>>, vector<1x1x16xf32>,
        %get3A_786 = vector.shape_cast %get3A_785 : vector<1x1x16xf32> to vector<16xf32>
        %mul3A_787 = arith.constant 11.3137083 : f32
        %mul3A_788 = vector.broadcast %mul3A_787 : f32 to vector<16xf32>
        %mul3A_789 = arith.mulf %get3A_786, %mul3A_788 : vector<16xf32>
        %swap3A_790 = arith.constant 3 : i32
        %swap3A_791 = arith.index_cast %swap3A_790 : i32 to index
        %swap3A_792 = arith.index_cast %add3A_780 : i32 to index
        %swap3A_793 = arith.constant 80 : index
        %swap3A_794 = tpu.vector_load %arg6[%swap3A_791, %swap3A_792, %swap3A_793] {strides = array<i32>} : memref<5x128x128xf32, #tpu.memory_space<vmem>>, vector<1x1x16xf32>,
        %swap3A_795 = vector.shape_cast %swap3A_794 : vector<1x1x16xf32> to vector<16xf32>
        %swap3A_796 = vector.shape_cast %mul3A_789 : vector<16xf32> to vector<1x1x16xf32>
        tpu.vector_store %arg6[%swap3A_791, %swap3A_792, %swap3A_793], %swap3A_796 {strides = array<i32>} : memref<5x128x128xf32, #tpu.memory_space<vmem>>, vector<1x1x16xf32>,
        %mul3A_797 = arith.constant 2 : i32
        %mul3A_798 = arith.muli %scan3A_518, %mul3A_797 : i32
        %add3A_799 = arith.constant 1 : i32
        %add3A_800 = arith.addi %mul3A_798, %add3A_799 : i32
        %get3A_801 = arith.constant 3 : i32
        %get3A_802 = arith.index_cast %get3A_801 : i32 to index
        %get3A_803 = arith.index_cast %add3A_800 : i32 to index
        %get3A_804 = arith.constant 96 : index
        %get3A_805 = tpu.vector_load %arg6[%get3A_802, %get3A_803, %get3A_804] {strides = array<i32>} : memref<5x128x128xf32, #tpu.memory_space<vmem>>, vector<1x1x16xf32>,
        %get3A_806 = vector.shape_cast %get3A_805 : vector<1x1x16xf32> to vector<16xf32>
        %mul3A_807 = arith.constant 11.3137083 : f32
        %mul3A_808 = vector.broadcast %mul3A_807 : f32 to vector<16xf32>
        %mul3A_809 = arith.mulf %get3A_806, %mul3A_808 : vector<16xf32>
        %swap3A_810 = arith.constant 3 : i32
        %swap3A_811 = arith.index_cast %swap3A_810 : i32 to index
        %swap3A_812 = arith.index_cast %add3A_800 : i32 to index
        %swap3A_813 = arith.constant 96 : index
        %swap3A_814 = tpu.vector_load %arg6[%swap3A_811, %swap3A_812, %swap3A_813] {strides = array<i32>} : memref<5x128x128xf32, #tpu.memory_space<vmem>>, vector<1x1x16xf32>,
        %swap3A_815 = vector.shape_cast %swap3A_814 : vector<1x1x16xf32> to vector<16xf32>
        %swap3A_816 = vector.shape_cast %mul3A_809 : vector<16xf32> to vector<1x1x16xf32>
        tpu.vector_store %arg6[%swap3A_811, %swap3A_812, %swap3A_813], %swap3A_816 {strides = array<i32>} : memref<5x128x128xf32, #tpu.memory_space<vmem>>, vector<1x1x16xf32>,
        %mul3A_817 = arith.constant 2 : i32
        %mul3A_818 = arith.muli %scan3A_518, %mul3A_817 : i32
        %add3A_819 = arith.constant 1 : i32
        %add3A_820 = arith.addi %mul3A_818, %add3A_819 : i32
        %get3A_821 = arith.constant 3 : i32
        %get3A_822 = arith.index_cast %get3A_821 : i32 to index
        %get3A_823 = arith.index_cast %add3A_820 : i32 to index
        %get3A_824 = arith.constant 112 : index
        %get3A_825 = tpu.vector_load %arg6[%get3A_822, %get3A_823, %get3A_824] {strides = array<i32>} : memref<5x128x128xf32, #tpu.memory_space<vmem>>, vector<1x1x16xf32>,
        %get3A_826 = vector.shape_cast %get3A_825 : vector<1x1x16xf32> to vector<16xf32>
        %mul3A_827 = arith.constant 11.3137083 : f32
        %mul3A_828 = vector.broadcast %mul3A_827 : f32 to vector<16xf32>
        %mul3A_829 = arith.mulf %get3A_826, %mul3A_828 : vector<16xf32>
        %swap3A_830 = arith.constant 3 : i32
        %swap3A_831 = arith.index_cast %swap3A_830 : i32 to index
        %swap3A_832 = arith.index_cast %add3A_820 : i32 to index
        %swap3A_833 = arith.constant 112 : index
        %swap3A_834 = tpu.vector_load %arg6[%swap3A_831, %swap3A_832, %swap3A_833] {strides = array<i32>} : memref<5x128x128xf32, #tpu.memory_space<vmem>>, vector<1x1x16xf32>,
        %swap3A_835 = vector.shape_cast %swap3A_834 : vector<1x1x16xf32> to vector<16xf32>
        %swap3A_836 = vector.shape_cast %mul3A_829 : vector<16xf32> to vector<1x1x16xf32>
        tpu.vector_store %arg6[%swap3A_831, %swap3A_832, %swap3A_833], %swap3A_836 {strides = array<i32>} : memref<5x128x128xf32, #tpu.memory_space<vmem>>, vector<1x1x16xf32>,
      }
      %scan3A_372 = arith.constant 64 : i32
      %jit3A_373 = arith.constant 1 : i32
      %div3A_374 = arith.divsi %add3A_343, %jit3A_373 : i32
      %sign3A_375 = arith.constant 0 : i32
      %sign3A_376 = arith.cmpi sgt, %add3A_343, %sign3A_375 : i32
      %sign3A_377 = arith.extui %sign3A_376 : i1 to i32
      %sign3A_378 = arith.constant 0 : i32
      %sign3A_379 = arith.cmpi slt, %add3A_343, %sign3A_378 : i32
      %sign3A_380 = arith.extui %sign3A_379 : i1 to i32
      %sign3A_381 = arith.subi %sign3A_377, %sign3A_380 : i32
      %sign3A_382 = arith.constant 0 : i32
      %sign3A_383 = arith.cmpi sgt, %jit3A_373, %sign3A_382 : i32
      %sign3A_384 = arith.extui %sign3A_383 : i1 to i32
      %sign3A_385 = arith.constant 0 : i32
      %sign3A_386 = arith.cmpi slt, %jit3A_373, %sign3A_385 : i32
      %sign3A_387 = arith.extui %sign3A_386 : i1 to i32
      %sign3A_388 = arith.subi %sign3A_384, %sign3A_387 : i32
      %ne3A_389 = arith.cmpi ne, %sign3A_381, %sign3A_388 : i32
      %rem3A_390 = arith.remsi %add3A_343, %jit3A_373 : i32
      %ne3A_391 = arith.constant 0 : i32
      %ne3A_392 = arith.cmpi ne, %rem3A_390, %ne3A_391 : i32
      %and3A_393 = arith.andi %ne3A_389, %ne3A_392 : i1
      %sub3A_394 = arith.constant 1 : i32
      %sub3A_395 = arith.subi %div3A_374, %sub3A_394 : i32
      %select_n3A_396 = arith.select %and3A_393, %sub3A_395, %div3A_374 : i32
      %jit3A_397 = arith.constant 1 : i32
      %eq3A_398 = arith.constant 0 : i32
      %eq3A_399 = arith.cmpi eq, %jit3A_397, %eq3A_398 : i32
      %jit3A_400 = arith.constant 1 : i32
      %select_n3A_401 = arith.select %eq3A_399, %jit3A_400, %jit3A_397 : i32
      %rem3A_402 = arith.remsi %add3A_343, %select_n3A_401 : i32
      %ne3A_403 = arith.constant 0 : i32
      %ne3A_404 = arith.cmpi ne, %rem3A_402, %ne3A_403 : i32
      %lt3A_405 = arith.constant 0 : i32
      %lt3A_406 = arith.cmpi slt, %rem3A_402, %lt3A_405 : i32
      %lt3A_407 = arith.constant 0 : i32
      %lt3A_408 = arith.cmpi slt, %select_n3A_401, %lt3A_407 : i32
      %ne3A_409 = arith.xori %lt3A_406, %lt3A_408 : i1
      %and3A_410 = arith.andi %ne3A_409, %ne3A_404 : i1
      %add3A_411 = arith.addi %rem3A_402, %select_n3A_401 : i32
      %select_n3A_412 = arith.select %and3A_410, %add3A_411, %rem3A_402 : i32
      %dma_start3A_413 = arith.constant 3 : i32
      %dma_start3A_414 = arith.constant 0 : i32
      %dma_start3A_415 = arith.constant 0 : i32
      %dma_start3A_416 = tpu.memref_slice %arg6[%dma_start3A_413, %dma_start3A_414, %dma_start3A_415] : memref<5x128x128xf32, #tpu.memory_space<vmem>> -> memref<1x128x128xf32, #tpu.memory_space<vmem>>
      %dma_start3A_417 = tpu.memref_squeeze %dma_start3A_416 : memref<1x128x128xf32, #tpu.memory_space<vmem>> -> memref<128x128xf32, #tpu.memory_space<vmem>>
      %dma_start3A_418 = arith.constant 0 : i32
      %dma_start3A_419 = arith.constant 0 : i32
      %dma_start3A_420 = tpu.memref_slice %arg4[%select_n3A_396, %add3A, %select_n3A_412, %dma_start3A_418, %dma_start3A_419] : memref<50x32x1x128x128xf32, #tpu.memory_space<hbm>> -> memref<1x1x1x128x128xf32, #tpu.memory_space<hbm>>
      %dma_start3A_421 = tpu.memref_squeeze %dma_start3A_420 : memref<1x1x1x128x128xf32, #tpu.memory_space<hbm>> -> memref<128x128xf32, #tpu.memory_space<hbm>>
      %dma_start3A_422 = arith.constant 0 : i32
      %dma_start3A_423 = arith.constant 0 : i32
      %dma_start3A_424 = tpu.memref_slice %arg4[%select_n3A_396, %add3A, %select_n3A_412, %dma_start3A_422, %dma_start3A_423] : memref<50x32x1x128x128xf32, #tpu.memory_space<hbm>> -> memref<1x1x1x128x128xf32, #tpu.memory_space<hbm>>
      %dma_start3A_425 = tpu.memref_squeeze %dma_start3A_424 : memref<1x1x1x128x128xf32, #tpu.memory_space<hbm>> -> memref<128x128xf32, #tpu.memory_space<hbm>>
      %dma_start3A_426 = arith.constant 0 : i32
      %dma_start3A_427 = arith.constant 0 : i32
      %dma_start3A_428 = tpu.memref_slice %arg6[%dma_start3A_413, %dma_start3A_426, %dma_start3A_427] : memref<5x128x128xf32, #tpu.memory_space<vmem>> -> memref<1x128x128xf32, #tpu.memory_space<vmem>>
      %dma_start3A_429 = tpu.memref_squeeze %dma_start3A_428 : memref<1x128x128xf32, #tpu.memory_space<vmem>> -> memref<128x128xf32, #tpu.memory_space<vmem>>
      tpu.enqueue_dma source(%dma_start3A_429 : memref<128x128xf32, #tpu.memory_space<vmem>>) target(%dma_start3A_425 : memref<128x128xf32, #tpu.memory_space<hbm>>) target_semaphore(%arg8 : memref<!tpu.dma_semaphore, #tpu.memory_space<semaphore_mem>>)
      %add3A_430 = arith.constant 4 : i32
      %add3A_431 = arith.addi %mul3A_90, %add3A_430 : i32
      %ge3A_432 = arith.constant 3 : i32
      %ge3A_433 = arith.cmpi sge, %add3A_431, %ge3A_432 : i32
      %convert_element_type3A_434 = arith.extui %ge3A_433 : i1 to i32
      %cond3A_435 = arith.constant 0 : i32
      %cond3A_436 = arith.cmpi ne, %convert_element_type3A_434, %cond3A_435 : i32
      scf.if %cond3A_436 {
        %dma_wait3A_518 = arith.constant 0 : i32
        %dma_wait3A_519 = arith.constant 0 : i32
        %dma_wait3A_520 = arith.constant 0 : i32
        %dma_wait3A_521 = arith.constant 0 : i32
        %dma_wait3A_522 = arith.constant 0 : i32
        %dma_wait3A_523 = arith.constant 0 : i32
        %dma_wait3A_524 = tpu.memref_slice %arg6[%dma_wait3A_518, %dma_wait3A_522, %dma_wait3A_523] : memref<5x128x128xf32, #tpu.memory_space<vmem>> -> memref<1x128x128xf32, #tpu.memory_space<vmem>>
        %dma_wait3A_525 = tpu.memref_squeeze %dma_wait3A_524 : memref<1x128x128xf32, #tpu.memory_space<vmem>> -> memref<128x128xf32, #tpu.memory_space<vmem>>
        %dma_wait3A_526 = arith.constant 0 : i32
        %dma_wait3A_527 = arith.constant 0 : i32
        %dma_wait3A_528 = tpu.memref_slice %arg4[%dma_wait3A_519, %dma_wait3A_520, %dma_wait3A_521, %dma_wait3A_526, %dma_wait3A_527] : memref<50x32x1x128x128xf32, #tpu.memory_space<hbm>> -> memref<1x1x1x128x128xf32, #tpu.memory_space<hbm>>
        %dma_wait3A_529 = tpu.memref_squeeze %dma_wait3A_528 : memref<1x1x1x128x128xf32, #tpu.memory_space<hbm>> -> memref<128x128xf32, #tpu.memory_space<hbm>>
        %dma_wait3A_530 = arith.constant 0 : i32
        %dma_wait3A_531 = arith.constant 0 : i32
        %dma_wait3A_532 = tpu.memref_slice %arg4[%dma_wait3A_519, %dma_wait3A_520, %dma_wait3A_521, %dma_wait3A_530, %dma_wait3A_531] : memref<50x32x1x128x128xf32, #tpu.memory_space<hbm>> -> memref<1x1x1x128x128xf32, #tpu.memory_space<hbm>>
        %dma_wait3A_533 = tpu.memref_squeeze %dma_wait3A_532 : memref<1x1x1x128x128xf32, #tpu.memory_space<hbm>> -> memref<128x128xf32, #tpu.memory_space<hbm>>
        %dma_wait3A_534 = arith.constant 0 : i32
        %dma_wait3A_535 = arith.constant 0 : i32
        %dma_wait3A_536 = tpu.memref_slice %arg6[%dma_wait3A_518, %dma_wait3A_534, %dma_wait3A_535] : memref<5x128x128xf32, #tpu.memory_space<vmem>> -> memref<1x128x128xf32, #tpu.memory_space<vmem>>
        %dma_wait3A_537 = tpu.memref_squeeze %dma_wait3A_536 : memref<1x128x128xf32, #tpu.memory_space<vmem>> -> memref<128x128xf32, #tpu.memory_space<vmem>>
        tpu.wait_dma2 semaphore(%arg8 : memref<!tpu.dma_semaphore, #tpu.memory_space<semaphore_mem>>) src(%dma_wait3A_537 : memref<128x128xf32, #tpu.memory_space<vmem>>) dst(%dma_wait3A_533 : memref<128x128xf32, #tpu.memory_space<hbm>>)
      } else {
      }
      %add3A_437 = arith.constant 2 : i32
      %add3A_438 = arith.addi %add3A_431, %add3A_437 : i32
      %lt3A_439 = arith.constant 50 : i32
      %lt3A_440 = arith.cmpi slt, %add3A_438, %lt3A_439 : i32
      %convert_element_type3A_441 = arith.extui %lt3A_440 : i1 to i32
      %cond3A_442 = arith.constant 0 : i32
      %cond3A_443 = arith.cmpi ne, %convert_element_type3A_441, %cond3A_442 : i32
      scf.if %cond3A_443 {
        %add3A_518 = arith.constant 2 : i32
        %add3A_519 = arith.addi %add3A_431, %add3A_518 : i32
        %dma_start3A_520 = arith.constant 1 : i32
        %dma_start3A_521 = arith.constant 0 : i32
        %dma_start3A_522 = arith.constant 0 : i32
        %dma_start3A_523 = tpu.memref_slice %arg6[%dma_start3A_520, %dma_start3A_521, %dma_start3A_522] : memref<5x128x128xf32, #tpu.memory_space<vmem>> -> memref<1x128x128xf32, #tpu.memory_space<vmem>>
        %dma_start3A_524 = tpu.memref_squeeze %dma_start3A_523 : memref<1x128x128xf32, #tpu.memory_space<vmem>> -> memref<128x128xf32, #tpu.memory_space<vmem>>
        %dma_start3A_525 = arith.constant 0 : i32
        %dma_start3A_526 = tpu.memref_slice %arg5[%add3A_519, %dma_start3A_525] : memref<50x128xi32, #tpu.memory_space<vmem>> -> memref<1x128xi32, #tpu.memory_space<vmem>>
        %dma_start3A_527 = tpu.memref_squeeze %dma_start3A_526 : memref<1x128xi32, #tpu.memory_space<vmem>> -> memref<128xi32, #tpu.memory_space<vmem>>
        %dma_start3A_528 = arith.constant 0 : i32
        %dma_start3A_529 = arith.constant 0 : i32
        %dma_start3A_530 = tpu.memref_slice %arg3[%dma_start3A_528, %dma_start3A_529] : memref<100000x128xf32, #tpu.memory_space<hbm>> -> memref<100000x128xf32, #tpu.memory_space<hbm>>
        tpu.enqueue_indirect_dma source(%dma_start3A_530 : memref<100000x128xf32, #tpu.memory_space<hbm>>) target(%dma_start3A_524 : memref<128x128xf32, #tpu.memory_space<vmem>>) offsets(%dma_start3A_527 : memref<128xi32, #tpu.memory_space<vmem>>) semaphore(%arg7 : memref<!tpu.dma_semaphore, #tpu.memory_space<semaphore_mem>>)
      } else {
      }
      %dma_wait3A_444 = arith.constant 4 : i32
      %dma_wait3A_445 = arith.constant 0 : i32
      %dma_wait3A_446 = arith.constant 0 : i32
      %dma_wait3A_447 = tpu.memref_slice %arg6[%dma_wait3A_444, %dma_wait3A_445, %dma_wait3A_446] : memref<5x128x128xf32, #tpu.memory_space<vmem>> -> memref<1x128x128xf32, #tpu.memory_space<vmem>>
      %dma_wait3A_448 = tpu.memref_squeeze %dma_wait3A_447 : memref<1x128x128xf32, #tpu.memory_space<vmem>> -> memref<128x128xf32, #tpu.memory_space<vmem>>
      %dma_wait3A_449 = arith.constant 0 : i32
      %dma_wait3A_450 = tpu.memref_slice %arg5[%add3A_431, %dma_wait3A_449] : memref<50x128xi32, #tpu.memory_space<vmem>> -> memref<1x128xi32, #tpu.memory_space<vmem>>
      %dma_wait3A_451 = tpu.memref_squeeze %dma_wait3A_450 : memref<1x128xi32, #tpu.memory_space<vmem>> -> memref<128xi32, #tpu.memory_space<vmem>>
      %dma_wait3A_452 = arith.constant 0 : i32
      %dma_wait3A_453 = arith.constant 0 : i32
      %dma_wait3A_454 = tpu.memref_slice %arg3[%dma_wait3A_452, %dma_wait3A_453] : memref<100000x128xf32, #tpu.memory_space<hbm>> -> memref<100000x128xf32, #tpu.memory_space<hbm>>
      tpu.wait_indirect_dma semaphore(%arg7 : memref<!tpu.dma_semaphore, #tpu.memory_space<semaphore_mem>>) src(%dma_wait3A_454 : memref<100000x128xf32, #tpu.memory_space<hbm>>) dst(%dma_wait3A_448 : memref<128x128xf32, #tpu.memory_space<vmem>>)
      %scan3A_455 = arith.constant 0 : i32
      %scan3A_456 = arith.constant 0 : i32
      %scan3A_457 = arith.constant 64 : i32
      %scan3A_458 = arith.addi %scan3A_456, %scan3A_457 : i32
      %scan3A_459 = arith.constant 1 : i32
      scf.for %scan3A_518 = %scan3A_456 to %scan3A_458 step %scan3A_459  : i32 {
        %mul3A_519 = arith.constant 2 : i32
        %mul3A_520 = arith.muli %scan3A_518, %mul3A_519 : i32
        %add3A_521 = arith.constant 0 : i32
        %add3A_522 = arith.addi %mul3A_520, %add3A_521 : i32
        %get3A = arith.constant 4 : i32
        %get3A_523 = arith.index_cast %get3A : i32 to index
        %get3A_524 = arith.index_cast %add3A_522 : i32 to index
        %get3A_525 = arith.constant 0 : index
        %get3A_526 = tpu.vector_load %arg6[%get3A_523, %get3A_524, %get3A_525] {strides = array<i32>} : memref<5x128x128xf32, #tpu.memory_space<vmem>>, vector<1x1x16xf32>,
        %get3A_527 = vector.shape_cast %get3A_526 : vector<1x1x16xf32> to vector<16xf32>
        %mul3A_528 = arith.constant 11.3137083 : f32
        %mul3A_529 = vector.broadcast %mul3A_528 : f32 to vector<16xf32>
        %mul3A_530 = arith.mulf %get3A_527, %mul3A_529 : vector<16xf32>
        %swap3A = arith.constant 4 : i32
        %swap3A_531 = arith.index_cast %swap3A : i32 to index
        %swap3A_532 = arith.index_cast %add3A_522 : i32 to index
        %swap3A_533 = arith.constant 0 : index
        %swap3A_534 = tpu.vector_load %arg6[%swap3A_531, %swap3A_532, %swap3A_533] {strides = array<i32>} : memref<5x128x128xf32, #tpu.memory_space<vmem>>, vector<1x1x16xf32>,
        %swap3A_535 = vector.shape_cast %swap3A_534 : vector<1x1x16xf32> to vector<16xf32>
        %swap3A_536 = vector.shape_cast %mul3A_530 : vector<16xf32> to vector<1x1x16xf32>
        tpu.vector_store %arg6[%swap3A_531, %swap3A_532, %swap3A_533], %swap3A_536 {strides = array<i32>} : memref<5x128x128xf32, #tpu.memory_space<vmem>>, vector<1x1x16xf32>,
        %mul3A_537 = arith.constant 2 : i32
        %mul3A_538 = arith.muli %scan3A_518, %mul3A_537 : i32
        %add3A_539 = arith.constant 0 : i32
        %add3A_540 = arith.addi %mul3A_538, %add3A_539 : i32
        %get3A_541 = arith.constant 4 : i32
        %get3A_542 = arith.index_cast %get3A_541 : i32 to index
        %get3A_543 = arith.index_cast %add3A_540 : i32 to index
        %get3A_544 = arith.constant 16 : index
        %get3A_545 = tpu.vector_load %arg6[%get3A_542, %get3A_543, %get3A_544] {strides = array<i32>} : memref<5x128x128xf32, #tpu.memory_space<vmem>>, vector<1x1x16xf32>,
        %get3A_546 = vector.shape_cast %get3A_545 : vector<1x1x16xf32> to vector<16xf32>
        %mul3A_547 = arith.constant 11.3137083 : f32
        %mul3A_548 = vector.broadcast %mul3A_547 : f32 to vector<16xf32>
        %mul3A_549 = arith.mulf %get3A_546, %mul3A_548 : vector<16xf32>
        %swap3A_550 = arith.constant 4 : i32
        %swap3A_551 = arith.index_cast %swap3A_550 : i32 to index
        %swap3A_552 = arith.index_cast %add3A_540 : i32 to index
        %swap3A_553 = arith.constant 16 : index
        %swap3A_554 = tpu.vector_load %arg6[%swap3A_551, %swap3A_552, %swap3A_553] {strides = array<i32>} : memref<5x128x128xf32, #tpu.memory_space<vmem>>, vector<1x1x16xf32>,
        %swap3A_555 = vector.shape_cast %swap3A_554 : vector<1x1x16xf32> to vector<16xf32>
        %swap3A_556 = vector.shape_cast %mul3A_549 : vector<16xf32> to vector<1x1x16xf32>
        tpu.vector_store %arg6[%swap3A_551, %swap3A_552, %swap3A_553], %swap3A_556 {strides = array<i32>} : memref<5x128x128xf32, #tpu.memory_space<vmem>>, vector<1x1x16xf32>,
        %mul3A_557 = arith.constant 2 : i32
        %mul3A_558 = arith.muli %scan3A_518, %mul3A_557 : i32
        %add3A_559 = arith.constant 0 : i32
        %add3A_560 = arith.addi %mul3A_558, %add3A_559 : i32
        %get3A_561 = arith.constant 4 : i32
        %get3A_562 = arith.index_cast %get3A_561 : i32 to index
        %get3A_563 = arith.index_cast %add3A_560 : i32 to index
        %get3A_564 = arith.constant 32 : index
        %get3A_565 = tpu.vector_load %arg6[%get3A_562, %get3A_563, %get3A_564] {strides = array<i32>} : memref<5x128x128xf32, #tpu.memory_space<vmem>>, vector<1x1x16xf32>,
        %get3A_566 = vector.shape_cast %get3A_565 : vector<1x1x16xf32> to vector<16xf32>
        %mul3A_567 = arith.constant 11.3137083 : f32
        %mul3A_568 = vector.broadcast %mul3A_567 : f32 to vector<16xf32>
        %mul3A_569 = arith.mulf %get3A_566, %mul3A_568 : vector<16xf32>
        %swap3A_570 = arith.constant 4 : i32
        %swap3A_571 = arith.index_cast %swap3A_570 : i32 to index
        %swap3A_572 = arith.index_cast %add3A_560 : i32 to index
        %swap3A_573 = arith.constant 32 : index
        %swap3A_574 = tpu.vector_load %arg6[%swap3A_571, %swap3A_572, %swap3A_573] {strides = array<i32>} : memref<5x128x128xf32, #tpu.memory_space<vmem>>, vector<1x1x16xf32>,
        %swap3A_575 = vector.shape_cast %swap3A_574 : vector<1x1x16xf32> to vector<16xf32>
        %swap3A_576 = vector.shape_cast %mul3A_569 : vector<16xf32> to vector<1x1x16xf32>
        tpu.vector_store %arg6[%swap3A_571, %swap3A_572, %swap3A_573], %swap3A_576 {strides = array<i32>} : memref<5x128x128xf32, #tpu.memory_space<vmem>>, vector<1x1x16xf32>,
        %mul3A_577 = arith.constant 2 : i32
        %mul3A_578 = arith.muli %scan3A_518, %mul3A_577 : i32
        %add3A_579 = arith.constant 0 : i32
        %add3A_580 = arith.addi %mul3A_578, %add3A_579 : i32
        %get3A_581 = arith.constant 4 : i32
        %get3A_582 = arith.index_cast %get3A_581 : i32 to index
        %get3A_583 = arith.index_cast %add3A_580 : i32 to index
        %get3A_584 = arith.constant 48 : index
        %get3A_585 = tpu.vector_load %arg6[%get3A_582, %get3A_583, %get3A_584] {strides = array<i32>} : memref<5x128x128xf32, #tpu.memory_space<vmem>>, vector<1x1x16xf32>,
        %get3A_586 = vector.shape_cast %get3A_585 : vector<1x1x16xf32> to vector<16xf32>
        %mul3A_587 = arith.constant 11.3137083 : f32
        %mul3A_588 = vector.broadcast %mul3A_587 : f32 to vector<16xf32>
        %mul3A_589 = arith.mulf %get3A_586, %mul3A_588 : vector<16xf32>
        %swap3A_590 = arith.constant 4 : i32
        %swap3A_591 = arith.index_cast %swap3A_590 : i32 to index
        %swap3A_592 = arith.index_cast %add3A_580 : i32 to index
        %swap3A_593 = arith.constant 48 : index
        %swap3A_594 = tpu.vector_load %arg6[%swap3A_591, %swap3A_592, %swap3A_593] {strides = array<i32>} : memref<5x128x128xf32, #tpu.memory_space<vmem>>, vector<1x1x16xf32>,
        %swap3A_595 = vector.shape_cast %swap3A_594 : vector<1x1x16xf32> to vector<16xf32>
        %swap3A_596 = vector.shape_cast %mul3A_589 : vector<16xf32> to vector<1x1x16xf32>
        tpu.vector_store %arg6[%swap3A_591, %swap3A_592, %swap3A_593], %swap3A_596 {strides = array<i32>} : memref<5x128x128xf32, #tpu.memory_space<vmem>>, vector<1x1x16xf32>,
        %mul3A_597 = arith.constant 2 : i32
        %mul3A_598 = arith.muli %scan3A_518, %mul3A_597 : i32
        %add3A_599 = arith.constant 0 : i32
        %add3A_600 = arith.addi %mul3A_598, %add3A_599 : i32
        %get3A_601 = arith.constant 4 : i32
        %get3A_602 = arith.index_cast %get3A_601 : i32 to index
        %get3A_603 = arith.index_cast %add3A_600 : i32 to index
        %get3A_604 = arith.constant 64 : index
        %get3A_605 = tpu.vector_load %arg6[%get3A_602, %get3A_603, %get3A_604] {strides = array<i32>} : memref<5x128x128xf32, #tpu.memory_space<vmem>>, vector<1x1x16xf32>,
        %get3A_606 = vector.shape_cast %get3A_605 : vector<1x1x16xf32> to vector<16xf32>
        %mul3A_607 = arith.constant 11.3137083 : f32
        %mul3A_608 = vector.broadcast %mul3A_607 : f32 to vector<16xf32>
        %mul3A_609 = arith.mulf %get3A_606, %mul3A_608 : vector<16xf32>
        %swap3A_610 = arith.constant 4 : i32
        %swap3A_611 = arith.index_cast %swap3A_610 : i32 to index
        %swap3A_612 = arith.index_cast %add3A_600 : i32 to index
        %swap3A_613 = arith.constant 64 : index
        %swap3A_614 = tpu.vector_load %arg6[%swap3A_611, %swap3A_612, %swap3A_613] {strides = array<i32>} : memref<5x128x128xf32, #tpu.memory_space<vmem>>, vector<1x1x16xf32>,
        %swap3A_615 = vector.shape_cast %swap3A_614 : vector<1x1x16xf32> to vector<16xf32>
        %swap3A_616 = vector.shape_cast %mul3A_609 : vector<16xf32> to vector<1x1x16xf32>
        tpu.vector_store %arg6[%swap3A_611, %swap3A_612, %swap3A_613], %swap3A_616 {strides = array<i32>} : memref<5x128x128xf32, #tpu.memory_space<vmem>>, vector<1x1x16xf32>,
        %mul3A_617 = arith.constant 2 : i32
        %mul3A_618 = arith.muli %scan3A_518, %mul3A_617 : i32
        %add3A_619 = arith.constant 0 : i32
        %add3A_620 = arith.addi %mul3A_618, %add3A_619 : i32
        %get3A_621 = arith.constant 4 : i32
        %get3A_622 = arith.index_cast %get3A_621 : i32 to index
        %get3A_623 = arith.index_cast %add3A_620 : i32 to index
        %get3A_624 = arith.constant 80 : index
        %get3A_625 = tpu.vector_load %arg6[%get3A_622, %get3A_623, %get3A_624] {strides = array<i32>} : memref<5x128x128xf32, #tpu.memory_space<vmem>>, vector<1x1x16xf32>,
        %get3A_626 = vector.shape_cast %get3A_625 : vector<1x1x16xf32> to vector<16xf32>
        %mul3A_627 = arith.constant 11.3137083 : f32
        %mul3A_628 = vector.broadcast %mul3A_627 : f32 to vector<16xf32>
        %mul3A_629 = arith.mulf %get3A_626, %mul3A_628 : vector<16xf32>
        %swap3A_630 = arith.constant 4 : i32
        %swap3A_631 = arith.index_cast %swap3A_630 : i32 to index
        %swap3A_632 = arith.index_cast %add3A_620 : i32 to index
        %swap3A_633 = arith.constant 80 : index
        %swap3A_634 = tpu.vector_load %arg6[%swap3A_631, %swap3A_632, %swap3A_633] {strides = array<i32>} : memref<5x128x128xf32, #tpu.memory_space<vmem>>, vector<1x1x16xf32>,
        %swap3A_635 = vector.shape_cast %swap3A_634 : vector<1x1x16xf32> to vector<16xf32>
        %swap3A_636 = vector.shape_cast %mul3A_629 : vector<16xf32> to vector<1x1x16xf32>
        tpu.vector_store %arg6[%swap3A_631, %swap3A_632, %swap3A_633], %swap3A_636 {strides = array<i32>} : memref<5x128x128xf32, #tpu.memory_space<vmem>>, vector<1x1x16xf32>,
        %mul3A_637 = arith.constant 2 : i32
        %mul3A_638 = arith.muli %scan3A_518, %mul3A_637 : i32
        %add3A_639 = arith.constant 0 : i32
        %add3A_640 = arith.addi %mul3A_638, %add3A_639 : i32
        %get3A_641 = arith.constant 4 : i32
        %get3A_642 = arith.index_cast %get3A_641 : i32 to index
        %get3A_643 = arith.index_cast %add3A_640 : i32 to index
        %get3A_644 = arith.constant 96 : index
        %get3A_645 = tpu.vector_load %arg6[%get3A_642, %get3A_643, %get3A_644] {strides = array<i32>} : memref<5x128x128xf32, #tpu.memory_space<vmem>>, vector<1x1x16xf32>,
        %get3A_646 = vector.shape_cast %get3A_645 : vector<1x1x16xf32> to vector<16xf32>
        %mul3A_647 = arith.constant 11.3137083 : f32
        %mul3A_648 = vector.broadcast %mul3A_647 : f32 to vector<16xf32>
        %mul3A_649 = arith.mulf %get3A_646, %mul3A_648 : vector<16xf32>
        %swap3A_650 = arith.constant 4 : i32
        %swap3A_651 = arith.index_cast %swap3A_650 : i32 to index
        %swap3A_652 = arith.index_cast %add3A_640 : i32 to index
        %swap3A_653 = arith.constant 96 : index
        %swap3A_654 = tpu.vector_load %arg6[%swap3A_651, %swap3A_652, %swap3A_653] {strides = array<i32>} : memref<5x128x128xf32, #tpu.memory_space<vmem>>, vector<1x1x16xf32>,
        %swap3A_655 = vector.shape_cast %swap3A_654 : vector<1x1x16xf32> to vector<16xf32>
        %swap3A_656 = vector.shape_cast %mul3A_649 : vector<16xf32> to vector<1x1x16xf32>
        tpu.vector_store %arg6[%swap3A_651, %swap3A_652, %swap3A_653], %swap3A_656 {strides = array<i32>} : memref<5x128x128xf32, #tpu.memory_space<vmem>>, vector<1x1x16xf32>,
        %mul3A_657 = arith.constant 2 : i32
        %mul3A_658 = arith.muli %scan3A_518, %mul3A_657 : i32
        %add3A_659 = arith.constant 0 : i32
        %add3A_660 = arith.addi %mul3A_658, %add3A_659 : i32
        %get3A_661 = arith.constant 4 : i32
        %get3A_662 = arith.index_cast %get3A_661 : i32 to index
        %get3A_663 = arith.index_cast %add3A_660 : i32 to index
        %get3A_664 = arith.constant 112 : index
        %get3A_665 = tpu.vector_load %arg6[%get3A_662, %get3A_663, %get3A_664] {strides = array<i32>} : memref<5x128x128xf32, #tpu.memory_space<vmem>>, vector<1x1x16xf32>,
        %get3A_666 = vector.shape_cast %get3A_665 : vector<1x1x16xf32> to vector<16xf32>
        %mul3A_667 = arith.constant 11.3137083 : f32
        %mul3A_668 = vector.broadcast %mul3A_667 : f32 to vector<16xf32>
        %mul3A_669 = arith.mulf %get3A_666, %mul3A_668 : vector<16xf32>
        %swap3A_670 = arith.constant 4 : i32
        %swap3A_671 = arith.index_cast %swap3A_670 : i32 to index
        %swap3A_672 = arith.index_cast %add3A_660 : i32 to index
        %swap3A_673 = arith.constant 112 : index
        %swap3A_674 = tpu.vector_load %arg6[%swap3A_671, %swap3A_672, %swap3A_673] {strides = array<i32>} : memref<5x128x128xf32, #tpu.memory_space<vmem>>, vector<1x1x16xf32>,
        %swap3A_675 = vector.shape_cast %swap3A_674 : vector<1x1x16xf32> to vector<16xf32>
        %swap3A_676 = vector.shape_cast %mul3A_669 : vector<16xf32> to vector<1x1x16xf32>
        tpu.vector_store %arg6[%swap3A_671, %swap3A_672, %swap3A_673], %swap3A_676 {strides = array<i32>} : memref<5x128x128xf32, #tpu.memory_space<vmem>>, vector<1x1x16xf32>,
        %mul3A_677 = arith.constant 2 : i32
        %mul3A_678 = arith.muli %scan3A_518, %mul3A_677 : i32
        %add3A_679 = arith.constant 1 : i32
        %add3A_680 = arith.addi %mul3A_678, %add3A_679 : i32
        %get3A_681 = arith.constant 4 : i32
        %get3A_682 = arith.index_cast %get3A_681 : i32 to index
        %get3A_683 = arith.index_cast %add3A_680 : i32 to index
        %get3A_684 = arith.constant 0 : index
        %get3A_685 = tpu.vector_load %arg6[%get3A_682, %get3A_683, %get3A_684] {strides = array<i32>} : memref<5x128x128xf32, #tpu.memory_space<vmem>>, vector<1x1x16xf32>,
        %get3A_686 = vector.shape_cast %get3A_685 : vector<1x1x16xf32> to vector<16xf32>
        %mul3A_687 = arith.constant 11.3137083 : f32
        %mul3A_688 = vector.broadcast %mul3A_687 : f32 to vector<16xf32>
        %mul3A_689 = arith.mulf %get3A_686, %mul3A_688 : vector<16xf32>
        %swap3A_690 = arith.constant 4 : i32
        %swap3A_691 = arith.index_cast %swap3A_690 : i32 to index
        %swap3A_692 = arith.index_cast %add3A_680 : i32 to index
        %swap3A_693 = arith.constant 0 : index
        %swap3A_694 = tpu.vector_load %arg6[%swap3A_691, %swap3A_692, %swap3A_693] {strides = array<i32>} : memref<5x128x128xf32, #tpu.memory_space<vmem>>, vector<1x1x16xf32>,
        %swap3A_695 = vector.shape_cast %swap3A_694 : vector<1x1x16xf32> to vector<16xf32>
        %swap3A_696 = vector.shape_cast %mul3A_689 : vector<16xf32> to vector<1x1x16xf32>
        tpu.vector_store %arg6[%swap3A_691, %swap3A_692, %swap3A_693], %swap3A_696 {strides = array<i32>} : memref<5x128x128xf32, #tpu.memory_space<vmem>>, vector<1x1x16xf32>,
        %mul3A_697 = arith.constant 2 : i32
        %mul3A_698 = arith.muli %scan3A_518, %mul3A_697 : i32
        %add3A_699 = arith.constant 1 : i32
        %add3A_700 = arith.addi %mul3A_698, %add3A_699 : i32
        %get3A_701 = arith.constant 4 : i32
        %get3A_702 = arith.index_cast %get3A_701 : i32 to index
        %get3A_703 = arith.index_cast %add3A_700 : i32 to index
        %get3A_704 = arith.constant 16 : index
        %get3A_705 = tpu.vector_load %arg6[%get3A_702, %get3A_703, %get3A_704] {strides = array<i32>} : memref<5x128x128xf32, #tpu.memory_space<vmem>>, vector<1x1x16xf32>,
        %get3A_706 = vector.shape_cast %get3A_705 : vector<1x1x16xf32> to vector<16xf32>
        %mul3A_707 = arith.constant 11.3137083 : f32
        %mul3A_708 = vector.broadcast %mul3A_707 : f32 to vector<16xf32>
        %mul3A_709 = arith.mulf %get3A_706, %mul3A_708 : vector<16xf32>
        %swap3A_710 = arith.constant 4 : i32
        %swap3A_711 = arith.index_cast %swap3A_710 : i32 to index
        %swap3A_712 = arith.index_cast %add3A_700 : i32 to index
        %swap3A_713 = arith.constant 16 : index
        %swap3A_714 = tpu.vector_load %arg6[%swap3A_711, %swap3A_712, %swap3A_713] {strides = array<i32>} : memref<5x128x128xf32, #tpu.memory_space<vmem>>, vector<1x1x16xf32>,
        %swap3A_715 = vector.shape_cast %swap3A_714 : vector<1x1x16xf32> to vector<16xf32>
        %swap3A_716 = vector.shape_cast %mul3A_709 : vector<16xf32> to vector<1x1x16xf32>
        tpu.vector_store %arg6[%swap3A_711, %swap3A_712, %swap3A_713], %swap3A_716 {strides = array<i32>} : memref<5x128x128xf32, #tpu.memory_space<vmem>>, vector<1x1x16xf32>,
        %mul3A_717 = arith.constant 2 : i32
        %mul3A_718 = arith.muli %scan3A_518, %mul3A_717 : i32
        %add3A_719 = arith.constant 1 : i32
        %add3A_720 = arith.addi %mul3A_718, %add3A_719 : i32
        %get3A_721 = arith.constant 4 : i32
        %get3A_722 = arith.index_cast %get3A_721 : i32 to index
        %get3A_723 = arith.index_cast %add3A_720 : i32 to index
        %get3A_724 = arith.constant 32 : index
        %get3A_725 = tpu.vector_load %arg6[%get3A_722, %get3A_723, %get3A_724] {strides = array<i32>} : memref<5x128x128xf32, #tpu.memory_space<vmem>>, vector<1x1x16xf32>,
        %get3A_726 = vector.shape_cast %get3A_725 : vector<1x1x16xf32> to vector<16xf32>
        %mul3A_727 = arith.constant 11.3137083 : f32
        %mul3A_728 = vector.broadcast %mul3A_727 : f32 to vector<16xf32>
        %mul3A_729 = arith.mulf %get3A_726, %mul3A_728 : vector<16xf32>
        %swap3A_730 = arith.constant 4 : i32
        %swap3A_731 = arith.index_cast %swap3A_730 : i32 to index
        %swap3A_732 = arith.index_cast %add3A_720 : i32 to index
        %swap3A_733 = arith.constant 32 : index
        %swap3A_734 = tpu.vector_load %arg6[%swap3A_731, %swap3A_732, %swap3A_733] {strides = array<i32>} : memref<5x128x128xf32, #tpu.memory_space<vmem>>, vector<1x1x16xf32>,
        %swap3A_735 = vector.shape_cast %swap3A_734 : vector<1x1x16xf32> to vector<16xf32>
        %swap3A_736 = vector.shape_cast %mul3A_729 : vector<16xf32> to vector<1x1x16xf32>
        tpu.vector_store %arg6[%swap3A_731, %swap3A_732, %swap3A_733], %swap3A_736 {strides = array<i32>} : memref<5x128x128xf32, #tpu.memory_space<vmem>>, vector<1x1x16xf32>,
        %mul3A_737 = arith.constant 2 : i32
        %mul3A_738 = arith.muli %scan3A_518, %mul3A_737 : i32
        %add3A_739 = arith.constant 1 : i32
        %add3A_740 = arith.addi %mul3A_738, %add3A_739 : i32
        %get3A_741 = arith.constant 4 : i32
        %get3A_742 = arith.index_cast %get3A_741 : i32 to index
        %get3A_743 = arith.index_cast %add3A_740 : i32 to index
        %get3A_744 = arith.constant 48 : index
        %get3A_745 = tpu.vector_load %arg6[%get3A_742, %get3A_743, %get3A_744] {strides = array<i32>} : memref<5x128x128xf32, #tpu.memory_space<vmem>>, vector<1x1x16xf32>,
        %get3A_746 = vector.shape_cast %get3A_745 : vector<1x1x16xf32> to vector<16xf32>
        %mul3A_747 = arith.constant 11.3137083 : f32
        %mul3A_748 = vector.broadcast %mul3A_747 : f32 to vector<16xf32>
        %mul3A_749 = arith.mulf %get3A_746, %mul3A_748 : vector<16xf32>
        %swap3A_750 = arith.constant 4 : i32
        %swap3A_751 = arith.index_cast %swap3A_750 : i32 to index
        %swap3A_752 = arith.index_cast %add3A_740 : i32 to index
        %swap3A_753 = arith.constant 48 : index
        %swap3A_754 = tpu.vector_load %arg6[%swap3A_751, %swap3A_752, %swap3A_753] {strides = array<i32>} : memref<5x128x128xf32, #tpu.memory_space<vmem>>, vector<1x1x16xf32>,
        %swap3A_755 = vector.shape_cast %swap3A_754 : vector<1x1x16xf32> to vector<16xf32>
        %swap3A_756 = vector.shape_cast %mul3A_749 : vector<16xf32> to vector<1x1x16xf32>
        tpu.vector_store %arg6[%swap3A_751, %swap3A_752, %swap3A_753], %swap3A_756 {strides = array<i32>} : memref<5x128x128xf32, #tpu.memory_space<vmem>>, vector<1x1x16xf32>,
        %mul3A_757 = arith.constant 2 : i32
        %mul3A_758 = arith.muli %scan3A_518, %mul3A_757 : i32
        %add3A_759 = arith.constant 1 : i32
        %add3A_760 = arith.addi %mul3A_758, %add3A_759 : i32
        %get3A_761 = arith.constant 4 : i32
        %get3A_762 = arith.index_cast %get3A_761 : i32 to index
        %get3A_763 = arith.index_cast %add3A_760 : i32 to index
        %get3A_764 = arith.constant 64 : index
        %get3A_765 = tpu.vector_load %arg6[%get3A_762, %get3A_763, %get3A_764] {strides = array<i32>} : memref<5x128x128xf32, #tpu.memory_space<vmem>>, vector<1x1x16xf32>,
        %get3A_766 = vector.shape_cast %get3A_765 : vector<1x1x16xf32> to vector<16xf32>
        %mul3A_767 = arith.constant 11.3137083 : f32
        %mul3A_768 = vector.broadcast %mul3A_767 : f32 to vector<16xf32>
        %mul3A_769 = arith.mulf %get3A_766, %mul3A_768 : vector<16xf32>
        %swap3A_770 = arith.constant 4 : i32
        %swap3A_771 = arith.index_cast %swap3A_770 : i32 to index
        %swap3A_772 = arith.index_cast %add3A_760 : i32 to index
        %swap3A_773 = arith.constant 64 : index
        %swap3A_774 = tpu.vector_load %arg6[%swap3A_771, %swap3A_772, %swap3A_773] {strides = array<i32>} : memref<5x128x128xf32, #tpu.memory_space<vmem>>, vector<1x1x16xf32>,
        %swap3A_775 = vector.shape_cast %swap3A_774 : vector<1x1x16xf32> to vector<16xf32>
        %swap3A_776 = vector.shape_cast %mul3A_769 : vector<16xf32> to vector<1x1x16xf32>
        tpu.vector_store %arg6[%swap3A_771, %swap3A_772, %swap3A_773], %swap3A_776 {strides = array<i32>} : memref<5x128x128xf32, #tpu.memory_space<vmem>>, vector<1x1x16xf32>,
        %mul3A_777 = arith.constant 2 : i32
        %mul3A_778 = arith.muli %scan3A_518, %mul3A_777 : i32
        %add3A_779 = arith.constant 1 : i32
        %add3A_780 = arith.addi %mul3A_778, %add3A_779 : i32
        %get3A_781 = arith.constant 4 : i32
        %get3A_782 = arith.index_cast %get3A_781 : i32 to index
        %get3A_783 = arith.index_cast %add3A_780 : i32 to index
        %get3A_784 = arith.constant 80 : index
        %get3A_785 = tpu.vector_load %arg6[%get3A_782, %get3A_783, %get3A_784] {strides = array<i32>} : memref<5x128x128xf32, #tpu.memory_space<vmem>>, vector<1x1x16xf32>,
        %get3A_786 = vector.shape_cast %get3A_785 : vector<1x1x16xf32> to vector<16xf32>
        %mul3A_787 = arith.constant 11.3137083 : f32
        %mul3A_788 = vector.broadcast %mul3A_787 : f32 to vector<16xf32>
        %mul3A_789 = arith.mulf %get3A_786, %mul3A_788 : vector<16xf32>
        %swap3A_790 = arith.constant 4 : i32
        %swap3A_791 = arith.index_cast %swap3A_790 : i32 to index
        %swap3A_792 = arith.index_cast %add3A_780 : i32 to index
        %swap3A_793 = arith.constant 80 : index
        %swap3A_794 = tpu.vector_load %arg6[%swap3A_791, %swap3A_792, %swap3A_793] {strides = array<i32>} : memref<5x128x128xf32, #tpu.memory_space<vmem>>, vector<1x1x16xf32>,
        %swap3A_795 = vector.shape_cast %swap3A_794 : vector<1x1x16xf32> to vector<16xf32>
        %swap3A_796 = vector.shape_cast %mul3A_789 : vector<16xf32> to vector<1x1x16xf32>
        tpu.vector_store %arg6[%swap3A_791, %swap3A_792, %swap3A_793], %swap3A_796 {strides = array<i32>} : memref<5x128x128xf32, #tpu.memory_space<vmem>>, vector<1x1x16xf32>,
        %mul3A_797 = arith.constant 2 : i32
        %mul3A_798 = arith.muli %scan3A_518, %mul3A_797 : i32
        %add3A_799 = arith.constant 1 : i32
        %add3A_800 = arith.addi %mul3A_798, %add3A_799 : i32
        %get3A_801 = arith.constant 4 : i32
        %get3A_802 = arith.index_cast %get3A_801 : i32 to index
        %get3A_803 = arith.index_cast %add3A_800 : i32 to index
        %get3A_804 = arith.constant 96 : index
        %get3A_805 = tpu.vector_load %arg6[%get3A_802, %get3A_803, %get3A_804] {strides = array<i32>} : memref<5x128x128xf32, #tpu.memory_space<vmem>>, vector<1x1x16xf32>,
        %get3A_806 = vector.shape_cast %get3A_805 : vector<1x1x16xf32> to vector<16xf32>
        %mul3A_807 = arith.constant 11.3137083 : f32
        %mul3A_808 = vector.broadcast %mul3A_807 : f32 to vector<16xf32>
        %mul3A_809 = arith.mulf %get3A_806, %mul3A_808 : vector<16xf32>
        %swap3A_810 = arith.constant 4 : i32
        %swap3A_811 = arith.index_cast %swap3A_810 : i32 to index
        %swap3A_812 = arith.index_cast %add3A_800 : i32 to index
        %swap3A_813 = arith.constant 96 : index
        %swap3A_814 = tpu.vector_load %arg6[%swap3A_811, %swap3A_812, %swap3A_813] {strides = array<i32>} : memref<5x128x128xf32, #tpu.memory_space<vmem>>, vector<1x1x16xf32>,
        %swap3A_815 = vector.shape_cast %swap3A_814 : vector<1x1x16xf32> to vector<16xf32>
        %swap3A_816 = vector.shape_cast %mul3A_809 : vector<16xf32> to vector<1x1x16xf32>
        tpu.vector_store %arg6[%swap3A_811, %swap3A_812, %swap3A_813], %swap3A_816 {strides = array<i32>} : memref<5x128x128xf32, #tpu.memory_space<vmem>>, vector<1x1x16xf32>,
        %mul3A_817 = arith.constant 2 : i32
        %mul3A_818 = arith.muli %scan3A_518, %mul3A_817 : i32
        %add3A_819 = arith.constant 1 : i32
        %add3A_820 = arith.addi %mul3A_818, %add3A_819 : i32
        %get3A_821 = arith.constant 4 : i32
        %get3A_822 = arith.index_cast %get3A_821 : i32 to index
        %get3A_823 = arith.index_cast %add3A_820 : i32 to index
        %get3A_824 = arith.constant 112 : index
        %get3A_825 = tpu.vector_load %arg6[%get3A_822, %get3A_823, %get3A_824] {strides = array<i32>} : memref<5x128x128xf32, #tpu.memory_space<vmem>>, vector<1x1x16xf32>,
        %get3A_826 = vector.shape_cast %get3A_825 : vector<1x1x16xf32> to vector<16xf32>
        %mul3A_827 = arith.constant 11.3137083 : f32
        %mul3A_828 = vector.broadcast %mul3A_827 : f32 to vector<16xf32>
        %mul3A_829 = arith.mulf %get3A_826, %mul3A_828 : vector<16xf32>
        %swap3A_830 = arith.constant 4 : i32
        %swap3A_831 = arith.index_cast %swap3A_830 : i32 to index
        %swap3A_832 = arith.index_cast %add3A_820 : i32 to index
        %swap3A_833 = arith.constant 112 : index
        %swap3A_834 = tpu.vector_load %arg6[%swap3A_831, %swap3A_832, %swap3A_833] {strides = array<i32>} : memref<5x128x128xf32, #tpu.memory_space<vmem>>, vector<1x1x16xf32>,
        %swap3A_835 = vector.shape_cast %swap3A_834 : vector<1x1x16xf32> to vector<16xf32>
        %swap3A_836 = vector.shape_cast %mul3A_829 : vector<16xf32> to vector<1x1x16xf32>
        tpu.vector_store %arg6[%swap3A_831, %swap3A_832, %swap3A_833], %swap3A_836 {strides = array<i32>} : memref<5x128x128xf32, #tpu.memory_space<vmem>>, vector<1x1x16xf32>,
      }
      %scan3A_460 = arith.constant 64 : i32
      %jit3A_461 = arith.constant 1 : i32
      %div3A_462 = arith.divsi %add3A_431, %jit3A_461 : i32
      %sign3A_463 = arith.constant 0 : i32
      %sign3A_464 = arith.cmpi sgt, %add3A_431, %sign3A_463 : i32
      %sign3A_465 = arith.extui %sign3A_464 : i1 to i32
      %sign3A_466 = arith.constant 0 : i32
      %sign3A_467 = arith.cmpi slt, %add3A_431, %sign3A_466 : i32
      %sign3A_468 = arith.extui %sign3A_467 : i1 to i32
      %sign3A_469 = arith.subi %sign3A_465, %sign3A_468 : i32
      %sign3A_470 = arith.constant 0 : i32
      %sign3A_471 = arith.cmpi sgt, %jit3A_461, %sign3A_470 : i32
      %sign3A_472 = arith.extui %sign3A_471 : i1 to i32
      %sign3A_473 = arith.constant 0 : i32
      %sign3A_474 = arith.cmpi slt, %jit3A_461, %sign3A_473 : i32
      %sign3A_475 = arith.extui %sign3A_474 : i1 to i32
      %sign3A_476 = arith.subi %sign3A_472, %sign3A_475 : i32
      %ne3A_477 = arith.cmpi ne, %sign3A_469, %sign3A_476 : i32
      %rem3A_478 = arith.remsi %add3A_431, %jit3A_461 : i32
      %ne3A_479 = arith.constant 0 : i32
      %ne3A_480 = arith.cmpi ne, %rem3A_478, %ne3A_479 : i32
      %and3A_481 = arith.andi %ne3A_477, %ne3A_480 : i1
      %sub3A_482 = arith.constant 1 : i32
      %sub3A_483 = arith.subi %div3A_462, %sub3A_482 : i32
      %select_n3A_484 = arith.select %and3A_481, %sub3A_483, %div3A_462 : i32
      %jit3A_485 = arith.constant 1 : i32
      %eq3A_486 = arith.constant 0 : i32
      %eq3A_487 = arith.cmpi eq, %jit3A_485, %eq3A_486 : i32
      %jit3A_488 = arith.constant 1 : i32
      %select_n3A_489 = arith.select %eq3A_487, %jit3A_488, %jit3A_485 : i32
      %rem3A_490 = arith.remsi %add3A_431, %select_n3A_489 : i32
      %ne3A_491 = arith.constant 0 : i32
      %ne3A_492 = arith.cmpi ne, %rem3A_490, %ne3A_491 : i32
      %lt3A_493 = arith.constant 0 : i32
      %lt3A_494 = arith.cmpi slt, %rem3A_490, %lt3A_493 : i32
      %lt3A_495 = arith.constant 0 : i32
      %lt3A_496 = arith.cmpi slt, %select_n3A_489, %lt3A_495 : i32
      %ne3A_497 = arith.xori %lt3A_494, %lt3A_496 : i1
      %and3A_498 = arith.andi %ne3A_497, %ne3A_492 : i1
      %add3A_499 = arith.addi %rem3A_490, %select_n3A_489 : i32
      %select_n3A_500 = arith.select %and3A_498, %add3A_499, %rem3A_490 : i32
      %dma_start3A_501 = arith.constant 4 : i32
      %dma_start3A_502 = arith.constant 0 : i32
      %dma_start3A_503 = arith.constant 0 : i32
      %dma_start3A_504 = tpu.memref_slice %arg6[%dma_start3A_501, %dma_start3A_502, %dma_start3A_503] : memref<5x128x128xf32, #tpu.memory_space<vmem>> -> memref<1x128x128xf32, #tpu.memory_space<vmem>>
      %dma_start3A_505 = tpu.memref_squeeze %dma_start3A_504 : memref<1x128x128xf32, #tpu.memory_space<vmem>> -> memref<128x128xf32, #tpu.memory_space<vmem>>
      %dma_start3A_506 = arith.constant 0 : i32
      %dma_start3A_507 = arith.constant 0 : i32
      %dma_start3A_508 = tpu.memref_slice %arg4[%select_n3A_484, %add3A, %select_n3A_500, %dma_start3A_506, %dma_start3A_507] : memref<50x32x1x128x128xf32, #tpu.memory_space<hbm>> -> memref<1x1x1x128x128xf32, #tpu.memory_space<hbm>>
      %dma_start3A_509 = tpu.memref_squeeze %dma_start3A_508 : memref<1x1x1x128x128xf32, #tpu.memory_space<hbm>> -> memref<128x128xf32, #tpu.memory_space<hbm>>
      %dma_start3A_510 = arith.constant 0 : i32
      %dma_start3A_511 = arith.constant 0 : i32
      %dma_start3A_512 = tpu.memref_slice %arg4[%select_n3A_484, %add3A, %select_n3A_500, %dma_start3A_510, %dma_start3A_511] : memref<50x32x1x128x128xf32, #tpu.memory_space<hbm>> -> memref<1x1x1x128x128xf32, #tpu.memory_space<hbm>>
      %dma_start3A_513 = tpu.memref_squeeze %dma_start3A_512 : memref<1x1x1x128x128xf32, #tpu.memory_space<hbm>> -> memref<128x128xf32, #tpu.memory_space<hbm>>
      %dma_start3A_514 = arith.constant 0 : i32
      %dma_start3A_515 = arith.constant 0 : i32
      %dma_start3A_516 = tpu.memref_slice %arg6[%dma_start3A_501, %dma_start3A_514, %dma_start3A_515] : memref<5x128x128xf32, #tpu.memory_space<vmem>> -> memref<1x128x128xf32, #tpu.memory_space<vmem>>
      %dma_start3A_517 = tpu.memref_squeeze %dma_start3A_516 : memref<1x128x128xf32, #tpu.memory_space<vmem>> -> memref<128x128xf32, #tpu.memory_space<vmem>>
      tpu.enqueue_dma source(%dma_start3A_517 : memref<128x128xf32, #tpu.memory_space<vmem>>) target(%dma_start3A_513 : memref<128x128xf32, #tpu.memory_space<hbm>>) target_semaphore(%arg8 : memref<!tpu.dma_semaphore, #tpu.memory_space<semaphore_mem>>)
    }
    %scan3A_28 = arith.constant 10 : i32
    %dma_wait3A = arith.constant 0 : i32
    %dma_wait3A_29 = arith.constant 0 : i32
    %dma_wait3A_30 = arith.constant 0 : i32
    %dma_wait3A_31 = arith.constant 0 : i32
    %dma_wait3A_32 = arith.constant 0 : i32
    %dma_wait3A_33 = arith.constant 0 : i32
    %dma_wait3A_34 = tpu.memref_slice %arg6[%dma_wait3A, %dma_wait3A_32, %dma_wait3A_33] : memref<5x128x128xf32, #tpu.memory_space<vmem>> -> memref<1x128x128xf32, #tpu.memory_space<vmem>>
    %dma_wait3A_35 = tpu.memref_squeeze %dma_wait3A_34 : memref<1x128x128xf32, #tpu.memory_space<vmem>> -> memref<128x128xf32, #tpu.memory_space<vmem>>
    %dma_wait3A_36 = arith.constant 0 : i32
    %dma_wait3A_37 = arith.constant 0 : i32
    %dma_wait3A_38 = tpu.memref_slice %arg4[%dma_wait3A_29, %dma_wait3A_30, %dma_wait3A_31, %dma_wait3A_36, %dma_wait3A_37] : memref<50x32x1x128x128xf32, #tpu.memory_space<hbm>> -> memref<1x1x1x128x128xf32, #tpu.memory_space<hbm>>
    %dma_wait3A_39 = tpu.memref_squeeze %dma_wait3A_38 : memref<1x1x1x128x128xf32, #tpu.memory_space<hbm>> -> memref<128x128xf32, #tpu.memory_space<hbm>>
    %dma_wait3A_40 = arith.constant 0 : i32
    %dma_wait3A_41 = arith.constant 0 : i32
    %dma_wait3A_42 = tpu.memref_slice %arg4[%dma_wait3A_29, %dma_wait3A_30, %dma_wait3A_31, %dma_wait3A_40, %dma_wait3A_41] : memref<50x32x1x128x128xf32, #tpu.memory_space<hbm>> -> memref<1x1x1x128x128xf32, #tpu.memory_space<hbm>>
    %dma_wait3A_43 = tpu.memref_squeeze %dma_wait3A_42 : memref<1x1x1x128x128xf32, #tpu.memory_space<hbm>> -> memref<128x128xf32, #tpu.memory_space<hbm>>
    %dma_wait3A_44 = arith.constant 0 : i32
    %dma_wait3A_45 = arith.constant 0 : i32
    %dma_wait3A_46 = tpu.memref_slice %arg6[%dma_wait3A, %dma_wait3A_44, %dma_wait3A_45] : memref<5x128x128xf32, #tpu.memory_space<vmem>> -> memref<1x128x128xf32, #tpu.memory_space<vmem>>
    %dma_wait3A_47 = tpu.memref_squeeze %dma_wait3A_46 : memref<1x128x128xf32, #tpu.memory_space<vmem>> -> memref<128x128xf32, #tpu.memory_space<vmem>>
    tpu.wait_dma2 semaphore(%arg8 : memref<!tpu.dma_semaphore, #tpu.memory_space<semaphore_mem>>) src(%dma_wait3A_47 : memref<128x128xf32, #tpu.memory_space<vmem>>) dst(%dma_wait3A_43 : memref<128x128xf32, #tpu.memory_space<hbm>>)
    %dma_wait3A_48 = arith.constant 0 : i32
    %dma_wait3A_49 = arith.constant 0 : i32
    %dma_wait3A_50 = arith.constant 0 : i32
    %dma_wait3A_51 = arith.constant 0 : i32
    %dma_wait3A_52 = arith.constant 0 : i32
    %dma_wait3A_53 = arith.constant 0 : i32
    %dma_wait3A_54 = tpu.memref_slice %arg6[%dma_wait3A_48, %dma_wait3A_52, %dma_wait3A_53] : memref<5x128x128xf32, #tpu.memory_space<vmem>> -> memref<1x128x128xf32, #tpu.memory_space<vmem>>
    %dma_wait3A_55 = tpu.memref_squeeze %dma_wait3A_54 : memref<1x128x128xf32, #tpu.memory_space<vmem>> -> memref<128x128xf32, #tpu.memory_space<vmem>>
    %dma_wait3A_56 = arith.constant 0 : i32
    %dma_wait3A_57 = arith.constant 0 : i32
    %dma_wait3A_58 = tpu.memref_slice %arg4[%dma_wait3A_49, %dma_wait3A_50, %dma_wait3A_51, %dma_wait3A_56, %dma_wait3A_57] : memref<50x32x1x128x128xf32, #tpu.memory_space<hbm>> -> memref<1x1x1x128x128xf32, #tpu.memory_space<hbm>>
    %dma_wait3A_59 = tpu.memref_squeeze %dma_wait3A_58 : memref<1x1x1x128x128xf32, #tpu.memory_space<hbm>> -> memref<128x128xf32, #tpu.memory_space<hbm>>
    %dma_wait3A_60 = arith.constant 0 : i32
    %dma_wait3A_61 = arith.constant 0 : i32
    %dma_wait3A_62 = tpu.memref_slice %arg4[%dma_wait3A_49, %dma_wait3A_50, %dma_wait3A_51, %dma_wait3A_60, %dma_wait3A_61] : memref<50x32x1x128x128xf32, #tpu.memory_space<hbm>> -> memref<1x1x1x128x128xf32, #tpu.memory_space<hbm>>
    %dma_wait3A_63 = tpu.memref_squeeze %dma_wait3A_62 : memref<1x1x1x128x128xf32, #tpu.memory_space<hbm>> -> memref<128x128xf32, #tpu.memory_space<hbm>>
    %dma_wait3A_64 = arith.constant 0 : i32
    %dma_wait3A_65 = arith.constant 0 : i32
    %dma_wait3A_66 = tpu.memref_slice %arg6[%dma_wait3A_48, %dma_wait3A_64, %dma_wait3A_65] : memref<5x128x128xf32, #tpu.memory_space<vmem>> -> memref<1x128x128xf32, #tpu.memory_space<vmem>>
    %dma_wait3A_67 = tpu.memref_squeeze %dma_wait3A_66 : memref<1x128x128xf32, #tpu.memory_space<vmem>> -> memref<128x128xf32, #tpu.memory_space<vmem>>
    tpu.wait_dma2 semaphore(%arg8 : memref<!tpu.dma_semaphore, #tpu.memory_space<semaphore_mem>>) src(%dma_wait3A_67 : memref<128x128xf32, #tpu.memory_space<vmem>>) dst(%dma_wait3A_63 : memref<128x128xf32, #tpu.memory_space<hbm>>)
    %dma_wait3A_68 = arith.constant 0 : i32
    %dma_wait3A_69 = arith.constant 0 : i32
    %dma_wait3A_70 = arith.constant 0 : i32
    %dma_wait3A_71 = arith.constant 0 : i32
    %dma_wait3A_72 = arith.constant 0 : i32
    %dma_wait3A_73 = arith.constant 0 : i32
    %dma_wait3A_74 = tpu.memref_slice %arg6[%dma_wait3A_68, %dma_wait3A_72, %dma_wait3A_73] : memref<5x128x128xf32, #tpu.memory_space<vmem>> -> memref<1x128x128xf32, #tpu.memory_space<vmem>>
    %dma_wait3A_75 = tpu.memref_squeeze %dma_wait3A_74 : memref<1x128x128xf32, #tpu.memory_space<vmem>> -> memref<128x128xf32, #tpu.memory_space<vmem>>
    %dma_wait3A_76 = arith.constant 0 : i32
    %dma_wait3A_77 = arith.constant 0 : i32
    %dma_wait3A_78 = tpu.memref_slice %arg4[%dma_wait3A_69, %dma_wait3A_70, %dma_wait3A_71, %dma_wait3A_76, %dma_wait3A_77] : memref<50x32x1x128x128xf32, #tpu.memory_space<hbm>> -> memref<1x1x1x128x128xf32, #tpu.memory_space<hbm>>
    %dma_wait3A_79 = tpu.memref_squeeze %dma_wait3A_78 : memref<1x1x1x128x128xf32, #tpu.memory_space<hbm>> -> memref<128x128xf32, #tpu.memory_space<hbm>>
    %dma_wait3A_80 = arith.constant 0 : i32
    %dma_wait3A_81 = arith.constant 0 : i32
    %dma_wait3A_82 = tpu.memref_slice %arg4[%dma_wait3A_69, %dma_wait3A_70, %dma_wait3A_71, %dma_wait3A_80, %dma_wait3A_81] : memref<50x32x1x128x128xf32, #tpu.memory_space<hbm>> -> memref<1x1x1x128x128xf32, #tpu.memory_space<hbm>>
    %dma_wait3A_83 = tpu.memref_squeeze %dma_wait3A_82 : memref<1x1x1x128x128xf32, #tpu.memory_space<hbm>> -> memref<128x128xf32, #tpu.memory_space<hbm>>
    %dma_wait3A_84 = arith.constant 0 : i32
    %dma_wait3A_85 = arith.constant 0 : i32
    %dma_wait3A_86 = tpu.memref_slice %arg6[%dma_wait3A_68, %dma_wait3A_84, %dma_wait3A_85] : memref<5x128x128xf32, #tpu.memory_space<vmem>> -> memref<1x128x128xf32, #tpu.memory_space<vmem>>
    %dma_wait3A_87 = tpu.memref_squeeze %dma_wait3A_86 : memref<1x128x128xf32, #tpu.memory_space<vmem>> -> memref<128x128xf32, #tpu.memory_space<vmem>>
    tpu.wait_dma2 semaphore(%arg8 : memref<!tpu.dma_semaphore, #tpu.memory_space<semaphore_mem>>) src(%dma_wait3A_87 : memref<128x128xf32, #tpu.memory_space<vmem>>) dst(%dma_wait3A_83 : memref<128x128xf32, #tpu.memory_space<hbm>>)
    return
  }
}

</mosaic_0001>

<sc_bundles>
// kernel: kernel.3.cloned.1.call-start
scs
__scs_entry_jumppad:
0x0: {  	(pc) =	sbr.rel $0x88, $3  }
0x1: {  	(tag) =	ssettag $0x0;
	lr =	simm.s32 $0x1  }
0x2: {  	[smem:$0x3F9F] =	sst lr;
	_ =	strace $0xD0000000  }
0x3: {  	_ = 	snop  }
0x4: {  	_ = 	snop  }
0x5: {  	_ = 	snop  }
0x6: {  	_ = 	snop  }
0x7: {  	_ = 	snop  }
__scs_overlays_trampoline_lowered:
0x8: {  	[smem:$0x3FAE] =	sst s0  }
0x9: {  	[smem:$0x3FAF] =	sst s1  }
0xa: {  	[smem:$0x3FB0] =	sst s2  }
0xb: {  	[smem:$0x3FB1] =	sst s3  }
0xc: {  	[smem:$0x3FB2] =	sst s4  }
0xd: {  	[smem:$0x3FB3] =	sst s5  }
0xe: {  	[smem:$0x3FB4] =	sst s6  }
0xf: {  	[smem:$0x3FB5] =	sst s7  }
0x10: {  	[smem:$0x3FB6] =	sst s8  }
0x11: {  	[smem:$0x3FB7] =	sst s9;
	s0 =	simm.s32 @!p0 $0x0  }
0x12: {  	s1 =	sld [smem:$0x3F9D];
	s0 =	simm.s32 @p0 $0x1  }
0x13: {  	[smem:$0x3FB8] =	sst s0;
	s0 =	simm.s32 @!p1 $0x0  }
0x14: {  	s2 =	sld [smem:$0x3F9C];
	s0 =	simm.s32 @p1 $0x1  }
0x15: {  	[smem:$0x3FB9] =	sst s0;
	s0 =	simm.s32 @!p2 $0x0  }
0x16: {  	s3 =	sld [smem:$0x3FDB];
	s0 =	simm.s32 @p2 $0x1  }
0x17: {  	s4 =	simm.s32 $0x1BF5;
	[smem:$0x3FBB] =	sst s0  }
0x18: {  	s0 =	sld [smem:$0x3F9E];
	_ =	swait.ge [sflag:s4], $0x0  }
0x19: {  	s7 =	sld [smem:$0x3F9F]  }
0x1a: {  	s8 =	sadd.s32 $0xFFFFE003, lr  }
0x1b: {  	s9 =	sadd.s32 $0xFFFFFEF7, lr;
	s5 =	simm.s32 $0xFFFFFFFF;
	p2 =	slt.u32 s8, $0xFFFFF086  }
0x1c: {  	p1 =	slt.u32 s9, $0xF7A;
	s5 =	simm.s32 @!p2 $0x0  }
0x1d: {  	s5 =	simm.s32 @p1 $0x1;
	p0 =	seq.s32 s7, s2  }
0x1e: {  	s7 =	smul.u32 @!p0 $0xF7A, s2;
	p2 =	seq.s32 @!p0 s5, $0x0  }
0x1f: {  	s9 =	smul.u32 $0xF7A, s1;
	s8 =	simm.s32 @!p0 $0x1BF5;
	p2 =	por !p2, p0  }
0x20: {  	[sflag:s8] =	ssyncset.s32 @!p0 $0xFFFFF086;
	s6 =	sadd.s32 @!p0 s3, s7;
	s7 =	simm.s32 @!p0 $0x108  }
0x21: {  	s3 =	sadd.s32 s3, s9;
	s6 =	sadd.s32 @!p0 $0x88, s6;
	s7 =	simm.s32 @p2 $0x1082  }
0x22: {  	[simem:s7], [sflag:s8] =	dma.local @!p0 [hbm:s6], $0xF7A  }
0x23: {  	s9 =	sor.u32 $0xD0000000, s2;
	s6 =	simm.s32 $0x108;
	_ =	swait.ge @!p0 [sflag:s8], $0x0  }
0x24: {  	s3 =	sadd.s32 $0x88, s3;
	s6 =	simm.s32 @!p1 $0x1082;
	[sflag:s4] =	ssyncset.s32 $0xFFFFF086  }
0x25: {  	[simem:s6], [sflag:s4] =	dma.local [hbm:s3], $0xF7A  }
0x26: {  	[smem:$0x3F9F] =	sst s1;
	(tag) =	ssettag s2;
	_ =	strace s9  }
0x27: {  	s1 =	sld [smem:$0x3FAF]  }
0x28: {  	s2 =	sld [smem:$0x3FB0]  }
0x29: {  	s4 =	sld [smem:$0x3FB2]  }
0x2a: {  	p0 =	seq.s32 s5, $0x0;
	s5 =	sld [smem:$0x3FB3]  }
0x2b: {  	s6 =	sld [smem:$0x3FB4]  }
0x2c: {  	s7 =	sld [smem:$0x3FB5]  }
0x2d: {  	s3 =	simm.s32 $0x108;
	s8 =	sld [smem:$0x3FB6]  }
0x2e: {  	s3 =	simm.s32 @!p0 $0x1082;
	s9 =	sld [smem:$0x3FB7]  }
0x2f: {  	lr =	sadd.s32 s0, s3;
	s0 =	sld [smem:$0x3FAE]  }
0x30: {  	s3 =	sld [smem:$0x3FB1]  }
0x31: {  	[smem:$0x3FBA] =	sst s10  }
0x32: {  	s10 =	sld [smem:$0x3FB8];
	_ =	sdelay $0x3  }
0x33: {  	p0 =	seq.s32 s10, $0x1;
	s10 =	sld [smem:$0x3FBA];
	_ =	sdelay $0x3  }
0x34: {  	[smem:$0x3FBA] =	sst s10  }
0x35: {  	s10 =	sld [smem:$0x3FB9];
	_ =	sdelay $0x3  }
0x36: {  	p1 =	seq.s32 s10, $0x1;
	s10 =	sld [smem:$0x3FBA];
	_ =	sdelay $0x3  }
0x37: {  	[smem:$0x3FBA] =	sst s10  }
0x38: {  	s10 =	sld [smem:$0x3FBB]  }
0x39: {  	_ = 	snop;
	(pc) =	sbr.ind lr, $3  }
0x3a: {  	_ = 	snop  }
0x3b: {  	_ = 	snop  }
0x3c: {  	p2 =	seq.s32 s10, $0x1;
	s10 =	sld [smem:$0x3FBA]  }
0x3d: {  	_ =	shalt  }
0x3e: {  	_ =	shalt  }
0x3f: {  	_ =	shalt  }
0x40: {  	_ =	shalt  }
0x41: {  	_ =	shalt  }
0x42: {  	_ =	shalt  }
0x43: {  	_ =	shalt  }
0x44: {  	_ =	shalt  }
0x45: {  	_ =	shalt  }
0x46: {  	_ =	shalt  }
0x47: {  	_ =	shalt  }
0x48: {  	_ =	shalt  }
0x49: {  	_ =	shalt  }
0x4a: {  	_ =	shalt  }
0x4b: {  	_ =	shalt  }
0x4c: {  	_ =	shalt  }
0x4d: {  	_ =	shalt  }
0x4e: {  	_ =	shalt  }
0x4f: {  	_ =	shalt  }
0x50: {  	_ =	shalt  }
0x51: {  	_ =	shalt  }
0x52: {  	_ =	shalt  }
0x53: {  	_ =	shalt  }
0x54: {  	_ =	shalt  }
0x55: {  	_ =	shalt  }
0x56: {  	_ =	shalt  }
0x57: {  	_ =	shalt  }
0x58: {  	_ =	shalt  }
0x59: {  	_ =	shalt  }
0x5a: {  	_ =	shalt  }
0x5b: {  	_ =	shalt  }
0x5c: {  	_ =	shalt  }
0x5d: {  	_ =	shalt  }
0x5e: {  	_ =	shalt  }
0x5f: {  	_ =	shalt  }
0x60: {  	_ =	shalt  }
0x61: {  	_ =	shalt  }
0x62: {  	_ =	shalt  }
0x63: {  	_ =	shalt  }
0x64: {  	_ =	shalt  }
0x65: {  	_ =	shalt  }
0x66: {  	_ =	shalt  }
0x67: {  	_ =	shalt  }
0x68: {  	_ =	shalt  }
0x69: {  	_ =	shalt  }
0x6a: {  	_ =	shalt  }
0x6b: {  	_ =	shalt  }
0x6c: {  	_ =	shalt  }
0x6d: {  	_ =	shalt  }
0x6e: {  	_ =	shalt  }
0x6f: {  	_ =	shalt  }
0x70: {  	_ =	shalt  }
0x71: {  	_ =	shalt  }
0x72: {  	_ =	shalt  }
0x73: {  	_ =	shalt  }
0x74: {  	_ =	shalt  }
0x75: {  	_ =	shalt  }
0x76: {  	_ =	shalt  }
0x77: {  	_ =	shalt  }
0x78: {  	_ =	shalt  }
0x79: {  	_ =	shalt  }
0x7a: {  	_ =	shalt  }
0x7b: {  	_ =	shalt  }
0x7c: {  	_ =	shalt  }
0x7d: {  	_ =	shalt  }
0x7e: {  	_ =	shalt  }
0x7f: {  	_ =	shalt  }
0x80: {  	_ =	shalt  }
0x81: {  	_ =	shalt  }
0x82: {  	_ =	shalt  }
0x83: {  	_ =	shalt  }
0x84: {  	_ =	shalt  }
0x85: {  	_ =	shalt  }
0x86: {  	_ =	shalt  }
0x87: {  	_ =	shalt  }
.Lfunc_end0:
.L_simem_size_0:
called_computation_lowered:
.L_overlay_start_0:
0x88: {  	s2 =	sld [smem:$0x3FD9]  }
0x89: {  	s3 =	sld [smem:$0x3FFE];
	_ =	sdelay $0x1  }
0x8a: {  	s1 =	srdreg.scid  }
0x8b: {  	s0 =	sand.u32 $0x1, s1  }
0x8c: {  	s17 =	sshll.u32 s0, $0xA;
	s2 =	sadd.s32 s3, s2  }
0x8d: {  	s2 =	sadd.s32 s2, s17  }
0x8e: {  	[smem:$0x3FC6] =	sst s2  }
0x8f: {  	_ = 	snop  }
0x90: {  	s2 =	sld [smem:$0x3FC8]  }
0x91: {  	s18 =	sld [smem:$0x3FD0];
	(tm) =	ssettm $0x1  }
0x92: {  	s4 =	sld [smem:$0x3FFB];
	_ =	sdelay $0x3  }
0x93: {  	_ =	strace s4  }
0x94: {  	s4 =	sld [smem:$0x3FFC];
	_ =	sdelay $0x3  }
0x95: {  	_ =	strace s4  }
0x96: {  	s4 =	sld [smem:$0x3FFD];
	_ =	sdelay $0x3  }
0x97: {  	_ =	strace s4  }
0x98: {  	_ =	strace $0x8FFFFFFF  }
0x99: {  	s19 =	sld [smem:$0x3FDB];
	_ =	sdelay $0x1  }
0x9a: {  	s5 =	simm.s32 $_scs_section_size  }
0x9b: {  	s6 =	simm.s32 $_size__tile_overlayer_lowered;
	s7 =	simm.s32 $_tile_overlayer_lowered  }
0x9c: {  	s22 =	simm.s32 $0x1BFF;
	s21 =	sshll.u32 s7, $0x1;
	s4 =	sadd.s32 s5, s19  }
0x9d: {  	s8 =	simm.s32 $0x0;
	s20 =	sshll.u32 s6, $0x1;
	s6 =	sadd.s32 s21, s4  }
0x9e: {  	[timem:s8], [sflag:s22] =	dma.local [hbm:s6], s20  }
0x9f: {  	_ =	swait.ge [sflag:s22], s20  }
0xa0: {  	s5 =	ssub.s32 $0x0, s20;
	[sflag:s22] =	ssyncset.done $0x0  }
0xa1: {  	[sflag:s22] =	ssyncadd.s32 s5;
	_ =	sdelay $0x1  }
0xa2: {  	s23 =	simm.s32 $0x1B8B  }
0xa3: {  	_ =	swait.ge [sflag:s23], $0x1  }
0xa4: {  	[sflag:s23] =	ssyncset.done $0x0  }
0xa5: {  	s25 =	simm.s32 $0x1B8E;
	s24 =	sld [smem:$0x3FFE];
	[sflag:s23] =	ssyncadd.s32 $0xFFFFFFFF  }
0xa6: {  	s26 =	simm.s32 $execute0_lowered;
	[smem:$0x3FD2] =	sst s25  }
0xa7: {  	s6 =	sshll.u32 s26, $0x1;
	_ =	strace $0x80000046;
	[dreg:$0x1] =	wrdreg $0xFFFFFFFF  }
0xa8: {  	s28 =	simm.s32 $_size_execute0_lowered;
	s4 =	sadd.s32 s4, s6;
	[dreg:$0x0] =	wrdreg $0x0  }
0xa9: {  	s6 =	sshll.u32 s28, $0x1;
	[dreg:$0x2] =	wrdreg s4  }
0xaa: {  	[dreg:$0x3] =	wrdreg s6  }
0xab: {  	[dreg:$0x4] =	wrdreg $0xC0  }
0xac: {  	_ =	task [dreg:s8], $0x5FFFF  }
0xad: {  	[dreg:$0x1] =	wrdreg $0xFFFFFFFF  }
0xae: {  	[dreg:$0x0] =	wrdreg $0x60  }
0xaf: {  	[dreg:$0x2] =	wrdreg s24  }
0xb0: {  	[dreg:$0x3] =	wrdreg s2  }
0xb1: {  	[dreg:$0x4] =	wrdreg s18  }
0xb2: {  	[dreg:$0x5] =	wrdreg $0x9  }
0xb3: {  	_ =	task.clear_ibuf [dreg:s8], $0x6FFFF;
	_ =	strace $0x90000046  }
0xb4: {  	s29 =	simm.s32 $0x9;
	_ =	strace $0x80000048  }
0xb5: {  	_ =	swait.ge [sflag:s29], $0x1  }
0xb6: {  	[sflag:s29] =	ssyncadd.s32 $0xFFFFFFFF  }
0xb7: {  	_ =	strace $0x90000048  }
0xb8: {  	_ =	sfence  }
0xb9: {  	s30 =	sld [smem:$0x0];
	_ =	sdelay $0x2  }
0xba: {  	s31 =	sshll.u32 s1, $0xD;
	s1 =	sshrl.u32 s1, $0x2  }
0xbb: {  	s3 =	sand.u32 $0x4000, s31;
	s1 =	sadd.s32 s1, s30  }
0xbc: {  	s0 =	sor.u32 s3, s0;
	s1 =	sshll.u32 s1, $0x11  }
0xbd: {  	s0 =	sor.u32 s1, s0  }
0xbe: {  	s0 =	sadd.s32 $0x8F2B, s0  }
0xbf: {  	[sflag:s0] =	ssyncadd.remote.s32 $0x1  }
0xc0: {  	_ =	sfence.sel $0xFFFF  }
0xc1: {  	[dreg:$0x0] =	wrdreg $0xFFFFFFFF;
	(pc) =	sbr.abs _section_cstart, $3  }
0xc2: {  	[dreg:$0x1] =	wrdreg $0xFFFFFFFF  }
0xc3: {  	_ =	task.clear_ibuf [dreg:s8], $0x2FFFF;
	_ =	strace $0x9FFFFFFF  }
0xc4: {  	(tm) =	ssettm $0x7FFFFFFF  }
0xc5: {  	_ =	shalt  }
tec
execute0_lowered:
.L_overlay_start_1:
0x0: {  	(tag) =	ssettag $0x1  }
0x1: {  	s5 =	rddreg [dreg:$0x0];
	s1 =	srdreg.scid  }
0x2: {  	s0 =	stileid.u32;
	s2 =	rddreg [dreg:$0x1]  }
0x3: {  	s3 =	rddreg [dreg:$0x2];
	s4 =	simm.s32 $0x0;
	s9 =	simm.s32 $0x3  }
0x4: {  	s10 =	simm.s32 $0x80;
	s11 =	simm.s32 $0x1C00;
	s12 =	simm.s32 $0x5C00  }
0x5: {  	s13 =	simm.s32 $0x9C00;
	s14 =	simm.s32 $0x1;
	s15 =	simm.s32 $0xDC00  }
0x6: {  	s16 =	simm.s32 $0x11C00;
	s6 =	sand.u32 $0x1, s1;
	s30 =	sshll.u32 s0, $0x1  }
0x7: {  	s17 =	simm.s32 $0x2;
	s18 =	simm.s32 $0x0;
	s7 =	sor.u32 s6, s30  }
0x8: {  	[smem:$0x7FF] =	sst s4;
	s6 =	ssub.s32 $0x2, s6;
	s8 =	smul.u32 $0x380, s7  }
0x9: {  	s1 =	rddreg [dreg:$0x3];
	_ =	strace $0x80000047;
	s31 =	sshrl.u32 s6, $0x1  }
0xa: {  	s5 =	sadd.s32 s8, s5;
	s8 =	ssub.s32 s6, s31;
	s6 =	sshll.u32 s7, $0xE  }
0xb: {  	s5 =	sadd.s32 $0x400, s5;
	s7 =	sor.u32 $0x80000, s6;
	s8 =	smax.u32 s8, $0x1  }
.LBB2_1:
0xc: {  	[tilespmem:s4], [sflag:$0x3] =	stream.linear.gather [hbm4b:s5+s4], $0x1900, $0x38;
	[tilespmem:$0x15C00] =	vst v63  }
0xd: {  	_ =	swait.ge [sflag:s9], $0x1900  }
0xe: {  	[sflag:s9] =	ssyncset.done $0x0  }
0xf: {  	[sflag:s9] =	ssyncadd.s32 $0xFFFFE700  }
0x10: {  	[tilespmem:s11], [sflag:$0x1] =	stream.indirect.gather [hbm4b:s2+s10], $0x80, s4, s10, $0xb8;
	[tilespmem:$0x15C00] =	vst v63  }
0x11: {  	s19 =	simm.s32 $0x0  }
0x12: {  	[tilespmem:s12], [sflag:$0x1] =	stream.indirect.gather [hbm4b:s2+s10], $0x80, s10, s10, $0xb8;
	[tilespmem:$0x15C00] =	vst v63  }
.LBB2_2:
0x13: {  	s21 =	smul.u32 $0x5, s19;
	p0 =	seq.s32 s19, $0x0  }
0x14: {  	s20 =	simm.s32 @!p0 $0x2  }
0x15: {  	_ =	swait.ge @!p0 [sflag:s20], $0x4000;
	s22 =	sadd.s32 $0x2, s21  }
0x16: {  	[sflag:s20] =	ssyncset.done @!p0 $0x0;
	s23 =	sshll.u32 s22, $0x7  }
0x17: {  	[sflag:s20] =	ssyncadd.s32 @!p0 $0xFFFFC000;
	s31 =	sand.u32 $0x3FFFFF80, s23  }
0x18: {  	[tilespmem:s13], [sflag:$0x1] =	stream.indirect.gather [hbm4b:s2+s10], $0x80, s31, s10, $0xb8;
	[tilespmem:$0x15C00] =	vst v63  }
0x19: {  	_ =	swait.ge [sflag:s14], $0x4000  }
0x1a: {  	[sflag:s14] =	ssyncset.done $0x0  }
0x1b: {  	s20 =	simm.s32 $0x0;
	[sflag:s14] =	ssyncadd.s32 $0xFFFFC000  }
0x1c: {  	v0 =	vld [tilespmem:s20+$0x1C00]  }
0x1d: {  	v1 =	vld [tilespmem:s20+$0x1C10]  }
0x1e: {  	v2 =	vld [tilespmem:s20+$0x1C20]  }
0x1f: {  	v3 =	vld [tilespmem:s20+$0x1C30]  }
0x20: {  	v4 =	vld [tilespmem:s20+$0x1C40]  }
0x21: {  	v5 =	vld [tilespmem:s20+$0x1C50];
	v0 =	vmul.f32 $1.131370830e+01, v0  }
0x22: {  	v6 =	vld [tilespmem:s20+$0x1C60];
	v1 =	vmul.f32 $1.131370830e+01, v1  }
0x23: {  	v7 =	vld [tilespmem:s20+$0x1C70];
	[tilespmem:s20+$0x1C00] =	vst v0;
	v0 =	vmul.f32 $1.131370830e+01, v2  }
0x24: {  	v8 =	vld [tilespmem:s20+$0x1C80];
	[tilespmem:s20+$0x1C10] =	vst v1;
	v1 =	vmul.f32 $1.131370830e+01, v3  }
0x25: {  	v9 =	vld [tilespmem:s20+$0x1C90];
	[tilespmem:s20+$0x1C20] =	vst v0;
	v0 =	vmul.f32 $1.131370830e+01, v4  }
0x26: {  	v2 =	vmul.f32 $1.131370830e+01, v5;
	[tilespmem:s20+$0x1C30] =	vst v1;
	v1 =	vld [tilespmem:s20+$0x1CA0]  }
0x27: {  	v3 =	vmul.f32 $1.131370830e+01, v6;
	[tilespmem:s20+$0x1C40] =	vst v0;
	v0 =	vld [tilespmem:s20+$0x1CB0]  }
0x28: {  	[tilespmem:s20+$0x1C50] =	vst v2;
	v2 =	vld [tilespmem:s20+$0x1CC0];
	v4 =	vmul.f32 $1.131370830e+01, v7  }
0x29: {  	v6 =	vmul.f32 $1.131370830e+01, v8;
	[tilespmem:s20+$0x1C60] =	vst v3;
	v3 =	vld [tilespmem:s20+$0x1CD0]  }
0x2a: {  	s23 =	simm.s32 $0x400;
	v5 =	vmul.f32 $1.131370830e+01, v9;
	[tilespmem:s20+$0x1C70] =	vst v4;
	v4 =	vld [tilespmem:s20+$0x1CE0]  }
.LBB2_3:
0x2b: {  	s24 =	sshra.s32 s23, $0x2;
	p1 =	sne.s32 s23, $0xFC00;
	[tilespmem:s20+$0x1C80] =	vst v6;
	v1 =	vmul.f32 $1.131370830e+01, v1;
	v6 =	vld [tilespmem:s20+$0x1CF0]  }
0x2c: {  	v7 =	vld [tilespmem:s24+$0x1C00];
	[tilespmem:s20+$0x1C90] =	vst v5;
	v0 =	vmul.f32 $1.131370830e+01, v0  }
0x2d: {  	v5 =	vld [tilespmem:s24+$0x1C10];
	[tilespmem:s20+$0x1CA0] =	vst v1;
	v1 =	vmul.f32 $1.131370830e+01, v2  }
0x2e: {  	v2 =	vld [tilespmem:s24+$0x1C20];
	[tilespmem:s20+$0x1CB0] =	vst v0;
	v0 =	vmul.f32 $1.131370830e+01, v3  }
0x2f: {  	v3 =	vld [tilespmem:s24+$0x1C30];
	[tilespmem:s20+$0x1CC0] =	vst v1;
	v1 =	vmul.f32 $1.131370830e+01, v4  }
0x30: {  	v4 =	vld [tilespmem:s24+$0x1C40];
	[tilespmem:s20+$0x1CD0] =	vst v0;
	v0 =	vmul.f32 $1.131370830e+01, v6  }
0x31: {  	v6 =	vmul.f32 $1.131370830e+01, v7;
	v7 =	vld [tilespmem:s24+$0x1C50];
	[tilespmem:s20+$0x1CE0] =	vst v1  }
0x32: {  	v1 =	vmul.f32 $1.131370830e+01, v5;
	v5 =	vld [tilespmem:s24+$0x1C60];
	[tilespmem:s20+$0x1CF0] =	vst v0;
	s20 =	smov.u32 s24  }
0x33: {  	[tilespmem:s20+$0x1C00] =	vst v6;
	v0 =	vmul.f32 $1.131370830e+01, v2;
	v2 =	vld [tilespmem:s20+$0x1C70]  }
0x34: {  	[tilespmem:s20+$0x1C10] =	vst v1;
	v1 =	vmul.f32 $1.131370830e+01, v3;
	v3 =	vld [tilespmem:s20+$0x1C80]  }
0x35: {  	[tilespmem:s20+$0x1C20] =	vst v0;
	v0 =	vmul.f32 $1.131370830e+01, v4;
	v4 =	vld [tilespmem:s20+$0x1C90]  }
.Ltmp0:
0x36: {  	[tilespmem:s20+$0x1C30] =	vst v1;
	v6 =	vmul.f32 $1.131370830e+01, v7;
	v1 =	vld [tilespmem:s20+$0x1CA0];
	(pc) =	sbr.rel @p1 .LBB2_3-.Ltmp0, $4  }
0x37: {  	[tilespmem:s20+$0x1C40] =	vst v0;
	v5 =	vmul.f32 $1.131370830e+01, v5;
	v0 =	vld [tilespmem:s20+$0x1CB0]  }
0x38: {  	[tilespmem:s20+$0x1C50] =	vst v6;
	v7 =	vmul.f32 $1.131370830e+01, v2;
	v2 =	vld [tilespmem:s20+$0x1CC0]  }
0x39: {  	[tilespmem:s20+$0x1C60] =	vst v5;
	v6 =	vmul.f32 $1.131370830e+01, v3;
	v3 =	vld [tilespmem:s20+$0x1CD0]  }
0x3a: {  	s23 =	sadd.s32 $0x400, s23;
	[tilespmem:s20+$0x1C70] =	vst v7;
	v5 =	vmul.f32 $1.131370830e+01, v4;
	v4 =	vld [tilespmem:s20+$0x1CE0]  }
0x3b: {  	[tilespmem:s20+$0x1C80] =	vst v6;
	v1 =	vmul.f32 $1.131370830e+01, v1;
	v6 =	vld [tilespmem:s20+$0x1CF0]  }
0x3c: {  	[tilespmem:s20+$0x1C90] =	vst v5;
	v0 =	vmul.f32 $1.131370830e+01, v0  }
0x3d: {  	[tilespmem:s20+$0x1CA0] =	vst v1;
	v1 =	vmul.f32 $1.131370830e+01, v2  }
0x3e: {  	s23 =	smul.u32 $0x280000, s19;
	[tilespmem:s20+$0x1CB0] =	vst v0;
	v0 =	vmul.f32 $1.131370830e+01, v3  }
0x3f: {  	[tilespmem:s20+$0x1CC0] =	vst v1;
	v1 =	vmul.f32 $1.131370830e+01, v4  }
0x40: {  	s24 =	sor.u32 s6, s23;
	[tilespmem:s20+$0x1CD0] =	vst v0;
	v0 =	vmul.f32 $1.131370830e+01, v6  }
0x41: {  	s24 =	sshrl.u32 s24, $0x3;
	[tilespmem:s20+$0x1CE0] =	vst v1  }
0x42: {  	s30 =	sadd.s32 s3, s24;
	s24 =	simm.s32 @!p0 $0x2;
	[tilespmem:s20+$0x1CF0] =	vst v0  }
0x43: {  	[hbm4b:s30+s4] =	stream.linear.scatter [tilespmem:s11], [sflag:$0x2], $0x4000, $0x38;
	[tilespmem:$0x15C00] =	vst v63  }
0x44: {  	s20 =	sadd.s32 $0x3, s21;
	_ =	swait.ge @!p0 [sflag:s24], $0x4000  }
0x45: {  	s25 =	sshll.u32 s20, $0x7;
	[sflag:s24] =	ssyncset.done @!p0 $0x0  }
0x46: {  	s31 =	sand.u32 $0x3FFFFF80, s25;
	[sflag:s24] =	ssyncadd.s32 @!p0 $0xFFFFC000  }
0x47: {  	[tilespmem:s15], [sflag:$0x1] =	stream.indirect.gather [hbm4b:s2+s10], $0x80, s31, s10, $0xb8;
	[tilespmem:$0x15C00] =	vst v63  }
0x48: {  	_ =	swait.ge [sflag:s14], $0x4000  }
0x49: {  	[sflag:s14] =	ssyncset.done $0x0  }
0x4a: {  	s24 =	simm.s32 $0x0;
	[sflag:s14] =	ssyncadd.s32 $0xFFFFC000  }
0x4b: {  	v0 =	vld [tilespmem:s24+$0x5C00]  }
0x4c: {  	v1 =	vld [tilespmem:s24+$0x5C10]  }
0x4d: {  	v2 =	vld [tilespmem:s24+$0x5C20]  }
0x4e: {  	v3 =	vld [tilespmem:s24+$0x5C30]  }
0x4f: {  	v4 =	vld [tilespmem:s24+$0x5C40]  }
0x50: {  	v5 =	vld [tilespmem:s24+$0x5C50];
	v0 =	vmul.f32 $1.131370830e+01, v0  }
0x51: {  	v6 =	vld [tilespmem:s24+$0x5C60];
	v1 =	vmul.f32 $1.131370830e+01, v1  }
0x52: {  	v7 =	vld [tilespmem:s24+$0x5C70];
	[tilespmem:s24+$0x5C00] =	vst v0;
	v0 =	vmul.f32 $1.131370830e+01, v2  }
0x53: {  	v8 =	vld [tilespmem:s24+$0x5C80];
	[tilespmem:s24+$0x5C10] =	vst v1;
	v1 =	vmul.f32 $1.131370830e+01, v3  }
0x54: {  	v9 =	vld [tilespmem:s24+$0x5C90];
	[tilespmem:s24+$0x5C20] =	vst v0;
	v0 =	vmul.f32 $1.131370830e+01, v4  }
0x55: {  	v2 =	vmul.f32 $1.131370830e+01, v5;
	[tilespmem:s24+$0x5C30] =	vst v1;
	v1 =	vld [tilespmem:s24+$0x5CA0]  }
0x56: {  	v3 =	vmul.f32 $1.131370830e+01, v6;
	[tilespmem:s24+$0x5C40] =	vst v0;
	v0 =	vld [tilespmem:s24+$0x5CB0]  }
0x57: {  	[tilespmem:s24+$0x5C50] =	vst v2;
	v2 =	vld [tilespmem:s24+$0x5CC0];
	v4 =	vmul.f32 $1.131370830e+01, v7  }
0x58: {  	v6 =	vmul.f32 $1.131370830e+01, v8;
	[tilespmem:s24+$0x5C60] =	vst v3;
	v3 =	vld [tilespmem:s24+$0x5CD0]  }
0x59: {  	s25 =	simm.s32 $0x400;
	v5 =	vmul.f32 $1.131370830e+01, v9;
	[tilespmem:s24+$0x5C70] =	vst v4;
	v4 =	vld [tilespmem:s24+$0x5CE0]  }
.LBB2_5:
0x5a: {  	s26 =	sshra.s32 s25, $0x2;
	p1 =	sne.s32 s25, $0xFC00;
	[tilespmem:s24+$0x5C80] =	vst v6;
	v1 =	vmul.f32 $1.131370830e+01, v1;
	v6 =	vld [tilespmem:s24+$0x5CF0]  }
0x5b: {  	v7 =	vld [tilespmem:s26+$0x5C00];
	[tilespmem:s24+$0x5C90] =	vst v5;
	v0 =	vmul.f32 $1.131370830e+01, v0  }
0x5c: {  	v5 =	vld [tilespmem:s26+$0x5C10];
	[tilespmem:s24+$0x5CA0] =	vst v1;
	v1 =	vmul.f32 $1.131370830e+01, v2  }
0x5d: {  	v2 =	vld [tilespmem:s26+$0x5C20];
	[tilespmem:s24+$0x5CB0] =	vst v0;
	v0 =	vmul.f32 $1.131370830e+01, v3  }
0x5e: {  	v3 =	vld [tilespmem:s26+$0x5C30];
	[tilespmem:s24+$0x5CC0] =	vst v1;
	v1 =	vmul.f32 $1.131370830e+01, v4  }
0x5f: {  	v4 =	vld [tilespmem:s26+$0x5C40];
	[tilespmem:s24+$0x5CD0] =	vst v0;
	v0 =	vmul.f32 $1.131370830e+01, v6  }
0x60: {  	v6 =	vmul.f32 $1.131370830e+01, v7;
	v7 =	vld [tilespmem:s26+$0x5C50];
	[tilespmem:s24+$0x5CE0] =	vst v1  }
0x61: {  	v1 =	vmul.f32 $1.131370830e+01, v5;
	v5 =	vld [tilespmem:s26+$0x5C60];
	[tilespmem:s24+$0x5CF0] =	vst v0;
	s24 =	smov.u32 s26  }
0x62: {  	[tilespmem:s24+$0x5C00] =	vst v6;
	v0 =	vmul.f32 $1.131370830e+01, v2;
	v2 =	vld [tilespmem:s24+$0x5C70]  }
0x63: {  	[tilespmem:s24+$0x5C10] =	vst v1;
	v1 =	vmul.f32 $1.131370830e+01, v3;
	v3 =	vld [tilespmem:s24+$0x5C80]  }
0x64: {  	[tilespmem:s24+$0x5C20] =	vst v0;
	v0 =	vmul.f32 $1.131370830e+01, v4;
	v4 =	vld [tilespmem:s24+$0x5C90]  }
.Ltmp1:
0x65: {  	[tilespmem:s24+$0x5C30] =	vst v1;
	v6 =	vmul.f32 $1.131370830e+01, v7;
	v1 =	vld [tilespmem:s24+$0x5CA0];
	(pc) =	sbr.rel @p1 .LBB2_5-.Ltmp1, $4  }
0x66: {  	[tilespmem:s24+$0x5C40] =	vst v0;
	v5 =	vmul.f32 $1.131370830e+01, v5;
	v0 =	vld [tilespmem:s24+$0x5CB0]  }
0x67: {  	[tilespmem:s24+$0x5C50] =	vst v6;
	v7 =	vmul.f32 $1.131370830e+01, v2;
	v2 =	vld [tilespmem:s24+$0x5CC0]  }
0x68: {  	[tilespmem:s24+$0x5C60] =	vst v5;
	v6 =	vmul.f32 $1.131370830e+01, v3;
	v3 =	vld [tilespmem:s24+$0x5CD0]  }
0x69: {  	s25 =	sadd.s32 $0x400, s25;
	[tilespmem:s24+$0x5C70] =	vst v7;
	v5 =	vmul.f32 $1.131370830e+01, v4;
	v4 =	vld [tilespmem:s24+$0x5CE0]  }
0x6a: {  	[tilespmem:s24+$0x5C80] =	vst v6;
	v1 =	vmul.f32 $1.131370830e+01, v1;
	v6 =	vld [tilespmem:s24+$0x5CF0]  }
0x6b: {  	[tilespmem:s24+$0x5C90] =	vst v5;
	v0 =	vmul.f32 $1.131370830e+01, v0  }
0x6c: {  	[tilespmem:s24+$0x5CA0] =	vst v1;
	v1 =	vmul.f32 $1.131370830e+01, v2  }
0x6d: {  	[tilespmem:s24+$0x5CB0] =	vst v0;
	v0 =	vmul.f32 $1.131370830e+01, v3  }
0x6e: {  	[tilespmem:s24+$0x5CC0] =	vst v1;
	v1 =	vmul.f32 $1.131370830e+01, v4  }
0x6f: {  	s23 =	sadd.s32 s7, s23;
	[tilespmem:s24+$0x5CD0] =	vst v0;
	v0 =	vmul.f32 $1.131370830e+01, v6  }
0x70: {  	s23 =	sshrl.u32 s23, $0x3;
	[tilespmem:s24+$0x5CE0] =	vst v1  }
0x71: {  	s23 =	sadd.s32 s3, s23;
	[tilespmem:s24+$0x5CF0] =	vst v0  }
0x72: {  	[hbm4b:s23+s4] =	stream.linear.scatter [tilespmem:s12], [sflag:$0x2], $0x4000, $0x38;
	[tilespmem:$0x15C00] =	vst v63  }
0x73: {  	s23 =	simm.s32 @!p0 $0x2  }
0x74: {  	s21 =	sadd.s32 $0x4, s21;
	_ =	swait.ge @!p0 [sflag:s23], $0x4000  }
0x75: {  	s30 =	sshll.u32 s21, $0x7;
	[sflag:s23] =	ssyncset.done @!p0 $0x0  }
0x76: {  	s31 =	sand.u32 $0x3FFFFF80, s30;
	[sflag:s23] =	ssyncadd.s32 @!p0 $0xFFFFC000  }
0x77: {  	[tilespmem:s16], [sflag:$0x1] =	stream.indirect.gather [hbm4b:s2+s10], $0x80, s31, s10, $0xb8;
	[tilespmem:$0x15C00] =	vst v63  }
0x78: {  	_ =	swait.ge [sflag:s14], $0x4000  }
0x79: {  	[sflag:s14] =	ssyncset.done $0x0  }
0x7a: {  	s23 =	simm.s32 $0x0;
	[sflag:s14] =	ssyncadd.s32 $0xFFFFC000  }
0x7b: {  	v0 =	vld [tilespmem:s23+$0x9C00]  }
0x7c: {  	v1 =	vld [tilespmem:s23+$0x9C10]  }
0x7d: {  	v2 =	vld [tilespmem:s23+$0x9C20]  }
0x7e: {  	v3 =	vld [tilespmem:s23+$0x9C30]  }
0x7f: {  	v4 =	vld [tilespmem:s23+$0x9C40]  }
0x80: {  	v5 =	vld [tilespmem:s23+$0x9C50];
	v0 =	vmul.f32 $1.131370830e+01, v0  }
0x81: {  	v6 =	vld [tilespmem:s23+$0x9C60];
	v1 =	vmul.f32 $1.131370830e+01, v1  }
0x82: {  	v7 =	vld [tilespmem:s23+$0x9C70];
	[tilespmem:s23+$0x9C00] =	vst v0;
	v0 =	vmul.f32 $1.131370830e+01, v2  }
0x83: {  	v8 =	vld [tilespmem:s23+$0x9C80];
	[tilespmem:s23+$0x9C10] =	vst v1;
	v1 =	vmul.f32 $1.131370830e+01, v3  }
0x84: {  	v9 =	vld [tilespmem:s23+$0x9C90];
	[tilespmem:s23+$0x9C20] =	vst v0;
	v0 =	vmul.f32 $1.131370830e+01, v4  }
0x85: {  	v2 =	vmul.f32 $1.131370830e+01, v5;
	[tilespmem:s23+$0x9C30] =	vst v1;
	v1 =	vld [tilespmem:s23+$0x9CA0]  }
0x86: {  	v3 =	vmul.f32 $1.131370830e+01, v6;
	[tilespmem:s23+$0x9C40] =	vst v0;
	v0 =	vld [tilespmem:s23+$0x9CB0]  }
0x87: {  	[tilespmem:s23+$0x9C50] =	vst v2;
	v2 =	vld [tilespmem:s23+$0x9CC0];
	v4 =	vmul.f32 $1.131370830e+01, v7  }
0x88: {  	v6 =	vmul.f32 $1.131370830e+01, v8;
	[tilespmem:s23+$0x9C60] =	vst v3;
	v3 =	vld [tilespmem:s23+$0x9CD0]  }
0x89: {  	s24 =	simm.s32 $0x400;
	v5 =	vmul.f32 $1.131370830e+01, v9;
	[tilespmem:s23+$0x9C70] =	vst v4;
	v4 =	vld [tilespmem:s23+$0x9CE0]  }
.LBB2_7:
0x8a: {  	s25 =	sshra.s32 s24, $0x2;
	p0 =	sne.s32 s24, $0xFC00;
	[tilespmem:s23+$0x9C80] =	vst v6;
	v1 =	vmul.f32 $1.131370830e+01, v1;
	v6 =	vld [tilespmem:s23+$0x9CF0]  }
0x8b: {  	v7 =	vld [tilespmem:s25+$0x9C00];
	[tilespmem:s23+$0x9C90] =	vst v5;
	v0 =	vmul.f32 $1.131370830e+01, v0  }
0x8c: {  	v5 =	vld [tilespmem:s25+$0x9C10];
	[tilespmem:s23+$0x9CA0] =	vst v1;
	v1 =	vmul.f32 $1.131370830e+01, v2  }
0x8d: {  	v2 =	vld [tilespmem:s25+$0x9C20];
	[tilespmem:s23+$0x9CB0] =	vst v0;
	v0 =	vmul.f32 $1.131370830e+01, v3  }
0x8e: {  	v3 =	vld [tilespmem:s25+$0x9C30];
	[tilespmem:s23+$0x9CC0] =	vst v1;
	v1 =	vmul.f32 $1.131370830e+01, v4  }
0x8f: {  	v4 =	vld [tilespmem:s25+$0x9C40];
	[tilespmem:s23+$0x9CD0] =	vst v0;
	v0 =	vmul.f32 $1.131370830e+01, v6  }
0x90: {  	v6 =	vmul.f32 $1.131370830e+01, v7;
	v7 =	vld [tilespmem:s25+$0x9C50];
	[tilespmem:s23+$0x9CE0] =	vst v1  }
0x91: {  	v1 =	vmul.f32 $1.131370830e+01, v5;
	v5 =	vld [tilespmem:s25+$0x9C60];
	[tilespmem:s23+$0x9CF0] =	vst v0;
	s23 =	smov.u32 s25  }
0x92: {  	[tilespmem:s23+$0x9C00] =	vst v6;
	v0 =	vmul.f32 $1.131370830e+01, v2;
	v2 =	vld [tilespmem:s23+$0x9C70]  }
0x93: {  	[tilespmem:s23+$0x9C10] =	vst v1;
	v1 =	vmul.f32 $1.131370830e+01, v3;
	v3 =	vld [tilespmem:s23+$0x9C80]  }
0x94: {  	[tilespmem:s23+$0x9C20] =	vst v0;
	v0 =	vmul.f32 $1.131370830e+01, v4;
	v4 =	vld [tilespmem:s23+$0x9C90]  }
.Ltmp2:
0x95: {  	[tilespmem:s23+$0x9C30] =	vst v1;
	v6 =	vmul.f32 $1.131370830e+01, v7;
	v1 =	vld [tilespmem:s23+$0x9CA0];
	(pc) =	sbr.rel @p0 .LBB2_7-.Ltmp2, $4  }
0x96: {  	[tilespmem:s23+$0x9C40] =	vst v0;
	v5 =	vmul.f32 $1.131370830e+01, v5;
	v0 =	vld [tilespmem:s23+$0x9CB0]  }
0x97: {  	[tilespmem:s23+$0x9C50] =	vst v6;
	v7 =	vmul.f32 $1.131370830e+01, v2;
	v2 =	vld [tilespmem:s23+$0x9CC0]  }
0x98: {  	[tilespmem:s23+$0x9C60] =	vst v5;
	v6 =	vmul.f32 $1.131370830e+01, v3;
	v3 =	vld [tilespmem:s23+$0x9CD0]  }
0x99: {  	s24 =	sadd.s32 $0x400, s24;
	[tilespmem:s23+$0x9C70] =	vst v7;
	v5 =	vmul.f32 $1.131370830e+01, v4;
	v4 =	vld [tilespmem:s23+$0x9CE0]  }
0x9a: {  	[tilespmem:s23+$0x9C80] =	vst v6;
	v1 =	vmul.f32 $1.131370830e+01, v1;
	v6 =	vld [tilespmem:s23+$0x9CF0]  }
0x9b: {  	[tilespmem:s23+$0x9C90] =	vst v5;
	v0 =	vmul.f32 $1.131370830e+01, v0  }
0x9c: {  	[tilespmem:s23+$0x9CA0] =	vst v1;
	v1 =	vmul.f32 $1.131370830e+01, v2  }
0x9d: {  	[tilespmem:s23+$0x9CB0] =	vst v0;
	v0 =	vmul.f32 $1.131370830e+01, v3  }
0x9e: {  	s22 =	sshll.u32 s22, $0x13;
	[tilespmem:s23+$0x9CC0] =	vst v1;
	v1 =	vmul.f32 $1.131370830e+01, v4  }
0x9f: {  	s22 =	sor.u32 s6, s22;
	[tilespmem:s23+$0x9CD0] =	vst v0;
	v0 =	vmul.f32 $1.131370830e+01, v6  }
0xa0: {  	s22 =	sshrl.u32 s22, $0x3;
	[tilespmem:s23+$0x9CE0] =	vst v1  }
0xa1: {  	p0 =	seq.s32 s19, $0x9;
	s22 =	sadd.s32 s3, s22;
	[tilespmem:s23+$0x9CF0] =	vst v0  }
0xa2: {  	[hbm4b:s22+s4] =	stream.linear.scatter [tilespmem:s13], [sflag:$0x2], $0x4000, $0x38;
	[tilespmem:$0x15C00] =	vst v63  }
0xa3: {  	s22 =	smul.u32 @!p0 $0xA00, s19  }
0xa4: {  	_ =	swait.ge [sflag:s17], $0x4000  }
0xa5: {  	s24 =	simm.s32 @!p0 $0x80;
	[sflag:s17] =	ssyncset.done $0x0;
	s22 =	sshra.s32 @!p0 s22, $0x2  }
0xa6: {  	s25 =	simm.s32 @!p0 $0x1C00;
	[sflag:s17] =	ssyncadd.s32 $0xFFFFC000;
	s23 =	sadd.s32 @!p0 $0x280, s22  }
0xa7: {  	[tilespmem:s25], [sflag:$0x1] =	stream.indirect.gather @!p0 [hbm4b:s2+s24], $0x80, s23, s24, $0xb8;
	[tilespmem:$0x15C00] =	vst v63  }
0xa8: {  	_ =	swait.ge [sflag:s14], $0x4000  }
0xa9: {  	[sflag:s14] =	ssyncset.done $0x0  }
0xaa: {  	s23 =	simm.s32 $0x0;
	[sflag:s14] =	ssyncadd.s32 $0xFFFFC000  }
0xab: {  	v0 =	vld [tilespmem:s23+$0xDC00]  }
0xac: {  	v1 =	vld [tilespmem:s23+$0xDC10]  }
0xad: {  	v2 =	vld [tilespmem:s23+$0xDC20]  }
0xae: {  	v3 =	vld [tilespmem:s23+$0xDC30]  }
0xaf: {  	v4 =	vld [tilespmem:s23+$0xDC40]  }
0xb0: {  	v5 =	vld [tilespmem:s23+$0xDC50];
	v0 =	vmul.f32 $1.131370830e+01, v0  }
0xb1: {  	v6 =	vld [tilespmem:s23+$0xDC60];
	v1 =	vmul.f32 $1.131370830e+01, v1  }
0xb2: {  	v7 =	vld [tilespmem:s23+$0xDC70];
	[tilespmem:s23+$0xDC00] =	vst v0;
	v0 =	vmul.f32 $1.131370830e+01, v2  }
0xb3: {  	v8 =	vld [tilespmem:s23+$0xDC80];
	[tilespmem:s23+$0xDC10] =	vst v1;
	v1 =	vmul.f32 $1.131370830e+01, v3  }
0xb4: {  	v9 =	vld [tilespmem:s23+$0xDC90];
	[tilespmem:s23+$0xDC20] =	vst v0;
	v0 =	vmul.f32 $1.131370830e+01, v4  }
0xb5: {  	v2 =	vmul.f32 $1.131370830e+01, v5;
	[tilespmem:s23+$0xDC30] =	vst v1;
	v1 =	vld [tilespmem:s23+$0xDCA0]  }
0xb6: {  	v3 =	vmul.f32 $1.131370830e+01, v6;
	[tilespmem:s23+$0xDC40] =	vst v0;
	v0 =	vld [tilespmem:s23+$0xDCB0]  }
0xb7: {  	[tilespmem:s23+$0xDC50] =	vst v2;
	v2 =	vld [tilespmem:s23+$0xDCC0];
	v4 =	vmul.f32 $1.131370830e+01, v7  }
0xb8: {  	v6 =	vmul.f32 $1.131370830e+01, v8;
	[tilespmem:s23+$0xDC60] =	vst v3;
	v3 =	vld [tilespmem:s23+$0xDCD0]  }
0xb9: {  	s24 =	simm.s32 $0x400;
	v5 =	vmul.f32 $1.131370830e+01, v9;
	[tilespmem:s23+$0xDC70] =	vst v4;
	v4 =	vld [tilespmem:s23+$0xDCE0]  }
.LBB2_9:
0xba: {  	s25 =	sshra.s32 s24, $0x2;
	p1 =	sne.s32 s24, $0xFC00;
	[tilespmem:s23+$0xDC80] =	vst v6;
	v1 =	vmul.f32 $1.131370830e+01, v1;
	v6 =	vld [tilespmem:s23+$0xDCF0]  }
0xbb: {  	v7 =	vld [tilespmem:s25+$0xDC00];
	[tilespmem:s23+$0xDC90] =	vst v5;
	v0 =	vmul.f32 $1.131370830e+01, v0  }
0xbc: {  	v5 =	vld [tilespmem:s25+$0xDC10];
	[tilespmem:s23+$0xDCA0] =	vst v1;
	v1 =	vmul.f32 $1.131370830e+01, v2  }
0xbd: {  	v2 =	vld [tilespmem:s25+$0xDC20];
	[tilespmem:s23+$0xDCB0] =	vst v0;
	v0 =	vmul.f32 $1.131370830e+01, v3  }
0xbe: {  	v3 =	vld [tilespmem:s25+$0xDC30];
	[tilespmem:s23+$0xDCC0] =	vst v1;
	v1 =	vmul.f32 $1.131370830e+01, v4  }
0xbf: {  	v4 =	vld [tilespmem:s25+$0xDC40];
	[tilespmem:s23+$0xDCD0] =	vst v0;
	v0 =	vmul.f32 $1.131370830e+01, v6  }
0xc0: {  	v6 =	vmul.f32 $1.131370830e+01, v7;
	v7 =	vld [tilespmem:s25+$0xDC50];
	[tilespmem:s23+$0xDCE0] =	vst v1  }
0xc1: {  	v1 =	vmul.f32 $1.131370830e+01, v5;
	v5 =	vld [tilespmem:s25+$0xDC60];
	[tilespmem:s23+$0xDCF0] =	vst v0;
	s23 =	smov.u32 s25  }
0xc2: {  	[tilespmem:s23+$0xDC00] =	vst v6;
	v0 =	vmul.f32 $1.131370830e+01, v2;
	v2 =	vld [tilespmem:s23+$0xDC70]  }
0xc3: {  	[tilespmem:s23+$0xDC10] =	vst v1;
	v1 =	vmul.f32 $1.131370830e+01, v3;
	v3 =	vld [tilespmem:s23+$0xDC80]  }
0xc4: {  	[tilespmem:s23+$0xDC20] =	vst v0;
	v0 =	vmul.f32 $1.131370830e+01, v4;
	v4 =	vld [tilespmem:s23+$0xDC90]  }
.Ltmp3:
0xc5: {  	[tilespmem:s23+$0xDC30] =	vst v1;
	v6 =	vmul.f32 $1.131370830e+01, v7;
	v1 =	vld [tilespmem:s23+$0xDCA0];
	(pc) =	sbr.rel @p1 .LBB2_9-.Ltmp3, $4  }
0xc6: {  	[tilespmem:s23+$0xDC40] =	vst v0;
	v5 =	vmul.f32 $1.131370830e+01, v5;
	v0 =	vld [tilespmem:s23+$0xDCB0]  }
0xc7: {  	[tilespmem:s23+$0xDC50] =	vst v6;
	v7 =	vmul.f32 $1.131370830e+01, v2;
	v2 =	vld [tilespmem:s23+$0xDCC0]  }
0xc8: {  	[tilespmem:s23+$0xDC60] =	vst v5;
	v6 =	vmul.f32 $1.131370830e+01, v3;
	v3 =	vld [tilespmem:s23+$0xDCD0]  }
0xc9: {  	s24 =	sadd.s32 $0x400, s24;
	[tilespmem:s23+$0xDC70] =	vst v7;
	v5 =	vmul.f32 $1.131370830e+01, v4;
	v4 =	vld [tilespmem:s23+$0xDCE0]  }
0xca: {  	[tilespmem:s23+$0xDC80] =	vst v6;
	v1 =	vmul.f32 $1.131370830e+01, v1;
	v6 =	vld [tilespmem:s23+$0xDCF0]  }
0xcb: {  	[tilespmem:s23+$0xDC90] =	vst v5;
	v0 =	vmul.f32 $1.131370830e+01, v0  }
0xcc: {  	[tilespmem:s23+$0xDCA0] =	vst v1;
	v1 =	vmul.f32 $1.131370830e+01, v2  }
0xcd: {  	[tilespmem:s23+$0xDCB0] =	vst v0;
	v0 =	vmul.f32 $1.131370830e+01, v3  }
0xce: {  	s20 =	sshll.u32 s20, $0x13;
	[tilespmem:s23+$0xDCC0] =	vst v1;
	v1 =	vmul.f32 $1.131370830e+01, v4  }
0xcf: {  	s20 =	sor.u32 s6, s20;
	[tilespmem:s23+$0xDCD0] =	vst v0;
	v0 =	vmul.f32 $1.131370830e+01, v6  }
0xd0: {  	s20 =	sshrl.u32 s20, $0x3;
	[tilespmem:s23+$0xDCE0] =	vst v1  }
0xd1: {  	s20 =	sadd.s32 s3, s20;
	[tilespmem:s23+$0xDCF0] =	vst v0  }
0xd2: {  	[hbm4b:s20+s4] =	stream.linear.scatter [tilespmem:s15], [sflag:$0x2], $0x4000, $0x38;
	[tilespmem:$0x15C00] =	vst v63  }
0xd3: {  	_ =	swait.ge [sflag:s17], $0x4000  }
0xd4: {  	s23 =	simm.s32 @!p0 $0x5C00;
	[sflag:s17] =	ssyncset.done $0x0  }
0xd5: {  	s20 =	sadd.s32 @!p0 $0x300, s22;
	s22 =	simm.s32 @!p0 $0x80;
	[sflag:s17] =	ssyncadd.s32 $0xFFFFC000  }
0xd6: {  	[tilespmem:s23], [sflag:$0x1] =	stream.indirect.gather @!p0 [hbm4b:s2+s22], $0x80, s20, s22, $0xb8;
	[tilespmem:$0x15C00] =	vst v63  }
0xd7: {  	_ =	swait.ge [sflag:s14], $0x4000  }
0xd8: {  	[sflag:s14] =	ssyncset.done $0x0  }
0xd9: {  	s20 =	simm.s32 $0x0;
	[sflag:s14] =	ssyncadd.s32 $0xFFFFC000  }
0xda: {  	v0 =	vld [tilespmem:s20+$0x11C00]  }
0xdb: {  	v1 =	vld [tilespmem:s20+$0x11C10]  }
0xdc: {  	v2 =	vld [tilespmem:s20+$0x11C20]  }
0xdd: {  	v3 =	vld [tilespmem:s20+$0x11C30]  }
0xde: {  	v4 =	vld [tilespmem:s20+$0x11C40]  }
0xdf: {  	v5 =	vld [tilespmem:s20+$0x11C50];
	v0 =	vmul.f32 $1.131370830e+01, v0  }
0xe0: {  	v6 =	vld [tilespmem:s20+$0x11C60];
	v1 =	vmul.f32 $1.131370830e+01, v1  }
0xe1: {  	v7 =	vld [tilespmem:s20+$0x11C70];
	[tilespmem:s20+$0x11C00] =	vst v0;
	v0 =	vmul.f32 $1.131370830e+01, v2  }
0xe2: {  	v8 =	vld [tilespmem:s20+$0x11C80];
	[tilespmem:s20+$0x11C10] =	vst v1;
	v1 =	vmul.f32 $1.131370830e+01, v3  }
0xe3: {  	v9 =	vld [tilespmem:s20+$0x11C90];
	[tilespmem:s20+$0x11C20] =	vst v0;
	v0 =	vmul.f32 $1.131370830e+01, v4  }
0xe4: {  	v2 =	vmul.f32 $1.131370830e+01, v5;
	[tilespmem:s20+$0x11C30] =	vst v1;
	v1 =	vld [tilespmem:s20+$0x11CA0]  }
0xe5: {  	v3 =	vmul.f32 $1.131370830e+01, v6;
	[tilespmem:s20+$0x11C40] =	vst v0;
	v0 =	vld [tilespmem:s20+$0x11CB0]  }
0xe6: {  	[tilespmem:s20+$0x11C50] =	vst v2;
	v2 =	vld [tilespmem:s20+$0x11CC0];
	v4 =	vmul.f32 $1.131370830e+01, v7  }
0xe7: {  	v6 =	vmul.f32 $1.131370830e+01, v8;
	[tilespmem:s20+$0x11C60] =	vst v3;
	v3 =	vld [tilespmem:s20+$0x11CD0]  }
0xe8: {  	s22 =	simm.s32 $0x400;
	v5 =	vmul.f32 $1.131370830e+01, v9;
	[tilespmem:s20+$0x11C70] =	vst v4;
	v4 =	vld [tilespmem:s20+$0x11CE0]  }
.LBB2_11:
0xe9: {  	s23 =	sshra.s32 s22, $0x2;
	p0 =	sne.s32 s22, $0xFC00;
	[tilespmem:s20+$0x11C80] =	vst v6;
	v1 =	vmul.f32 $1.131370830e+01, v1;
	v6 =	vld [tilespmem:s20+$0x11CF0]  }
0xea: {  	v7 =	vld [tilespmem:s23+$0x11C00];
	[tilespmem:s20+$0x11C90] =	vst v5;
	v0 =	vmul.f32 $1.131370830e+01, v0  }
0xeb: {  	v5 =	vld [tilespmem:s23+$0x11C10];
	[tilespmem:s20+$0x11CA0] =	vst v1;
	v1 =	vmul.f32 $1.131370830e+01, v2  }
0xec: {  	v2 =	vld [tilespmem:s23+$0x11C20];
	[tilespmem:s20+$0x11CB0] =	vst v0;
	v0 =	vmul.f32 $1.131370830e+01, v3  }
0xed: {  	v3 =	vld [tilespmem:s23+$0x11C30];
	[tilespmem:s20+$0x11CC0] =	vst v1;
	v1 =	vmul.f32 $1.131370830e+01, v4  }
0xee: {  	v4 =	vld [tilespmem:s23+$0x11C40];
	[tilespmem:s20+$0x11CD0] =	vst v0;
	v0 =	vmul.f32 $1.131370830e+01, v6  }
0xef: {  	v6 =	vmul.f32 $1.131370830e+01, v7;
	v7 =	vld [tilespmem:s23+$0x11C50];
	[tilespmem:s20+$0x11CE0] =	vst v1  }
0xf0: {  	v1 =	vmul.f32 $1.131370830e+01, v5;
	v5 =	vld [tilespmem:s23+$0x11C60];
	[tilespmem:s20+$0x11CF0] =	vst v0;
	s20 =	smov.u32 s23  }
0xf1: {  	[tilespmem:s20+$0x11C00] =	vst v6;
	v0 =	vmul.f32 $1.131370830e+01, v2;
	v2 =	vld [tilespmem:s20+$0x11C70]  }
0xf2: {  	[tilespmem:s20+$0x11C10] =	vst v1;
	v1 =	vmul.f32 $1.131370830e+01, v3;
	v3 =	vld [tilespmem:s20+$0x11C80]  }
0xf3: {  	[tilespmem:s20+$0x11C20] =	vst v0;
	v0 =	vmul.f32 $1.131370830e+01, v4;
	v4 =	vld [tilespmem:s20+$0x11C90]  }
.Ltmp4:
0xf4: {  	[tilespmem:s20+$0x11C30] =	vst v1;
	v6 =	vmul.f32 $1.131370830e+01, v7;
	v1 =	vld [tilespmem:s20+$0x11CA0];
	(pc) =	sbr.rel @p0 .LBB2_11-.Ltmp4, $4  }
0xf5: {  	[tilespmem:s20+$0x11C40] =	vst v0;
	v5 =	vmul.f32 $1.131370830e+01, v5;
	v0 =	vld [tilespmem:s20+$0x11CB0]  }
0xf6: {  	[tilespmem:s20+$0x11C50] =	vst v6;
	v7 =	vmul.f32 $1.131370830e+01, v2;
	v2 =	vld [tilespmem:s20+$0x11CC0]  }
0xf7: {  	[tilespmem:s20+$0x11C60] =	vst v5;
	v6 =	vmul.f32 $1.131370830e+01, v3;
	v3 =	vld [tilespmem:s20+$0x11CD0]  }
0xf8: {  	s22 =	sadd.s32 $0x400, s22;
	[tilespmem:s20+$0x11C70] =	vst v7;
	v5 =	vmul.f32 $1.131370830e+01, v4;
	v4 =	vld [tilespmem:s20+$0x11CE0]  }
0xf9: {  	[tilespmem:s20+$0x11C80] =	vst v6;
	v1 =	vmul.f32 $1.131370830e+01, v1;
	v59 =	vld [tilespmem:s20+$0x11CF0]  }
0xfa: {  	[tilespmem:s20+$0x11C90] =	vst v5;
	v0 =	vmul.f32 $1.131370830e+01, v0  }
0xfb: {  	s19 =	sadd.s32 $0x1, s19;
	[tilespmem:s20+$0x11CA0] =	vst v1;
	v60 =	vmul.f32 $1.131370830e+01, v2  }
0xfc: {  	p0 =	sne.s32 s19, $0xA;
	[tilespmem:s20+$0x11CB0] =	vst v0;
	v61 =	vmul.f32 $1.131370830e+01, v3  }
.Ltmp5:
0xfd: {  	s21 =	sshll.u32 s21, $0x13;
	[tilespmem:s20+$0x11CC0] =	vst v60;
	v62 =	vmul.f32 $1.131370830e+01, v4;
	(pc) =	sbr.rel @p0 .LBB2_2-.Ltmp5, $4  }
0xfe: {  	s21 =	sor.u32 s6, s21;
	[tilespmem:s20+$0x11CD0] =	vst v61;
	v63 =	vmul.f32 $1.131370830e+01, v59  }
0xff: {  	s21 =	sshrl.u32 s21, $0x3;
	[tilespmem:s20+$0x11CE0] =	vst v62  }
0x100: {  	s31 =	sadd.s32 s3, s21;
	[tilespmem:s20+$0x11CF0] =	vst v63  }
0x101: {  	[hbm4b:s31+s4] =	stream.linear.scatter [tilespmem:s16], [sflag:$0x2], $0x4000, $0x38;
	[tilespmem:$0x15C00] =	vst v63  }
0x102: {  	_ =	swait.ge [sflag:s17], $0x4000  }
0x103: {  	[sflag:s17] =	ssyncset.done $0x0  }
0x104: {  	s18 =	sadd.s32 $0x1, s18;
	[sflag:s17] =	ssyncadd.s32 $0xFFFFC000  }
0x105: {  	p0 =	sne.s32 s18, s8;
	_ =	swait.ge [sflag:s17], $0x4000  }
.Ltmp6:
0x106: {  	[sflag:s17] =	ssyncset.done $0x0;
	(pc) =	sbr.rel @p0 .LBB2_1-.Ltmp6, $4  }
0x107: {  	[sflag:s17] =	ssyncadd.s32 $0xFFFFC000  }
0x108: {  	_ =	swait.ge [sflag:s17], $0x4000  }
0x109: {  	[sflag:s17] =	ssyncset.done $0x0  }
0x10a: {  	[sflag:s17] =	ssyncadd.s32 $0xFFFFC000  }
0x10b: {  	_ =	sfence.sel $0x180000  }
0x10c: {  	[bflag:$0x0] =	sbarrier.arrive $0xFFFF  }
0x10d: {  	p0 =	sne.s32 s0, $0x0;
	_ =	strace $0x90000047  }
0x10e: {  	s0 =	sadd.s32 @!p0 $0x100000, s1;
	[bflag:$0x2] =	sbarrier.arrive $0xFFFF  }
0x10f: {  	[sflag:s0] =	ssyncadd.tile.s32 @!p0 $0x1;
	_ =	shalt  }
.Lfunc_end2:
_tile_overlayer_lowered:
.L_overlay_start_2:
0x110: {  	(tag) =	ssettag $0x2  }
0x111: {  	s0 =	rddreg [dreg:$0x0];
	s2 =	stileid.u32  }
0x112: {  	s1 =	rddreg [dreg:$0x1];
	p0 =	sne.s32 s2, $0x0  }
0x113: {  	s3 =	rddreg [dreg:$0x2];
	[bflag:$0x3] =	sbarrier.arrive $0xFFFF;
	s2 =	simm.s32 @!p0 $0x1C03  }
0x114: {  	[timem:s3], [sflag:s2] =	dma.local @!p0 [hbm:s0], s1  }
0x115: {  	s0 =	simm.s32 @!p0 $0x3  }
0x116: {  	_ =	swait.ge @!p0 [sflag:s0], s1  }
0x117: {  	s1 =	ssub.s32 @!p0 $0x0, s1;
	[sflag:s0] =	ssyncset.done @!p0 $0x0  }
0x118: {  	[sflag:s0] =	ssyncadd.s32 @!p0 s1  }
0x119: {  	[bflag:$0x3] =	sbarrier.arrive $0xFFFF  }
0x11a: {  	_ =	shalt  }

</sc_bundles>
